<compile_context>
chip_gen: v7x
topology: tpu7x:2x2x1
jax: 0.10.2.dev20260603
libtpu: 0.0.44.dev20260713+nightly
codegen_flags: <defaults>
</compile_context>

<pallas_src>
import functools

import jax
import jax.numpy as jnp
from jax import lax
from jax.experimental import pallas as pl
from jax.experimental.pallas import tpu as pltpu
from jax.experimental.pallas import tpu_sc as plsc

_NUM_BINS = 256
_NC = 2
_NS = 16
_NW = _NC * _NS
_L = 16


def _make_hist_kernel(batch, chans, height, width, block_rows,
                      interpret=False):
  assert batch == _NW
  assert height % block_rows == 0 and width % _L == 0
  nchunk = height // block_rows
  chunk = block_rows * width
  vecs_per_row = width // _L
  stride = 2 * chans * _NUM_BINS
  lane_stride = stride + 1
  hist_words = _L * lane_stride

  mesh = plsc.VectorSubcoreMesh(core_axis_name="c", subcore_axis_name="s",
                                num_cores=_NC, num_subcores=_NS)

  @functools.partial(
      pl.kernel,
      out_type=jax.ShapeDtypeStruct((_NW, stride), jnp.float32),
      mesh=mesh,
      scratch_types=[
          pltpu.VMEM((block_rows, width), jnp.float32),
          pltpu.VMEM((block_rows, width), jnp.float32),
          pltpu.VMEM((hist_words,), jnp.float32),
          pltpu.VMEM((stride,), jnp.float32),
          pltpu.SemaphoreType.DMA,
          pltpu.SemaphoreType.DMA,
      ],
      compiler_params=pltpu.CompilerParams(needs_layout_passes=False),
      interpret=interpret,
  )
  def hist_kernel(img1_hbm, img2_hbm, out_hbm, buf0, buf1, hist, rsum,
                  sem0, sem1):
    wid = lax.axis_index("s") * _NC + lax.axis_index("c")
    zeros = jnp.zeros((_L,), jnp.float32)
    ones = jnp.ones((_L,), jnp.float32)
    lanes = lax.iota(jnp.int32, _L) * lane_stride

    def zero_body(i, _):
      hist[pl.ds(i * _L, _L)] = zeros
      return 0
    lax.fori_loop(0, hist_words // _L, zero_body, 0)

    def process(b, base_vec):
      @plsc.parallel_loop(0, chunk // _L, unroll=8)
      def _(i):
        x = b[i // vecs_per_row, pl.ds((i % vecs_per_row) * _L, _L)]
        idx = (x * float(_NUM_BINS)).astype(jnp.int32)
        plsc.addupdate_scatter(hist, [idx + base_vec], ones)

    segments = [(im, r) for im in range(2) for r in range(chans)]
    imgs = (img1_hbm, img2_hbm)
    assert nchunk % 2 == 0

    def src(seg, ch):
      im, r = segments[seg]
      return imgs[im].at[wid, r, pl.ds(ch * block_rows, block_rows)]

    pltpu.async_copy(src(0, 0), buf0, sem0)
    for seg in range(len(segments)):
      im, r = segments[seg]
      base_vec = lanes + (im * chans + r) * _NUM_BINS
      last_seg = seg == len(segments) - 1

      def pair_body(p, _, seg=seg, base_vec=base_vec, last_seg=last_seg):
        ch = 2 * p
        pltpu.async_copy(src(seg, ch + 1), buf1, sem1)
        pltpu.make_async_copy(src(seg, ch), buf0, sem0).wait()
        process(buf0, base_vec)

        @pl.when(p < nchunk // 2 - 1)
        def _():
          pltpu.async_copy(src(seg, ch + 2), buf0, sem0)
        if not last_seg:
          @pl.when(p == nchunk // 2 - 1)
          def _():
            pltpu.async_copy(src(seg + 1, 0), buf0, sem0)

        pltpu.make_async_copy(src(seg, ch + 1), buf1, sem1).wait()
        process(buf1, base_vec)
        return 0
      lax.fori_loop(0, nchunk // 2, pair_body, 0)

    def red_body(j, _):
      acc = hist[pl.ds(j * _L, _L)]
      for l in range(1, _L):
        acc = acc + hist[pl.ds(l * lane_stride + j * _L, _L)]
      rsum[pl.ds(j * _L, _L)] = acc
      return 0
    lax.fori_loop(0, stride // _L, red_body, 0)

    pltpu.sync_copy(rsum, out_hbm.at[wid])

  return hist_kernel


def _make_kl_kernel(chans, interpret=False):
  groups = 2 * chans

  def kl_body(p_ref, o_ref):
    hist = jnp.sum(p_ref[...], axis=0, keepdims=True)
    hs = []
    for g in range(groups):
      hg = hist[:, g * _NUM_BINS:(g + 1) * _NUM_BINS]
      hg = hg / (jnp.sum(hg) + 1e-08) + 1e-08
      hs.append(hg)
    loss = jnp.zeros((1, 1), jnp.float32)
    for c in range(chans):
      h1 = hs[c]
      h2 = hs[chans + c]
      loss = loss + jnp.sum(h2 * (jnp.log(h2) - jnp.log(h1)),
                            axis=(0, 1), keepdims=True)
    o_ref[...] = loss / float(_NUM_BINS)

  return pl.pallas_call(
      kl_body,
      out_shape=jax.ShapeDtypeStruct((1, 1), jnp.float32),
      interpret=interpret,
  )


def _run(img1, img2, block_rows, interpret=False):
  b, c, h, w = img1.shape
  hist_k = _make_hist_kernel(b, c, h, w, block_rows, interpret=interpret)
  partials = hist_k(img1, img2)
  loss = _make_kl_kernel(c, interpret=interpret)(partials)
  return loss[0, 0]


@jax.jit
def kernel(img1, img2):
  return _run(img1, img2, block_rows=32)

# --- scband reference (transcript-rebuilt; emitter-appended) ---
"""Pipeline reference for scband-color-histogram-klloss-46780783788475 (READ-ONLY COPY).

The authoritative reference and input builder live on the scoring server;
editing this copy changes nothing except your own understanding.
"""

import jax, jax.numpy as jnp
import numpy as np

NUM_BINS = 256

def setup_inputs(seed: int = 0) -> dict:
    key = jax.random.key(seed)
    k1, k2 = jax.random.split(key)
    img1 = jax.random.uniform(k1, (32, 3, 512, 512), dtype=jnp.float32)
    img2 = jax.random.uniform(k2, (32, 3, 512, 512), dtype=jnp.float32)
    return {"img1": img1, "img2": img2}

def _compute_histogram(img, num_bins):
    # Faithful translation of torch.histc(bins=num_bins, min=0.0, max=1.0)
    # followed by global normalization, per channel.
    batch_size, channels, height, width = img.shape
    histograms = []
    for i in range(channels):
        channel_data = img[:, i, :, :].reshape(-1)
        # bin index: floor(x * bins), x == 1.0 maps to last bin (clip)
        idx = jnp.floor(channel_data * num_bins).astype(jnp.int32)
        idx = jnp.clip(idx, 0, num_bins - 1)
        idx = jax.lax.stop_gradient(idx)
        # values in [0,1] with rand fill, so none are out of histc range
        hist = jnp.zeros((num_bins,), dtype=img.dtype).at[idx].add(1.0)
        hist = hist / (hist.sum() + 1e-08)
        histograms.append(hist)
    # torch.stack(list_of_[num_bins], dim=1) -> [num_bins, channels]
    return jnp.stack(histograms, axis=1)

def reference(img1, img2):
    hist1 = _compute_histogram(img1, NUM_BINS)
    hist2 = _compute_histogram(img2, NUM_BINS)
    hist1 = hist1 + 1e-08
    hist2 = hist2 + 1e-08
    hist1_log = jnp.log(hist1)
    # F.kl_div(input=hist1_log, target=hist2, reduction='batchmean')
    # = sum(target * (log(target) - input)) / input.shape[0]
    pointwise = hist2 * (jnp.log(hist2) - hist1_log)
    loss = jnp.sum(pointwise) / hist1_log.shape[0]
    return loss

if __name__ == "__main__":
    import jax
    _d = setup_inputs()
    print(jax.jit(kernel)(*tuple(_d.values())))

</pallas_src>

<mosaic_0001>
#map = affine_map<(d0, d1) -> (0, 0, 0, 0)>
#map1 = affine_map<(d0, d1) -> (0, 0)>
module attributes {stable_mosaic.version = 14 : i64} {
  func.func @hist_kernel(%arg0: i32, %arg1: i32, %arg2: memref<32x3x512x512xf32, #tpu.memory_space<hbm>>, %arg3: memref<32x3x512x512xf32, #tpu.memory_space<hbm>>, %arg4: memref<32x1536xf32, #tpu.memory_space<hbm>>, %arg5: memref<32x512xf32, #tpu.memory_space<vmem>>, %arg6: memref<32x512xf32, #tpu.memory_space<vmem>>, %arg7: memref<24592xf32, #tpu.memory_space<vmem>>, %arg8: memref<1536xf32, #tpu.memory_space<vmem>>, %arg9: memref<!tpu.dma_semaphore, #tpu.memory_space<semaphore_mem>>, %arg10: memref<!tpu.dma_semaphore, #tpu.memory_space<semaphore_mem>>) attributes {dimension_semantics = [#tpu.dimension_semantics<core_parallel>, #tpu.dimension_semantics<subcore_parallel>], iteration_bounds = array<i64: 2, 16>, scalar_prefetch = 0 : i64, scratch_operands = 6 : i64, tpu.core_type = #tpu.core_type<sc_vector_subcore>, window_params = [{transform_indices = #map}, {transform_indices = #map}, {transform_indices = #map1}]} {
    %mul3A = arith.constant 2 : i32
    %mul3A_0 = arith.muli %arg1, %mul3A : i32
    %add3A = arith.addi %mul3A_0, %arg0 : i32
    %broadcast_in_dim3A = arith.constant 0.000000e+00 : f32
    %broadcast_in_dim3A_1 = vector.broadcast %broadcast_in_dim3A : f32 to vector<16xf32>
    %broadcast_in_dim3A_2 = arith.constant 1.000000e+00 : f32
    %broadcast_in_dim3A_3 = vector.broadcast %broadcast_in_dim3A_2 : f32 to vector<16xf32>
    %iota3A = tpu.iota {dimensions = array<i32: 0>} : vector<16xi32>
    %mul3A_4 = arith.constant 1537 : i32
    %mul3A_5 = vector.broadcast %mul3A_4 : i32 to vector<16xi32>
    %mul3A_6 = arith.muli %iota3A, %mul3A_5 : vector<16xi32>
    %scan3A = arith.constant 0 : i32
    %scan3A_7 = arith.constant 0 : i32
    %scan3A_8 = arith.constant 1537 : i32
    %scan3A_9 = arith.addi %scan3A_7, %scan3A_8 : i32
    %scan3A_10 = arith.constant 1 : i32
    %scan3A_11 = scf.for %scan3A_88 = %scan3A_7 to %scan3A_9 step %scan3A_10 iter_args(%scan3A_89 = %scan3A) -> (i32)  : i32 {
      %mul3A_90 = arith.constant 16 : i32
      %mul3A_91 = arith.muli %scan3A_88, %mul3A_90 : i32
      %swap3A = arith.index_cast %mul3A_91 : i32 to index
      %swap3A_92 = tpu.vector_load %arg7[%swap3A] {strides = array<i32>} : memref<24592xf32, #tpu.memory_space<vmem>>, vector<16xf32>,
      tpu.vector_store %arg7[%swap3A], %broadcast_in_dim3A_1 {strides = array<i32>} : memref<24592xf32, #tpu.memory_space<vmem>>, vector<16xf32>,
      %scan3A_93 = arith.constant 0 : i32
      scf.yield %scan3A_93 : i32
    }
    %scan3A_12 = arith.constant 1537 : i32
    %dma_start3A = arith.constant 0 : i32
    %dma_start3A_13 = arith.constant 0 : i32
    %dma_start3A_14 = arith.constant 0 : i32
    %dma_start3A_15 = tpu.memref_slice %arg2[%add3A, %dma_start3A, %dma_start3A_13, %dma_start3A_14] : memref<32x3x512x512xf32, #tpu.memory_space<hbm>> -> memref<1x1x32x512xf32, #tpu.memory_space<hbm>>
    %dma_start3A_16 = tpu.memref_squeeze %dma_start3A_15 : memref<1x1x32x512xf32, #tpu.memory_space<hbm>> -> memref<32x512xf32, #tpu.memory_space<hbm>>
    %dma_start3A_17 = arith.constant 0 : i32
    %dma_start3A_18 = arith.constant 0 : i32
    %dma_start3A_19 = tpu.memref_slice %arg2[%add3A, %dma_start3A, %dma_start3A_17, %dma_start3A_18] : memref<32x3x512x512xf32, #tpu.memory_space<hbm>> -> memref<1x1x32x512xf32, #tpu.memory_space<hbm>>
    %dma_start3A_20 = tpu.memref_squeeze %dma_start3A_19 : memref<1x1x32x512xf32, #tpu.memory_space<hbm>> -> memref<32x512xf32, #tpu.memory_space<hbm>>
    tpu.enqueue_dma source(%dma_start3A_20 : memref<32x512xf32, #tpu.memory_space<hbm>>) target(%arg5 : memref<32x512xf32, #tpu.memory_space<vmem>>) target_semaphore(%arg9 : memref<!tpu.dma_semaphore, #tpu.memory_space<semaphore_mem>>)
    %add3A_21 = arith.constant 0 : i32
    %add3A_22 = vector.broadcast %add3A_21 : i32 to vector<16xi32>
    %add3A_23 = arith.addi %mul3A_6, %add3A_22 : vector<16xi32>
    %scan3A_24 = arith.constant 0 : i32
    %scan3A_25 = arith.constant 0 : i32
    %scan3A_26 = arith.constant 8 : i32
    %scan3A_27 = arith.addi %scan3A_25, %scan3A_26 : i32
    %scan3A_28 = arith.constant 1 : i32
    %scan3A_29 = scf.for %scan3A_88 = %scan3A_25 to %scan3A_27 step %scan3A_28 iter_args(%scan3A_89 = %scan3A_24) -> (i32)  : i32 {
      %mul3A_90 = arith.constant 2 : i32
      %mul3A_91 = arith.muli %mul3A_90, %scan3A_88 : i32
      %add3A_92 = arith.constant 1 : i32
      %add3A_93 = arith.addi %mul3A_91, %add3A_92 : i32
      %mul3A_94 = arith.constant 32 : i32
      %mul3A_95 = arith.muli %add3A_93, %mul3A_94 : i32
      %dma_start3A_96 = arith.constant 0 : i32
      %dma_start3A_97 = arith.constant 0 : i32
      %dma_start3A_98 = tpu.memref_slice %arg2[%add3A, %dma_start3A_96, %mul3A_95, %dma_start3A_97] : memref<32x3x512x512xf32, #tpu.memory_space<hbm>> -> memref<1x1x32x512xf32, #tpu.memory_space<hbm>>
      %dma_start3A_99 = tpu.memref_squeeze %dma_start3A_98 : memref<1x1x32x512xf32, #tpu.memory_space<hbm>> -> memref<32x512xf32, #tpu.memory_space<hbm>>
      %dma_start3A_100 = arith.constant 0 : i32
      %dma_start3A_101 = tpu.memref_slice %arg2[%add3A, %dma_start3A_96, %mul3A_95, %dma_start3A_100] : memref<32x3x512x512xf32, #tpu.memory_space<hbm>> -> memref<1x1x32x512xf32, #tpu.memory_space<hbm>>
      %dma_start3A_102 = tpu.memref_squeeze %dma_start3A_101 : memref<1x1x32x512xf32, #tpu.memory_space<hbm>> -> memref<32x512xf32, #tpu.memory_space<hbm>>
      tpu.enqueue_dma source(%dma_start3A_102 : memref<32x512xf32, #tpu.memory_space<hbm>>) target(%arg6 : memref<32x512xf32, #tpu.memory_space<vmem>>) target_semaphore(%arg10 : memref<!tpu.dma_semaphore, #tpu.memory_space<semaphore_mem>>)
      %mul3A_103 = arith.constant 32 : i32
      %mul3A_104 = arith.muli %mul3A_91, %mul3A_103 : i32
      %dma_wait3A = arith.constant 0 : i32
      %dma_wait3A_105 = arith.constant 0 : i32
      %dma_wait3A_106 = tpu.memref_slice %arg2[%add3A, %dma_wait3A, %mul3A_104, %dma_wait3A_105] : memref<32x3x512x512xf32, #tpu.memory_space<hbm>> -> memref<1x1x32x512xf32, #tpu.memory_space<hbm>>
      %dma_wait3A_107 = tpu.memref_squeeze %dma_wait3A_106 : memref<1x1x32x512xf32, #tpu.memory_space<hbm>> -> memref<32x512xf32, #tpu.memory_space<hbm>>
      %dma_wait3A_108 = arith.constant 0 : i32
      %dma_wait3A_109 = tpu.memref_slice %arg2[%add3A, %dma_wait3A, %mul3A_104, %dma_wait3A_108] : memref<32x3x512x512xf32, #tpu.memory_space<hbm>> -> memref<1x1x32x512xf32, #tpu.memory_space<hbm>>
      %dma_wait3A_110 = tpu.memref_squeeze %dma_wait3A_109 : memref<1x1x32x512xf32, #tpu.memory_space<hbm>> -> memref<32x512xf32, #tpu.memory_space<hbm>>
      tpu.wait_dma2 semaphore(%arg9 : memref<!tpu.dma_semaphore, #tpu.memory_space<semaphore_mem>>) src(%dma_wait3A_110 : memref<32x512xf32, #tpu.memory_space<hbm>>) dst(%arg5 : memref<32x512xf32, #tpu.memory_space<vmem>>)
      %parallel_loop3A = arith.constant 0 : i32
      %parallel_loop3A_111 = arith.constant 1024 : i32
      %parallel_loop3A_112 = arith.constant 1 : i32
      scf.for %parallel_loop3A_134 = %parallel_loop3A to %parallel_loop3A_111 step %parallel_loop3A_112  : i32 {
        %parallel_loop3A_135 = arith.constant 32 : i32
        %parallel_loop3A_136 = arith.divsi %parallel_loop3A_134, %parallel_loop3A_135 : i32
        %parallel_loop3A_137 = arith.constant 0 : i32
        %parallel_loop3A_138 = arith.cmpi sgt, %parallel_loop3A_134, %parallel_loop3A_137 : i32
        %parallel_loop3A_139 = arith.extui %parallel_loop3A_138 : i1 to i32
        %parallel_loop3A_140 = arith.constant 0 : i32
        %parallel_loop3A_141 = arith.cmpi slt, %parallel_loop3A_134, %parallel_loop3A_140 : i32
        %parallel_loop3A_142 = arith.extui %parallel_loop3A_141 : i1 to i32
        %parallel_loop3A_143 = arith.subi %parallel_loop3A_139, %parallel_loop3A_142 : i32
        %parallel_loop3A_144 = arith.constant 0 : i32
        %parallel_loop3A_145 = arith.cmpi sgt, %parallel_loop3A_135, %parallel_loop3A_144 : i32
        %parallel_loop3A_146 = arith.extui %parallel_loop3A_145 : i1 to i32
        %parallel_loop3A_147 = arith.constant 0 : i32
        %parallel_loop3A_148 = arith.cmpi slt, %parallel_loop3A_135, %parallel_loop3A_147 : i32
        %parallel_loop3A_149 = arith.extui %parallel_loop3A_148 : i1 to i32
        %parallel_loop3A_150 = arith.subi %parallel_loop3A_146, %parallel_loop3A_149 : i32
        %parallel_loop3A_151 = arith.cmpi ne, %parallel_loop3A_143, %parallel_loop3A_150 : i32
        %parallel_loop3A_152 = arith.remsi %parallel_loop3A_134, %parallel_loop3A_135 : i32
        %parallel_loop3A_153 = arith.constant 0 : i32
        %parallel_loop3A_154 = arith.cmpi ne, %parallel_loop3A_152, %parallel_loop3A_153 : i32
        %parallel_loop3A_155 = arith.andi %parallel_loop3A_151, %parallel_loop3A_154 : i1
        %parallel_loop3A_156 = arith.constant 1 : i32
        %parallel_loop3A_157 = arith.subi %parallel_loop3A_136, %parallel_loop3A_156 : i32
        %parallel_loop3A_158 = arith.select %parallel_loop3A_155, %parallel_loop3A_157, %parallel_loop3A_136 : i32
        %parallel_loop3A_159 = arith.constant 32 : i32
        %parallel_loop3A_160 = arith.constant 0 : i32
        %parallel_loop3A_161 = arith.cmpi eq, %parallel_loop3A_159, %parallel_loop3A_160 : i32
        %parallel_loop3A_162 = arith.constant 1 : i32
        %parallel_loop3A_163 = arith.select %parallel_loop3A_161, %parallel_loop3A_162, %parallel_loop3A_159 : i32
        %parallel_loop3A_164 = arith.remsi %parallel_loop3A_134, %parallel_loop3A_163 : i32
        %parallel_loop3A_165 = arith.constant 0 : i32
        %parallel_loop3A_166 = arith.cmpi ne, %parallel_loop3A_164, %parallel_loop3A_165 : i32
        %parallel_loop3A_167 = arith.constant 0 : i32
        %parallel_loop3A_168 = arith.cmpi slt, %parallel_loop3A_164, %parallel_loop3A_167 : i32
        %parallel_loop3A_169 = arith.constant 0 : i32
        %parallel_loop3A_170 = arith.cmpi slt, %parallel_loop3A_163, %parallel_loop3A_169 : i32
        %parallel_loop3A_171 = arith.xori %parallel_loop3A_168, %parallel_loop3A_170 : i1
        %parallel_loop3A_172 = arith.andi %parallel_loop3A_171, %parallel_loop3A_166 : i1
        %parallel_loop3A_173 = arith.addi %parallel_loop3A_164, %parallel_loop3A_163 : i32
        %parallel_loop3A_174 = arith.select %parallel_loop3A_172, %parallel_loop3A_173, %parallel_loop3A_164 : i32
        %parallel_loop3A_175 = arith.constant 16 : i32
        %parallel_loop3A_176 = arith.muli %parallel_loop3A_174, %parallel_loop3A_175 : i32
        %parallel_loop3A_177 = arith.index_cast %parallel_loop3A_158 : i32 to index
        %parallel_loop3A_178 = arith.index_cast %parallel_loop3A_176 : i32 to index
        %parallel_loop3A_179 = tpu.vector_load %arg5[%parallel_loop3A_177, %parallel_loop3A_178] {strides = array<i32>} : memref<32x512xf32, #tpu.memory_space<vmem>>, vector<16xf32>,
        %parallel_loop3A_180 = arith.constant 2.560000e+02 : f32
        %parallel_loop3A_181 = vector.broadcast %parallel_loop3A_180 : f32 to vector<16xf32>
        %parallel_loop3A_182 = arith.mulf %parallel_loop3A_179, %parallel_loop3A_181 : vector<16xf32>
        %parallel_loop3A_183 = arith.fptosi %parallel_loop3A_182 : vector<16xf32> to vector<16xi32>
        %parallel_loop3A_184 = arith.addi %parallel_loop3A_183, %add3A_23 : vector<16xi32>
        tpu.vector_store_idx %arg7[%parallel_loop3A_184], %broadcast_in_dim3A_3 {add = true} : memref<24592xf32, #tpu.memory_space<vmem>>[vector<16xi32>], vector<16xf32>,
      } {sc.loop_unroll_factor = 8 : i64, sc.parallel_access}
      %lt3A = arith.constant 7 : i32
      %lt3A_113 = arith.cmpi slt, %scan3A_88, %lt3A : i32
      %convert_element_type3A = arith.extui %lt3A_113 : i1 to i32
      %cond3A = arith.constant 0 : i32
      %cond3A_114 = arith.cmpi ne, %convert_element_type3A, %cond3A : i32
      scf.if %cond3A_114 {
        %add3A_134 = arith.constant 2 : i32
        %add3A_135 = arith.addi %mul3A_91, %add3A_134 : i32
        %mul3A_136 = arith.constant 32 : i32
        %mul3A_137 = arith.muli %add3A_135, %mul3A_136 : i32
        %dma_start3A_138 = arith.constant 0 : i32
        %dma_start3A_139 = arith.constant 0 : i32
        %dma_start3A_140 = tpu.memref_slice %arg2[%add3A, %dma_start3A_138, %mul3A_137, %dma_start3A_139] : memref<32x3x512x512xf32, #tpu.memory_space<hbm>> -> memref<1x1x32x512xf32, #tpu.memory_space<hbm>>
        %dma_start3A_141 = tpu.memref_squeeze %dma_start3A_140 : memref<1x1x32x512xf32, #tpu.memory_space<hbm>> -> memref<32x512xf32, #tpu.memory_space<hbm>>
        %dma_start3A_142 = arith.constant 0 : i32
        %dma_start3A_143 = tpu.memref_slice %arg2[%add3A, %dma_start3A_138, %mul3A_137, %dma_start3A_142] : memref<32x3x512x512xf32, #tpu.memory_space<hbm>> -> memref<1x1x32x512xf32, #tpu.memory_space<hbm>>
        %dma_start3A_144 = tpu.memref_squeeze %dma_start3A_143 : memref<1x1x32x512xf32, #tpu.memory_space<hbm>> -> memref<32x512xf32, #tpu.memory_space<hbm>>
        tpu.enqueue_dma source(%dma_start3A_144 : memref<32x512xf32, #tpu.memory_space<hbm>>) target(%arg5 : memref<32x512xf32, #tpu.memory_space<vmem>>) target_semaphore(%arg9 : memref<!tpu.dma_semaphore, #tpu.memory_space<semaphore_mem>>)
      } else {
      }
      %eq3A = arith.constant 7 : i32
      %eq3A_115 = arith.cmpi eq, %scan3A_88, %eq3A : i32
      %convert_element_type3A_116 = arith.extui %eq3A_115 : i1 to i32
      %cond3A_117 = arith.constant 0 : i32
      %cond3A_118 = arith.cmpi ne, %convert_element_type3A_116, %cond3A_117 : i32
      scf.if %cond3A_118 {
        %dma_start3A_134 = arith.constant 1 : i32
        %dma_start3A_135 = arith.constant 0 : i32
        %dma_start3A_136 = arith.constant 0 : i32
        %dma_start3A_137 = tpu.memref_slice %arg2[%add3A, %dma_start3A_134, %dma_start3A_135, %dma_start3A_136] : memref<32x3x512x512xf32, #tpu.memory_space<hbm>> -> memref<1x1x32x512xf32, #tpu.memory_space<hbm>>
        %dma_start3A_138 = tpu.memref_squeeze %dma_start3A_137 : memref<1x1x32x512xf32, #tpu.memory_space<hbm>> -> memref<32x512xf32, #tpu.memory_space<hbm>>
        %dma_start3A_139 = arith.constant 0 : i32
        %dma_start3A_140 = arith.constant 0 : i32
        %dma_start3A_141 = tpu.memref_slice %arg2[%add3A, %dma_start3A_134, %dma_start3A_139, %dma_start3A_140] : memref<32x3x512x512xf32, #tpu.memory_space<hbm>> -> memref<1x1x32x512xf32, #tpu.memory_space<hbm>>
        %dma_start3A_142 = tpu.memref_squeeze %dma_start3A_141 : memref<1x1x32x512xf32, #tpu.memory_space<hbm>> -> memref<32x512xf32, #tpu.memory_space<hbm>>
        tpu.enqueue_dma source(%dma_start3A_142 : memref<32x512xf32, #tpu.memory_space<hbm>>) target(%arg5 : memref<32x512xf32, #tpu.memory_space<vmem>>) target_semaphore(%arg9 : memref<!tpu.dma_semaphore, #tpu.memory_space<semaphore_mem>>)
      } else {
      }
      %add3A_119 = arith.constant 1 : i32
      %add3A_120 = arith.addi %mul3A_91, %add3A_119 : i32
      %mul3A_121 = arith.constant 32 : i32
      %mul3A_122 = arith.muli %add3A_120, %mul3A_121 : i32
      %dma_wait3A_123 = arith.constant 0 : i32
      %dma_wait3A_124 = arith.constant 0 : i32
      %dma_wait3A_125 = tpu.memref_slice %arg2[%add3A, %dma_wait3A_123, %mul3A_122, %dma_wait3A_124] : memref<32x3x512x512xf32, #tpu.memory_space<hbm>> -> memref<1x1x32x512xf32, #tpu.memory_space<hbm>>
      %dma_wait3A_126 = tpu.memref_squeeze %dma_wait3A_125 : memref<1x1x32x512xf32, #tpu.memory_space<hbm>> -> memref<32x512xf32, #tpu.memory_space<hbm>>
      %dma_wait3A_127 = arith.constant 0 : i32
      %dma_wait3A_128 = tpu.memref_slice %arg2[%add3A, %dma_wait3A_123, %mul3A_122, %dma_wait3A_127] : memref<32x3x512x512xf32, #tpu.memory_space<hbm>> -> memref<1x1x32x512xf32, #tpu.memory_space<hbm>>
      %dma_wait3A_129 = tpu.memref_squeeze %dma_wait3A_128 : memref<1x1x32x512xf32, #tpu.memory_space<hbm>> -> memref<32x512xf32, #tpu.memory_space<hbm>>
      tpu.wait_dma2 semaphore(%arg10 : memref<!tpu.dma_semaphore, #tpu.memory_space<semaphore_mem>>) src(%dma_wait3A_129 : memref<32x512xf32, #tpu.memory_space<hbm>>) dst(%arg6 : memref<32x512xf32, #tpu.memory_space<vmem>>)
      %parallel_loop3A_130 = arith.constant 0 : i32
      %parallel_loop3A_131 = arith.constant 1024 : i32
      %parallel_loop3A_132 = arith.constant 1 : i32
      scf.for %parallel_loop3A_134 = %parallel_loop3A_130 to %parallel_loop3A_131 step %parallel_loop3A_132  : i32 {
        %parallel_loop3A_135 = arith.constant 32 : i32
        %parallel_loop3A_136 = arith.divsi %parallel_loop3A_134, %parallel_loop3A_135 : i32
        %parallel_loop3A_137 = arith.constant 0 : i32
        %parallel_loop3A_138 = arith.cmpi sgt, %parallel_loop3A_134, %parallel_loop3A_137 : i32
        %parallel_loop3A_139 = arith.extui %parallel_loop3A_138 : i1 to i32
        %parallel_loop3A_140 = arith.constant 0 : i32
        %parallel_loop3A_141 = arith.cmpi slt, %parallel_loop3A_134, %parallel_loop3A_140 : i32
        %parallel_loop3A_142 = arith.extui %parallel_loop3A_141 : i1 to i32
        %parallel_loop3A_143 = arith.subi %parallel_loop3A_139, %parallel_loop3A_142 : i32
        %parallel_loop3A_144 = arith.constant 0 : i32
        %parallel_loop3A_145 = arith.cmpi sgt, %parallel_loop3A_135, %parallel_loop3A_144 : i32
        %parallel_loop3A_146 = arith.extui %parallel_loop3A_145 : i1 to i32
        %parallel_loop3A_147 = arith.constant 0 : i32
        %parallel_loop3A_148 = arith.cmpi slt, %parallel_loop3A_135, %parallel_loop3A_147 : i32
        %parallel_loop3A_149 = arith.extui %parallel_loop3A_148 : i1 to i32
        %parallel_loop3A_150 = arith.subi %parallel_loop3A_146, %parallel_loop3A_149 : i32
        %parallel_loop3A_151 = arith.cmpi ne, %parallel_loop3A_143, %parallel_loop3A_150 : i32
        %parallel_loop3A_152 = arith.remsi %parallel_loop3A_134, %parallel_loop3A_135 : i32
        %parallel_loop3A_153 = arith.constant 0 : i32
        %parallel_loop3A_154 = arith.cmpi ne, %parallel_loop3A_152, %parallel_loop3A_153 : i32
        %parallel_loop3A_155 = arith.andi %parallel_loop3A_151, %parallel_loop3A_154 : i1
        %parallel_loop3A_156 = arith.constant 1 : i32
        %parallel_loop3A_157 = arith.subi %parallel_loop3A_136, %parallel_loop3A_156 : i32
        %parallel_loop3A_158 = arith.select %parallel_loop3A_155, %parallel_loop3A_157, %parallel_loop3A_136 : i32
        %parallel_loop3A_159 = arith.constant 32 : i32
        %parallel_loop3A_160 = arith.constant 0 : i32
        %parallel_loop3A_161 = arith.cmpi eq, %parallel_loop3A_159, %parallel_loop3A_160 : i32
        %parallel_loop3A_162 = arith.constant 1 : i32
        %parallel_loop3A_163 = arith.select %parallel_loop3A_161, %parallel_loop3A_162, %parallel_loop3A_159 : i32
        %parallel_loop3A_164 = arith.remsi %parallel_loop3A_134, %parallel_loop3A_163 : i32
        %parallel_loop3A_165 = arith.constant 0 : i32
        %parallel_loop3A_166 = arith.cmpi ne, %parallel_loop3A_164, %parallel_loop3A_165 : i32
        %parallel_loop3A_167 = arith.constant 0 : i32
        %parallel_loop3A_168 = arith.cmpi slt, %parallel_loop3A_164, %parallel_loop3A_167 : i32
        %parallel_loop3A_169 = arith.constant 0 : i32
        %parallel_loop3A_170 = arith.cmpi slt, %parallel_loop3A_163, %parallel_loop3A_169 : i32
        %parallel_loop3A_171 = arith.xori %parallel_loop3A_168, %parallel_loop3A_170 : i1
        %parallel_loop3A_172 = arith.andi %parallel_loop3A_171, %parallel_loop3A_166 : i1
        %parallel_loop3A_173 = arith.addi %parallel_loop3A_164, %parallel_loop3A_163 : i32
        %parallel_loop3A_174 = arith.select %parallel_loop3A_172, %parallel_loop3A_173, %parallel_loop3A_164 : i32
        %parallel_loop3A_175 = arith.constant 16 : i32
        %parallel_loop3A_176 = arith.muli %parallel_loop3A_174, %parallel_loop3A_175 : i32
        %parallel_loop3A_177 = arith.index_cast %parallel_loop3A_158 : i32 to index
        %parallel_loop3A_178 = arith.index_cast %parallel_loop3A_176 : i32 to index
        %parallel_loop3A_179 = tpu.vector_load %arg6[%parallel_loop3A_177, %parallel_loop3A_178] {strides = array<i32>} : memref<32x512xf32, #tpu.memory_space<vmem>>, vector<16xf32>,
        %parallel_loop3A_180 = arith.constant 2.560000e+02 : f32
        %parallel_loop3A_181 = vector.broadcast %parallel_loop3A_180 : f32 to vector<16xf32>
        %parallel_loop3A_182 = arith.mulf %parallel_loop3A_179, %parallel_loop3A_181 : vector<16xf32>
        %parallel_loop3A_183 = arith.fptosi %parallel_loop3A_182 : vector<16xf32> to vector<16xi32>
        %parallel_loop3A_184 = arith.addi %parallel_loop3A_183, %add3A_23 : vector<16xi32>
        tpu.vector_store_idx %arg7[%parallel_loop3A_184], %broadcast_in_dim3A_3 {add = true} : memref<24592xf32, #tpu.memory_space<vmem>>[vector<16xi32>], vector<16xf32>,
      } {sc.loop_unroll_factor = 8 : i64, sc.parallel_access}
      %scan3A_133 = arith.constant 0 : i32
      scf.yield %scan3A_133 : i32
    }
    %scan3A_30 = arith.constant 8 : i32
    %add3A_31 = arith.constant 256 : i32
    %add3A_32 = vector.broadcast %add3A_31 : i32 to vector<16xi32>
    %add3A_33 = arith.addi %mul3A_6, %add3A_32 : vector<16xi32>
    %scan3A_34 = arith.constant 0 : i32
    %scan3A_35 = arith.constant 0 : i32
    %scan3A_36 = arith.constant 8 : i32
    %scan3A_37 = arith.addi %scan3A_35, %scan3A_36 : i32
    %scan3A_38 = arith.constant 1 : i32
    %scan3A_39 = scf.for %scan3A_88 = %scan3A_35 to %scan3A_37 step %scan3A_38 iter_args(%scan3A_89 = %scan3A_34) -> (i32)  : i32 {
      %mul3A_90 = arith.constant 2 : i32
      %mul3A_91 = arith.muli %mul3A_90, %scan3A_88 : i32
      %add3A_92 = arith.constant 1 : i32
      %add3A_93 = arith.addi %mul3A_91, %add3A_92 : i32
      %mul3A_94 = arith.constant 32 : i32
      %mul3A_95 = arith.muli %add3A_93, %mul3A_94 : i32
      %dma_start3A_96 = arith.constant 1 : i32
      %dma_start3A_97 = arith.constant 0 : i32
      %dma_start3A_98 = tpu.memref_slice %arg2[%add3A, %dma_start3A_96, %mul3A_95, %dma_start3A_97] : memref<32x3x512x512xf32, #tpu.memory_space<hbm>> -> memref<1x1x32x512xf32, #tpu.memory_space<hbm>>
      %dma_start3A_99 = tpu.memref_squeeze %dma_start3A_98 : memref<1x1x32x512xf32, #tpu.memory_space<hbm>> -> memref<32x512xf32, #tpu.memory_space<hbm>>
      %dma_start3A_100 = arith.constant 0 : i32
      %dma_start3A_101 = tpu.memref_slice %arg2[%add3A, %dma_start3A_96, %mul3A_95, %dma_start3A_100] : memref<32x3x512x512xf32, #tpu.memory_space<hbm>> -> memref<1x1x32x512xf32, #tpu.memory_space<hbm>>
      %dma_start3A_102 = tpu.memref_squeeze %dma_start3A_101 : memref<1x1x32x512xf32, #tpu.memory_space<hbm>> -> memref<32x512xf32, #tpu.memory_space<hbm>>
      tpu.enqueue_dma source(%dma_start3A_102 : memref<32x512xf32, #tpu.memory_space<hbm>>) target(%arg6 : memref<32x512xf32, #tpu.memory_space<vmem>>) target_semaphore(%arg10 : memref<!tpu.dma_semaphore, #tpu.memory_space<semaphore_mem>>)
      %mul3A_103 = arith.constant 32 : i32
      %mul3A_104 = arith.muli %mul3A_91, %mul3A_103 : i32
      %dma_wait3A = arith.constant 1 : i32
      %dma_wait3A_105 = arith.constant 0 : i32
      %dma_wait3A_106 = tpu.memref_slice %arg2[%add3A, %dma_wait3A, %mul3A_104, %dma_wait3A_105] : memref<32x3x512x512xf32, #tpu.memory_space<hbm>> -> memref<1x1x32x512xf32, #tpu.memory_space<hbm>>
      %dma_wait3A_107 = tpu.memref_squeeze %dma_wait3A_106 : memref<1x1x32x512xf32, #tpu.memory_space<hbm>> -> memref<32x512xf32, #tpu.memory_space<hbm>>
      %dma_wait3A_108 = arith.constant 0 : i32
      %dma_wait3A_109 = tpu.memref_slice %arg2[%add3A, %dma_wait3A, %mul3A_104, %dma_wait3A_108] : memref<32x3x512x512xf32, #tpu.memory_space<hbm>> -> memref<1x1x32x512xf32, #tpu.memory_space<hbm>>
      %dma_wait3A_110 = tpu.memref_squeeze %dma_wait3A_109 : memref<1x1x32x512xf32, #tpu.memory_space<hbm>> -> memref<32x512xf32, #tpu.memory_space<hbm>>
      tpu.wait_dma2 semaphore(%arg9 : memref<!tpu.dma_semaphore, #tpu.memory_space<semaphore_mem>>) src(%dma_wait3A_110 : memref<32x512xf32, #tpu.memory_space<hbm>>) dst(%arg5 : memref<32x512xf32, #tpu.memory_space<vmem>>)
      %parallel_loop3A = arith.constant 0 : i32
      %parallel_loop3A_111 = arith.constant 1024 : i32
      %parallel_loop3A_112 = arith.constant 1 : i32
      scf.for %parallel_loop3A_134 = %parallel_loop3A to %parallel_loop3A_111 step %parallel_loop3A_112  : i32 {
        %parallel_loop3A_135 = arith.constant 32 : i32
        %parallel_loop3A_136 = arith.divsi %parallel_loop3A_134, %parallel_loop3A_135 : i32
        %parallel_loop3A_137 = arith.constant 0 : i32
        %parallel_loop3A_138 = arith.cmpi sgt, %parallel_loop3A_134, %parallel_loop3A_137 : i32
        %parallel_loop3A_139 = arith.extui %parallel_loop3A_138 : i1 to i32
        %parallel_loop3A_140 = arith.constant 0 : i32
        %parallel_loop3A_141 = arith.cmpi slt, %parallel_loop3A_134, %parallel_loop3A_140 : i32
        %parallel_loop3A_142 = arith.extui %parallel_loop3A_141 : i1 to i32
        %parallel_loop3A_143 = arith.subi %parallel_loop3A_139, %parallel_loop3A_142 : i32
        %parallel_loop3A_144 = arith.constant 0 : i32
        %parallel_loop3A_145 = arith.cmpi sgt, %parallel_loop3A_135, %parallel_loop3A_144 : i32
        %parallel_loop3A_146 = arith.extui %parallel_loop3A_145 : i1 to i32
        %parallel_loop3A_147 = arith.constant 0 : i32
        %parallel_loop3A_148 = arith.cmpi slt, %parallel_loop3A_135, %parallel_loop3A_147 : i32
        %parallel_loop3A_149 = arith.extui %parallel_loop3A_148 : i1 to i32
        %parallel_loop3A_150 = arith.subi %parallel_loop3A_146, %parallel_loop3A_149 : i32
        %parallel_loop3A_151 = arith.cmpi ne, %parallel_loop3A_143, %parallel_loop3A_150 : i32
        %parallel_loop3A_152 = arith.remsi %parallel_loop3A_134, %parallel_loop3A_135 : i32
        %parallel_loop3A_153 = arith.constant 0 : i32
        %parallel_loop3A_154 = arith.cmpi ne, %parallel_loop3A_152, %parallel_loop3A_153 : i32
        %parallel_loop3A_155 = arith.andi %parallel_loop3A_151, %parallel_loop3A_154 : i1
        %parallel_loop3A_156 = arith.constant 1 : i32
        %parallel_loop3A_157 = arith.subi %parallel_loop3A_136, %parallel_loop3A_156 : i32
        %parallel_loop3A_158 = arith.select %parallel_loop3A_155, %parallel_loop3A_157, %parallel_loop3A_136 : i32
        %parallel_loop3A_159 = arith.constant 32 : i32
        %parallel_loop3A_160 = arith.constant 0 : i32
        %parallel_loop3A_161 = arith.cmpi eq, %parallel_loop3A_159, %parallel_loop3A_160 : i32
        %parallel_loop3A_162 = arith.constant 1 : i32
        %parallel_loop3A_163 = arith.select %parallel_loop3A_161, %parallel_loop3A_162, %parallel_loop3A_159 : i32
        %parallel_loop3A_164 = arith.remsi %parallel_loop3A_134, %parallel_loop3A_163 : i32
        %parallel_loop3A_165 = arith.constant 0 : i32
        %parallel_loop3A_166 = arith.cmpi ne, %parallel_loop3A_164, %parallel_loop3A_165 : i32
        %parallel_loop3A_167 = arith.constant 0 : i32
        %parallel_loop3A_168 = arith.cmpi slt, %parallel_loop3A_164, %parallel_loop3A_167 : i32
        %parallel_loop3A_169 = arith.constant 0 : i32
        %parallel_loop3A_170 = arith.cmpi slt, %parallel_loop3A_163, %parallel_loop3A_169 : i32
        %parallel_loop3A_171 = arith.xori %parallel_loop3A_168, %parallel_loop3A_170 : i1
        %parallel_loop3A_172 = arith.andi %parallel_loop3A_171, %parallel_loop3A_166 : i1
        %parallel_loop3A_173 = arith.addi %parallel_loop3A_164, %parallel_loop3A_163 : i32
        %parallel_loop3A_174 = arith.select %parallel_loop3A_172, %parallel_loop3A_173, %parallel_loop3A_164 : i32
        %parallel_loop3A_175 = arith.constant 16 : i32
        %parallel_loop3A_176 = arith.muli %parallel_loop3A_174, %parallel_loop3A_175 : i32
        %parallel_loop3A_177 = arith.index_cast %parallel_loop3A_158 : i32 to index
        %parallel_loop3A_178 = arith.index_cast %parallel_loop3A_176 : i32 to index
        %parallel_loop3A_179 = tpu.vector_load %arg5[%parallel_loop3A_177, %parallel_loop3A_178] {strides = array<i32>} : memref<32x512xf32, #tpu.memory_space<vmem>>, vector<16xf32>,
        %parallel_loop3A_180 = arith.constant 2.560000e+02 : f32
        %parallel_loop3A_181 = vector.broadcast %parallel_loop3A_180 : f32 to vector<16xf32>
        %parallel_loop3A_182 = arith.mulf %parallel_loop3A_179, %parallel_loop3A_181 : vector<16xf32>
        %parallel_loop3A_183 = arith.fptosi %parallel_loop3A_182 : vector<16xf32> to vector<16xi32>
        %parallel_loop3A_184 = arith.addi %parallel_loop3A_183, %add3A_33 : vector<16xi32>
        tpu.vector_store_idx %arg7[%parallel_loop3A_184], %broadcast_in_dim3A_3 {add = true} : memref<24592xf32, #tpu.memory_space<vmem>>[vector<16xi32>], vector<16xf32>,
      } {sc.loop_unroll_factor = 8 : i64, sc.parallel_access}
      %lt3A = arith.constant 7 : i32
      %lt3A_113 = arith.cmpi slt, %scan3A_88, %lt3A : i32
      %convert_element_type3A = arith.extui %lt3A_113 : i1 to i32
      %cond3A = arith.constant 0 : i32
      %cond3A_114 = arith.cmpi ne, %convert_element_type3A, %cond3A : i32
      scf.if %cond3A_114 {
        %add3A_134 = arith.constant 2 : i32
        %add3A_135 = arith.addi %mul3A_91, %add3A_134 : i32
        %mul3A_136 = arith.constant 32 : i32
        %mul3A_137 = arith.muli %add3A_135, %mul3A_136 : i32
        %dma_start3A_138 = arith.constant 1 : i32
        %dma_start3A_139 = arith.constant 0 : i32
        %dma_start3A_140 = tpu.memref_slice %arg2[%add3A, %dma_start3A_138, %mul3A_137, %dma_start3A_139] : memref<32x3x512x512xf32, #tpu.memory_space<hbm>> -> memref<1x1x32x512xf32, #tpu.memory_space<hbm>>
        %dma_start3A_141 = tpu.memref_squeeze %dma_start3A_140 : memref<1x1x32x512xf32, #tpu.memory_space<hbm>> -> memref<32x512xf32, #tpu.memory_space<hbm>>
        %dma_start3A_142 = arith.constant 0 : i32
        %dma_start3A_143 = tpu.memref_slice %arg2[%add3A, %dma_start3A_138, %mul3A_137, %dma_start3A_142] : memref<32x3x512x512xf32, #tpu.memory_space<hbm>> -> memref<1x1x32x512xf32, #tpu.memory_space<hbm>>
        %dma_start3A_144 = tpu.memref_squeeze %dma_start3A_143 : memref<1x1x32x512xf32, #tpu.memory_space<hbm>> -> memref<32x512xf32, #tpu.memory_space<hbm>>
        tpu.enqueue_dma source(%dma_start3A_144 : memref<32x512xf32, #tpu.memory_space<hbm>>) target(%arg5 : memref<32x512xf32, #tpu.memory_space<vmem>>) target_semaphore(%arg9 : memref<!tpu.dma_semaphore, #tpu.memory_space<semaphore_mem>>)
      } else {
      }
      %eq3A = arith.constant 7 : i32
      %eq3A_115 = arith.cmpi eq, %scan3A_88, %eq3A : i32
      %convert_element_type3A_116 = arith.extui %eq3A_115 : i1 to i32
      %cond3A_117 = arith.constant 0 : i32
      %cond3A_118 = arith.cmpi ne, %convert_element_type3A_116, %cond3A_117 : i32
      scf.if %cond3A_118 {
        %dma_start3A_134 = arith.constant 2 : i32
        %dma_start3A_135 = arith.constant 0 : i32
        %dma_start3A_136 = arith.constant 0 : i32
        %dma_start3A_137 = tpu.memref_slice %arg2[%add3A, %dma_start3A_134, %dma_start3A_135, %dma_start3A_136] : memref<32x3x512x512xf32, #tpu.memory_space<hbm>> -> memref<1x1x32x512xf32, #tpu.memory_space<hbm>>
        %dma_start3A_138 = tpu.memref_squeeze %dma_start3A_137 : memref<1x1x32x512xf32, #tpu.memory_space<hbm>> -> memref<32x512xf32, #tpu.memory_space<hbm>>
        %dma_start3A_139 = arith.constant 0 : i32
        %dma_start3A_140 = arith.constant 0 : i32
        %dma_start3A_141 = tpu.memref_slice %arg2[%add3A, %dma_start3A_134, %dma_start3A_139, %dma_start3A_140] : memref<32x3x512x512xf32, #tpu.memory_space<hbm>> -> memref<1x1x32x512xf32, #tpu.memory_space<hbm>>
        %dma_start3A_142 = tpu.memref_squeeze %dma_start3A_141 : memref<1x1x32x512xf32, #tpu.memory_space<hbm>> -> memref<32x512xf32, #tpu.memory_space<hbm>>
        tpu.enqueue_dma source(%dma_start3A_142 : memref<32x512xf32, #tpu.memory_space<hbm>>) target(%arg5 : memref<32x512xf32, #tpu.memory_space<vmem>>) target_semaphore(%arg9 : memref<!tpu.dma_semaphore, #tpu.memory_space<semaphore_mem>>)
      } else {
      }
      %add3A_119 = arith.constant 1 : i32
      %add3A_120 = arith.addi %mul3A_91, %add3A_119 : i32
      %mul3A_121 = arith.constant 32 : i32
      %mul3A_122 = arith.muli %add3A_120, %mul3A_121 : i32
      %dma_wait3A_123 = arith.constant 1 : i32
      %dma_wait3A_124 = arith.constant 0 : i32
      %dma_wait3A_125 = tpu.memref_slice %arg2[%add3A, %dma_wait3A_123, %mul3A_122, %dma_wait3A_124] : memref<32x3x512x512xf32, #tpu.memory_space<hbm>> -> memref<1x1x32x512xf32, #tpu.memory_space<hbm>>
      %dma_wait3A_126 = tpu.memref_squeeze %dma_wait3A_125 : memref<1x1x32x512xf32, #tpu.memory_space<hbm>> -> memref<32x512xf32, #tpu.memory_space<hbm>>
      %dma_wait3A_127 = arith.constant 0 : i32
      %dma_wait3A_128 = tpu.memref_slice %arg2[%add3A, %dma_wait3A_123, %mul3A_122, %dma_wait3A_127] : memref<32x3x512x512xf32, #tpu.memory_space<hbm>> -> memref<1x1x32x512xf32, #tpu.memory_space<hbm>>
      %dma_wait3A_129 = tpu.memref_squeeze %dma_wait3A_128 : memref<1x1x32x512xf32, #tpu.memory_space<hbm>> -> memref<32x512xf32, #tpu.memory_space<hbm>>
      tpu.wait_dma2 semaphore(%arg10 : memref<!tpu.dma_semaphore, #tpu.memory_space<semaphore_mem>>) src(%dma_wait3A_129 : memref<32x512xf32, #tpu.memory_space<hbm>>) dst(%arg6 : memref<32x512xf32, #tpu.memory_space<vmem>>)
      %parallel_loop3A_130 = arith.constant 0 : i32
      %parallel_loop3A_131 = arith.constant 1024 : i32
      %parallel_loop3A_132 = arith.constant 1 : i32
      scf.for %parallel_loop3A_134 = %parallel_loop3A_130 to %parallel_loop3A_131 step %parallel_loop3A_132  : i32 {
        %parallel_loop3A_135 = arith.constant 32 : i32
        %parallel_loop3A_136 = arith.divsi %parallel_loop3A_134, %parallel_loop3A_135 : i32
        %parallel_loop3A_137 = arith.constant 0 : i32
        %parallel_loop3A_138 = arith.cmpi sgt, %parallel_loop3A_134, %parallel_loop3A_137 : i32
        %parallel_loop3A_139 = arith.extui %parallel_loop3A_138 : i1 to i32
        %parallel_loop3A_140 = arith.constant 0 : i32
        %parallel_loop3A_141 = arith.cmpi slt, %parallel_loop3A_134, %parallel_loop3A_140 : i32
        %parallel_loop3A_142 = arith.extui %parallel_loop3A_141 : i1 to i32
        %parallel_loop3A_143 = arith.subi %parallel_loop3A_139, %parallel_loop3A_142 : i32
        %parallel_loop3A_144 = arith.constant 0 : i32
        %parallel_loop3A_145 = arith.cmpi sgt, %parallel_loop3A_135, %parallel_loop3A_144 : i32
        %parallel_loop3A_146 = arith.extui %parallel_loop3A_145 : i1 to i32
        %parallel_loop3A_147 = arith.constant 0 : i32
        %parallel_loop3A_148 = arith.cmpi slt, %parallel_loop3A_135, %parallel_loop3A_147 : i32
        %parallel_loop3A_149 = arith.extui %parallel_loop3A_148 : i1 to i32
        %parallel_loop3A_150 = arith.subi %parallel_loop3A_146, %parallel_loop3A_149 : i32
        %parallel_loop3A_151 = arith.cmpi ne, %parallel_loop3A_143, %parallel_loop3A_150 : i32
        %parallel_loop3A_152 = arith.remsi %parallel_loop3A_134, %parallel_loop3A_135 : i32
        %parallel_loop3A_153 = arith.constant 0 : i32
        %parallel_loop3A_154 = arith.cmpi ne, %parallel_loop3A_152, %parallel_loop3A_153 : i32
        %parallel_loop3A_155 = arith.andi %parallel_loop3A_151, %parallel_loop3A_154 : i1
        %parallel_loop3A_156 = arith.constant 1 : i32
        %parallel_loop3A_157 = arith.subi %parallel_loop3A_136, %parallel_loop3A_156 : i32
        %parallel_loop3A_158 = arith.select %parallel_loop3A_155, %parallel_loop3A_157, %parallel_loop3A_136 : i32
        %parallel_loop3A_159 = arith.constant 32 : i32
        %parallel_loop3A_160 = arith.constant 0 : i32
        %parallel_loop3A_161 = arith.cmpi eq, %parallel_loop3A_159, %parallel_loop3A_160 : i32
        %parallel_loop3A_162 = arith.constant 1 : i32
        %parallel_loop3A_163 = arith.select %parallel_loop3A_161, %parallel_loop3A_162, %parallel_loop3A_159 : i32
        %parallel_loop3A_164 = arith.remsi %parallel_loop3A_134, %parallel_loop3A_163 : i32
        %parallel_loop3A_165 = arith.constant 0 : i32
        %parallel_loop3A_166 = arith.cmpi ne, %parallel_loop3A_164, %parallel_loop3A_165 : i32
        %parallel_loop3A_167 = arith.constant 0 : i32
        %parallel_loop3A_168 = arith.cmpi slt, %parallel_loop3A_164, %parallel_loop3A_167 : i32
        %parallel_loop3A_169 = arith.constant 0 : i32
        %parallel_loop3A_170 = arith.cmpi slt, %parallel_loop3A_163, %parallel_loop3A_169 : i32
        %parallel_loop3A_171 = arith.xori %parallel_loop3A_168, %parallel_loop3A_170 : i1
        %parallel_loop3A_172 = arith.andi %parallel_loop3A_171, %parallel_loop3A_166 : i1
        %parallel_loop3A_173 = arith.addi %parallel_loop3A_164, %parallel_loop3A_163 : i32
        %parallel_loop3A_174 = arith.select %parallel_loop3A_172, %parallel_loop3A_173, %parallel_loop3A_164 : i32
        %parallel_loop3A_175 = arith.constant 16 : i32
        %parallel_loop3A_176 = arith.muli %parallel_loop3A_174, %parallel_loop3A_175 : i32
        %parallel_loop3A_177 = arith.index_cast %parallel_loop3A_158 : i32 to index
        %parallel_loop3A_178 = arith.index_cast %parallel_loop3A_176 : i32 to index
        %parallel_loop3A_179 = tpu.vector_load %arg6[%parallel_loop3A_177, %parallel_loop3A_178] {strides = array<i32>} : memref<32x512xf32, #tpu.memory_space<vmem>>, vector<16xf32>,
        %parallel_loop3A_180 = arith.constant 2.560000e+02 : f32
        %parallel_loop3A_181 = vector.broadcast %parallel_loop3A_180 : f32 to vector<16xf32>
        %parallel_loop3A_182 = arith.mulf %parallel_loop3A_179, %parallel_loop3A_181 : vector<16xf32>
        %parallel_loop3A_183 = arith.fptosi %parallel_loop3A_182 : vector<16xf32> to vector<16xi32>
        %parallel_loop3A_184 = arith.addi %parallel_loop3A_183, %add3A_33 : vector<16xi32>
        tpu.vector_store_idx %arg7[%parallel_loop3A_184], %broadcast_in_dim3A_3 {add = true} : memref<24592xf32, #tpu.memory_space<vmem>>[vector<16xi32>], vector<16xf32>,
      } {sc.loop_unroll_factor = 8 : i64, sc.parallel_access}
      %scan3A_133 = arith.constant 0 : i32
      scf.yield %scan3A_133 : i32
    }
    %scan3A_40 = arith.constant 8 : i32
    %add3A_41 = arith.constant 512 : i32
    %add3A_42 = vector.broadcast %add3A_41 : i32 to vector<16xi32>
    %add3A_43 = arith.addi %mul3A_6, %add3A_42 : vector<16xi32>
    %scan3A_44 = arith.constant 0 : i32
    %scan3A_45 = arith.constant 0 : i32
    %scan3A_46 = arith.constant 8 : i32
    %scan3A_47 = arith.addi %scan3A_45, %scan3A_46 : i32
    %scan3A_48 = arith.constant 1 : i32
    %scan3A_49 = scf.for %scan3A_88 = %scan3A_45 to %scan3A_47 step %scan3A_48 iter_args(%scan3A_89 = %scan3A_44) -> (i32)  : i32 {
      %mul3A_90 = arith.constant 2 : i32
      %mul3A_91 = arith.muli %mul3A_90, %scan3A_88 : i32
      %add3A_92 = arith.constant 1 : i32
      %add3A_93 = arith.addi %mul3A_91, %add3A_92 : i32
      %mul3A_94 = arith.constant 32 : i32
      %mul3A_95 = arith.muli %add3A_93, %mul3A_94 : i32
      %dma_start3A_96 = arith.constant 2 : i32
      %dma_start3A_97 = arith.constant 0 : i32
      %dma_start3A_98 = tpu.memref_slice %arg2[%add3A, %dma_start3A_96, %mul3A_95, %dma_start3A_97] : memref<32x3x512x512xf32, #tpu.memory_space<hbm>> -> memref<1x1x32x512xf32, #tpu.memory_space<hbm>>
      %dma_start3A_99 = tpu.memref_squeeze %dma_start3A_98 : memref<1x1x32x512xf32, #tpu.memory_space<hbm>> -> memref<32x512xf32, #tpu.memory_space<hbm>>
      %dma_start3A_100 = arith.constant 0 : i32
      %dma_start3A_101 = tpu.memref_slice %arg2[%add3A, %dma_start3A_96, %mul3A_95, %dma_start3A_100] : memref<32x3x512x512xf32, #tpu.memory_space<hbm>> -> memref<1x1x32x512xf32, #tpu.memory_space<hbm>>
      %dma_start3A_102 = tpu.memref_squeeze %dma_start3A_101 : memref<1x1x32x512xf32, #tpu.memory_space<hbm>> -> memref<32x512xf32, #tpu.memory_space<hbm>>
      tpu.enqueue_dma source(%dma_start3A_102 : memref<32x512xf32, #tpu.memory_space<hbm>>) target(%arg6 : memref<32x512xf32, #tpu.memory_space<vmem>>) target_semaphore(%arg10 : memref<!tpu.dma_semaphore, #tpu.memory_space<semaphore_mem>>)
      %mul3A_103 = arith.constant 32 : i32
      %mul3A_104 = arith.muli %mul3A_91, %mul3A_103 : i32
      %dma_wait3A = arith.constant 2 : i32
      %dma_wait3A_105 = arith.constant 0 : i32
      %dma_wait3A_106 = tpu.memref_slice %arg2[%add3A, %dma_wait3A, %mul3A_104, %dma_wait3A_105] : memref<32x3x512x512xf32, #tpu.memory_space<hbm>> -> memref<1x1x32x512xf32, #tpu.memory_space<hbm>>
      %dma_wait3A_107 = tpu.memref_squeeze %dma_wait3A_106 : memref<1x1x32x512xf32, #tpu.memory_space<hbm>> -> memref<32x512xf32, #tpu.memory_space<hbm>>
      %dma_wait3A_108 = arith.constant 0 : i32
      %dma_wait3A_109 = tpu.memref_slice %arg2[%add3A, %dma_wait3A, %mul3A_104, %dma_wait3A_108] : memref<32x3x512x512xf32, #tpu.memory_space<hbm>> -> memref<1x1x32x512xf32, #tpu.memory_space<hbm>>
      %dma_wait3A_110 = tpu.memref_squeeze %dma_wait3A_109 : memref<1x1x32x512xf32, #tpu.memory_space<hbm>> -> memref<32x512xf32, #tpu.memory_space<hbm>>
      tpu.wait_dma2 semaphore(%arg9 : memref<!tpu.dma_semaphore, #tpu.memory_space<semaphore_mem>>) src(%dma_wait3A_110 : memref<32x512xf32, #tpu.memory_space<hbm>>) dst(%arg5 : memref<32x512xf32, #tpu.memory_space<vmem>>)
      %parallel_loop3A = arith.constant 0 : i32
      %parallel_loop3A_111 = arith.constant 1024 : i32
      %parallel_loop3A_112 = arith.constant 1 : i32
      scf.for %parallel_loop3A_134 = %parallel_loop3A to %parallel_loop3A_111 step %parallel_loop3A_112  : i32 {
        %parallel_loop3A_135 = arith.constant 32 : i32
        %parallel_loop3A_136 = arith.divsi %parallel_loop3A_134, %parallel_loop3A_135 : i32
        %parallel_loop3A_137 = arith.constant 0 : i32
        %parallel_loop3A_138 = arith.cmpi sgt, %parallel_loop3A_134, %parallel_loop3A_137 : i32
        %parallel_loop3A_139 = arith.extui %parallel_loop3A_138 : i1 to i32
        %parallel_loop3A_140 = arith.constant 0 : i32
        %parallel_loop3A_141 = arith.cmpi slt, %parallel_loop3A_134, %parallel_loop3A_140 : i32
        %parallel_loop3A_142 = arith.extui %parallel_loop3A_141 : i1 to i32
        %parallel_loop3A_143 = arith.subi %parallel_loop3A_139, %parallel_loop3A_142 : i32
        %parallel_loop3A_144 = arith.constant 0 : i32
        %parallel_loop3A_145 = arith.cmpi sgt, %parallel_loop3A_135, %parallel_loop3A_144 : i32
        %parallel_loop3A_146 = arith.extui %parallel_loop3A_145 : i1 to i32
        %parallel_loop3A_147 = arith.constant 0 : i32
        %parallel_loop3A_148 = arith.cmpi slt, %parallel_loop3A_135, %parallel_loop3A_147 : i32
        %parallel_loop3A_149 = arith.extui %parallel_loop3A_148 : i1 to i32
        %parallel_loop3A_150 = arith.subi %parallel_loop3A_146, %parallel_loop3A_149 : i32
        %parallel_loop3A_151 = arith.cmpi ne, %parallel_loop3A_143, %parallel_loop3A_150 : i32
        %parallel_loop3A_152 = arith.remsi %parallel_loop3A_134, %parallel_loop3A_135 : i32
        %parallel_loop3A_153 = arith.constant 0 : i32
        %parallel_loop3A_154 = arith.cmpi ne, %parallel_loop3A_152, %parallel_loop3A_153 : i32
        %parallel_loop3A_155 = arith.andi %parallel_loop3A_151, %parallel_loop3A_154 : i1
        %parallel_loop3A_156 = arith.constant 1 : i32
        %parallel_loop3A_157 = arith.subi %parallel_loop3A_136, %parallel_loop3A_156 : i32
        %parallel_loop3A_158 = arith.select %parallel_loop3A_155, %parallel_loop3A_157, %parallel_loop3A_136 : i32
        %parallel_loop3A_159 = arith.constant 32 : i32
        %parallel_loop3A_160 = arith.constant 0 : i32
        %parallel_loop3A_161 = arith.cmpi eq, %parallel_loop3A_159, %parallel_loop3A_160 : i32
        %parallel_loop3A_162 = arith.constant 1 : i32
        %parallel_loop3A_163 = arith.select %parallel_loop3A_161, %parallel_loop3A_162, %parallel_loop3A_159 : i32
        %parallel_loop3A_164 = arith.remsi %parallel_loop3A_134, %parallel_loop3A_163 : i32
        %parallel_loop3A_165 = arith.constant 0 : i32
        %parallel_loop3A_166 = arith.cmpi ne, %parallel_loop3A_164, %parallel_loop3A_165 : i32
        %parallel_loop3A_167 = arith.constant 0 : i32
        %parallel_loop3A_168 = arith.cmpi slt, %parallel_loop3A_164, %parallel_loop3A_167 : i32
        %parallel_loop3A_169 = arith.constant 0 : i32
        %parallel_loop3A_170 = arith.cmpi slt, %parallel_loop3A_163, %parallel_loop3A_169 : i32
        %parallel_loop3A_171 = arith.xori %parallel_loop3A_168, %parallel_loop3A_170 : i1
        %parallel_loop3A_172 = arith.andi %parallel_loop3A_171, %parallel_loop3A_166 : i1
        %parallel_loop3A_173 = arith.addi %parallel_loop3A_164, %parallel_loop3A_163 : i32
        %parallel_loop3A_174 = arith.select %parallel_loop3A_172, %parallel_loop3A_173, %parallel_loop3A_164 : i32
        %parallel_loop3A_175 = arith.constant 16 : i32
        %parallel_loop3A_176 = arith.muli %parallel_loop3A_174, %parallel_loop3A_175 : i32
        %parallel_loop3A_177 = arith.index_cast %parallel_loop3A_158 : i32 to index
        %parallel_loop3A_178 = arith.index_cast %parallel_loop3A_176 : i32 to index
        %parallel_loop3A_179 = tpu.vector_load %arg5[%parallel_loop3A_177, %parallel_loop3A_178] {strides = array<i32>} : memref<32x512xf32, #tpu.memory_space<vmem>>, vector<16xf32>,
        %parallel_loop3A_180 = arith.constant 2.560000e+02 : f32
        %parallel_loop3A_181 = vector.broadcast %parallel_loop3A_180 : f32 to vector<16xf32>
        %parallel_loop3A_182 = arith.mulf %parallel_loop3A_179, %parallel_loop3A_181 : vector<16xf32>
        %parallel_loop3A_183 = arith.fptosi %parallel_loop3A_182 : vector<16xf32> to vector<16xi32>
        %parallel_loop3A_184 = arith.addi %parallel_loop3A_183, %add3A_43 : vector<16xi32>
        tpu.vector_store_idx %arg7[%parallel_loop3A_184], %broadcast_in_dim3A_3 {add = true} : memref<24592xf32, #tpu.memory_space<vmem>>[vector<16xi32>], vector<16xf32>,
      } {sc.loop_unroll_factor = 8 : i64, sc.parallel_access}
      %lt3A = arith.constant 7 : i32
      %lt3A_113 = arith.cmpi slt, %scan3A_88, %lt3A : i32
      %convert_element_type3A = arith.extui %lt3A_113 : i1 to i32
      %cond3A = arith.constant 0 : i32
      %cond3A_114 = arith.cmpi ne, %convert_element_type3A, %cond3A : i32
      scf.if %cond3A_114 {
        %add3A_134 = arith.constant 2 : i32
        %add3A_135 = arith.addi %mul3A_91, %add3A_134 : i32
        %mul3A_136 = arith.constant 32 : i32
        %mul3A_137 = arith.muli %add3A_135, %mul3A_136 : i32
        %dma_start3A_138 = arith.constant 2 : i32
        %dma_start3A_139 = arith.constant 0 : i32
        %dma_start3A_140 = tpu.memref_slice %arg2[%add3A, %dma_start3A_138, %mul3A_137, %dma_start3A_139] : memref<32x3x512x512xf32, #tpu.memory_space<hbm>> -> memref<1x1x32x512xf32, #tpu.memory_space<hbm>>
        %dma_start3A_141 = tpu.memref_squeeze %dma_start3A_140 : memref<1x1x32x512xf32, #tpu.memory_space<hbm>> -> memref<32x512xf32, #tpu.memory_space<hbm>>
        %dma_start3A_142 = arith.constant 0 : i32
        %dma_start3A_143 = tpu.memref_slice %arg2[%add3A, %dma_start3A_138, %mul3A_137, %dma_start3A_142] : memref<32x3x512x512xf32, #tpu.memory_space<hbm>> -> memref<1x1x32x512xf32, #tpu.memory_space<hbm>>
        %dma_start3A_144 = tpu.memref_squeeze %dma_start3A_143 : memref<1x1x32x512xf32, #tpu.memory_space<hbm>> -> memref<32x512xf32, #tpu.memory_space<hbm>>
        tpu.enqueue_dma source(%dma_start3A_144 : memref<32x512xf32, #tpu.memory_space<hbm>>) target(%arg5 : memref<32x512xf32, #tpu.memory_space<vmem>>) target_semaphore(%arg9 : memref<!tpu.dma_semaphore, #tpu.memory_space<semaphore_mem>>)
      } else {
      }
      %eq3A = arith.constant 7 : i32
      %eq3A_115 = arith.cmpi eq, %scan3A_88, %eq3A : i32
      %convert_element_type3A_116 = arith.extui %eq3A_115 : i1 to i32
      %cond3A_117 = arith.constant 0 : i32
      %cond3A_118 = arith.cmpi ne, %convert_element_type3A_116, %cond3A_117 : i32
      scf.if %cond3A_118 {
        %dma_start3A_134 = arith.constant 0 : i32
        %dma_start3A_135 = arith.constant 0 : i32
        %dma_start3A_136 = arith.constant 0 : i32
        %dma_start3A_137 = tpu.memref_slice %arg3[%add3A, %dma_start3A_134, %dma_start3A_135, %dma_start3A_136] : memref<32x3x512x512xf32, #tpu.memory_space<hbm>> -> memref<1x1x32x512xf32, #tpu.memory_space<hbm>>
        %dma_start3A_138 = tpu.memref_squeeze %dma_start3A_137 : memref<1x1x32x512xf32, #tpu.memory_space<hbm>> -> memref<32x512xf32, #tpu.memory_space<hbm>>
        %dma_start3A_139 = arith.constant 0 : i32
        %dma_start3A_140 = arith.constant 0 : i32
        %dma_start3A_141 = tpu.memref_slice %arg3[%add3A, %dma_start3A_134, %dma_start3A_139, %dma_start3A_140] : memref<32x3x512x512xf32, #tpu.memory_space<hbm>> -> memref<1x1x32x512xf32, #tpu.memory_space<hbm>>
        %dma_start3A_142 = tpu.memref_squeeze %dma_start3A_141 : memref<1x1x32x512xf32, #tpu.memory_space<hbm>> -> memref<32x512xf32, #tpu.memory_space<hbm>>
        tpu.enqueue_dma source(%dma_start3A_142 : memref<32x512xf32, #tpu.memory_space<hbm>>) target(%arg5 : memref<32x512xf32, #tpu.memory_space<vmem>>) target_semaphore(%arg9 : memref<!tpu.dma_semaphore, #tpu.memory_space<semaphore_mem>>)
      } else {
      }
      %add3A_119 = arith.constant 1 : i32
      %add3A_120 = arith.addi %mul3A_91, %add3A_119 : i32
      %mul3A_121 = arith.constant 32 : i32
      %mul3A_122 = arith.muli %add3A_120, %mul3A_121 : i32
      %dma_wait3A_123 = arith.constant 2 : i32
      %dma_wait3A_124 = arith.constant 0 : i32
      %dma_wait3A_125 = tpu.memref_slice %arg2[%add3A, %dma_wait3A_123, %mul3A_122, %dma_wait3A_124] : memref<32x3x512x512xf32, #tpu.memory_space<hbm>> -> memref<1x1x32x512xf32, #tpu.memory_space<hbm>>
      %dma_wait3A_126 = tpu.memref_squeeze %dma_wait3A_125 : memref<1x1x32x512xf32, #tpu.memory_space<hbm>> -> memref<32x512xf32, #tpu.memory_space<hbm>>
      %dma_wait3A_127 = arith.constant 0 : i32
      %dma_wait3A_128 = tpu.memref_slice %arg2[%add3A, %dma_wait3A_123, %mul3A_122, %dma_wait3A_127] : memref<32x3x512x512xf32, #tpu.memory_space<hbm>> -> memref<1x1x32x512xf32, #tpu.memory_space<hbm>>
      %dma_wait3A_129 = tpu.memref_squeeze %dma_wait3A_128 : memref<1x1x32x512xf32, #tpu.memory_space<hbm>> -> memref<32x512xf32, #tpu.memory_space<hbm>>
      tpu.wait_dma2 semaphore(%arg10 : memref<!tpu.dma_semaphore, #tpu.memory_space<semaphore_mem>>) src(%dma_wait3A_129 : memref<32x512xf32, #tpu.memory_space<hbm>>) dst(%arg6 : memref<32x512xf32, #tpu.memory_space<vmem>>)
      %parallel_loop3A_130 = arith.constant 0 : i32
      %parallel_loop3A_131 = arith.constant 1024 : i32
      %parallel_loop3A_132 = arith.constant 1 : i32
      scf.for %parallel_loop3A_134 = %parallel_loop3A_130 to %parallel_loop3A_131 step %parallel_loop3A_132  : i32 {
        %parallel_loop3A_135 = arith.constant 32 : i32
        %parallel_loop3A_136 = arith.divsi %parallel_loop3A_134, %parallel_loop3A_135 : i32
        %parallel_loop3A_137 = arith.constant 0 : i32
        %parallel_loop3A_138 = arith.cmpi sgt, %parallel_loop3A_134, %parallel_loop3A_137 : i32
        %parallel_loop3A_139 = arith.extui %parallel_loop3A_138 : i1 to i32
        %parallel_loop3A_140 = arith.constant 0 : i32
        %parallel_loop3A_141 = arith.cmpi slt, %parallel_loop3A_134, %parallel_loop3A_140 : i32
        %parallel_loop3A_142 = arith.extui %parallel_loop3A_141 : i1 to i32
        %parallel_loop3A_143 = arith.subi %parallel_loop3A_139, %parallel_loop3A_142 : i32
        %parallel_loop3A_144 = arith.constant 0 : i32
        %parallel_loop3A_145 = arith.cmpi sgt, %parallel_loop3A_135, %parallel_loop3A_144 : i32
        %parallel_loop3A_146 = arith.extui %parallel_loop3A_145 : i1 to i32
        %parallel_loop3A_147 = arith.constant 0 : i32
        %parallel_loop3A_148 = arith.cmpi slt, %parallel_loop3A_135, %parallel_loop3A_147 : i32
        %parallel_loop3A_149 = arith.extui %parallel_loop3A_148 : i1 to i32
        %parallel_loop3A_150 = arith.subi %parallel_loop3A_146, %parallel_loop3A_149 : i32
        %parallel_loop3A_151 = arith.cmpi ne, %parallel_loop3A_143, %parallel_loop3A_150 : i32
        %parallel_loop3A_152 = arith.remsi %parallel_loop3A_134, %parallel_loop3A_135 : i32
        %parallel_loop3A_153 = arith.constant 0 : i32
        %parallel_loop3A_154 = arith.cmpi ne, %parallel_loop3A_152, %parallel_loop3A_153 : i32
        %parallel_loop3A_155 = arith.andi %parallel_loop3A_151, %parallel_loop3A_154 : i1
        %parallel_loop3A_156 = arith.constant 1 : i32
        %parallel_loop3A_157 = arith.subi %parallel_loop3A_136, %parallel_loop3A_156 : i32
        %parallel_loop3A_158 = arith.select %parallel_loop3A_155, %parallel_loop3A_157, %parallel_loop3A_136 : i32
        %parallel_loop3A_159 = arith.constant 32 : i32
        %parallel_loop3A_160 = arith.constant 0 : i32
        %parallel_loop3A_161 = arith.cmpi eq, %parallel_loop3A_159, %parallel_loop3A_160 : i32
        %parallel_loop3A_162 = arith.constant 1 : i32
        %parallel_loop3A_163 = arith.select %parallel_loop3A_161, %parallel_loop3A_162, %parallel_loop3A_159 : i32
        %parallel_loop3A_164 = arith.remsi %parallel_loop3A_134, %parallel_loop3A_163 : i32
        %parallel_loop3A_165 = arith.constant 0 : i32
        %parallel_loop3A_166 = arith.cmpi ne, %parallel_loop3A_164, %parallel_loop3A_165 : i32
        %parallel_loop3A_167 = arith.constant 0 : i32
        %parallel_loop3A_168 = arith.cmpi slt, %parallel_loop3A_164, %parallel_loop3A_167 : i32
        %parallel_loop3A_169 = arith.constant 0 : i32
        %parallel_loop3A_170 = arith.cmpi slt, %parallel_loop3A_163, %parallel_loop3A_169 : i32
        %parallel_loop3A_171 = arith.xori %parallel_loop3A_168, %parallel_loop3A_170 : i1
        %parallel_loop3A_172 = arith.andi %parallel_loop3A_171, %parallel_loop3A_166 : i1
        %parallel_loop3A_173 = arith.addi %parallel_loop3A_164, %parallel_loop3A_163 : i32
        %parallel_loop3A_174 = arith.select %parallel_loop3A_172, %parallel_loop3A_173, %parallel_loop3A_164 : i32
        %parallel_loop3A_175 = arith.constant 16 : i32
        %parallel_loop3A_176 = arith.muli %parallel_loop3A_174, %parallel_loop3A_175 : i32
        %parallel_loop3A_177 = arith.index_cast %parallel_loop3A_158 : i32 to index
        %parallel_loop3A_178 = arith.index_cast %parallel_loop3A_176 : i32 to index
        %parallel_loop3A_179 = tpu.vector_load %arg6[%parallel_loop3A_177, %parallel_loop3A_178] {strides = array<i32>} : memref<32x512xf32, #tpu.memory_space<vmem>>, vector<16xf32>,
        %parallel_loop3A_180 = arith.constant 2.560000e+02 : f32
        %parallel_loop3A_181 = vector.broadcast %parallel_loop3A_180 : f32 to vector<16xf32>
        %parallel_loop3A_182 = arith.mulf %parallel_loop3A_179, %parallel_loop3A_181 : vector<16xf32>
        %parallel_loop3A_183 = arith.fptosi %parallel_loop3A_182 : vector<16xf32> to vector<16xi32>
        %parallel_loop3A_184 = arith.addi %parallel_loop3A_183, %add3A_43 : vector<16xi32>
        tpu.vector_store_idx %arg7[%parallel_loop3A_184], %broadcast_in_dim3A_3 {add = true} : memref<24592xf32, #tpu.memory_space<vmem>>[vector<16xi32>], vector<16xf32>,
      } {sc.loop_unroll_factor = 8 : i64, sc.parallel_access}
      %scan3A_133 = arith.constant 0 : i32
      scf.yield %scan3A_133 : i32
    }
    %scan3A_50 = arith.constant 8 : i32
    %add3A_51 = arith.constant 768 : i32
    %add3A_52 = vector.broadcast %add3A_51 : i32 to vector<16xi32>
    %add3A_53 = arith.addi %mul3A_6, %add3A_52 : vector<16xi32>
    %scan3A_54 = arith.constant 0 : i32
    %scan3A_55 = arith.constant 0 : i32
    %scan3A_56 = arith.constant 8 : i32
    %scan3A_57 = arith.addi %scan3A_55, %scan3A_56 : i32
    %scan3A_58 = arith.constant 1 : i32
    %scan3A_59 = scf.for %scan3A_88 = %scan3A_55 to %scan3A_57 step %scan3A_58 iter_args(%scan3A_89 = %scan3A_54) -> (i32)  : i32 {
      %mul3A_90 = arith.constant 2 : i32
      %mul3A_91 = arith.muli %mul3A_90, %scan3A_88 : i32
      %add3A_92 = arith.constant 1 : i32
      %add3A_93 = arith.addi %mul3A_91, %add3A_92 : i32
      %mul3A_94 = arith.constant 32 : i32
      %mul3A_95 = arith.muli %add3A_93, %mul3A_94 : i32
      %dma_start3A_96 = arith.constant 0 : i32
      %dma_start3A_97 = arith.constant 0 : i32
      %dma_start3A_98 = tpu.memref_slice %arg3[%add3A, %dma_start3A_96, %mul3A_95, %dma_start3A_97] : memref<32x3x512x512xf32, #tpu.memory_space<hbm>> -> memref<1x1x32x512xf32, #tpu.memory_space<hbm>>
      %dma_start3A_99 = tpu.memref_squeeze %dma_start3A_98 : memref<1x1x32x512xf32, #tpu.memory_space<hbm>> -> memref<32x512xf32, #tpu.memory_space<hbm>>
      %dma_start3A_100 = arith.constant 0 : i32
      %dma_start3A_101 = tpu.memref_slice %arg3[%add3A, %dma_start3A_96, %mul3A_95, %dma_start3A_100] : memref<32x3x512x512xf32, #tpu.memory_space<hbm>> -> memref<1x1x32x512xf32, #tpu.memory_space<hbm>>
      %dma_start3A_102 = tpu.memref_squeeze %dma_start3A_101 : memref<1x1x32x512xf32, #tpu.memory_space<hbm>> -> memref<32x512xf32, #tpu.memory_space<hbm>>
      tpu.enqueue_dma source(%dma_start3A_102 : memref<32x512xf32, #tpu.memory_space<hbm>>) target(%arg6 : memref<32x512xf32, #tpu.memory_space<vmem>>) target_semaphore(%arg10 : memref<!tpu.dma_semaphore, #tpu.memory_space<semaphore_mem>>)
      %mul3A_103 = arith.constant 32 : i32
      %mul3A_104 = arith.muli %mul3A_91, %mul3A_103 : i32
      %dma_wait3A = arith.constant 0 : i32
      %dma_wait3A_105 = arith.constant 0 : i32
      %dma_wait3A_106 = tpu.memref_slice %arg3[%add3A, %dma_wait3A, %mul3A_104, %dma_wait3A_105] : memref<32x3x512x512xf32, #tpu.memory_space<hbm>> -> memref<1x1x32x512xf32, #tpu.memory_space<hbm>>
      %dma_wait3A_107 = tpu.memref_squeeze %dma_wait3A_106 : memref<1x1x32x512xf32, #tpu.memory_space<hbm>> -> memref<32x512xf32, #tpu.memory_space<hbm>>
      %dma_wait3A_108 = arith.constant 0 : i32
      %dma_wait3A_109 = tpu.memref_slice %arg3[%add3A, %dma_wait3A, %mul3A_104, %dma_wait3A_108] : memref<32x3x512x512xf32, #tpu.memory_space<hbm>> -> memref<1x1x32x512xf32, #tpu.memory_space<hbm>>
      %dma_wait3A_110 = tpu.memref_squeeze %dma_wait3A_109 : memref<1x1x32x512xf32, #tpu.memory_space<hbm>> -> memref<32x512xf32, #tpu.memory_space<hbm>>
      tpu.wait_dma2 semaphore(%arg9 : memref<!tpu.dma_semaphore, #tpu.memory_space<semaphore_mem>>) src(%dma_wait3A_110 : memref<32x512xf32, #tpu.memory_space<hbm>>) dst(%arg5 : memref<32x512xf32, #tpu.memory_space<vmem>>)
      %parallel_loop3A = arith.constant 0 : i32
      %parallel_loop3A_111 = arith.constant 1024 : i32
      %parallel_loop3A_112 = arith.constant 1 : i32
      scf.for %parallel_loop3A_134 = %parallel_loop3A to %parallel_loop3A_111 step %parallel_loop3A_112  : i32 {
        %parallel_loop3A_135 = arith.constant 32 : i32
        %parallel_loop3A_136 = arith.divsi %parallel_loop3A_134, %parallel_loop3A_135 : i32
        %parallel_loop3A_137 = arith.constant 0 : i32
        %parallel_loop3A_138 = arith.cmpi sgt, %parallel_loop3A_134, %parallel_loop3A_137 : i32
        %parallel_loop3A_139 = arith.extui %parallel_loop3A_138 : i1 to i32
        %parallel_loop3A_140 = arith.constant 0 : i32
        %parallel_loop3A_141 = arith.cmpi slt, %parallel_loop3A_134, %parallel_loop3A_140 : i32
        %parallel_loop3A_142 = arith.extui %parallel_loop3A_141 : i1 to i32
        %parallel_loop3A_143 = arith.subi %parallel_loop3A_139, %parallel_loop3A_142 : i32
        %parallel_loop3A_144 = arith.constant 0 : i32
        %parallel_loop3A_145 = arith.cmpi sgt, %parallel_loop3A_135, %parallel_loop3A_144 : i32
        %parallel_loop3A_146 = arith.extui %parallel_loop3A_145 : i1 to i32
        %parallel_loop3A_147 = arith.constant 0 : i32
        %parallel_loop3A_148 = arith.cmpi slt, %parallel_loop3A_135, %parallel_loop3A_147 : i32
        %parallel_loop3A_149 = arith.extui %parallel_loop3A_148 : i1 to i32
        %parallel_loop3A_150 = arith.subi %parallel_loop3A_146, %parallel_loop3A_149 : i32
        %parallel_loop3A_151 = arith.cmpi ne, %parallel_loop3A_143, %parallel_loop3A_150 : i32
        %parallel_loop3A_152 = arith.remsi %parallel_loop3A_134, %parallel_loop3A_135 : i32
        %parallel_loop3A_153 = arith.constant 0 : i32
        %parallel_loop3A_154 = arith.cmpi ne, %parallel_loop3A_152, %parallel_loop3A_153 : i32
        %parallel_loop3A_155 = arith.andi %parallel_loop3A_151, %parallel_loop3A_154 : i1
        %parallel_loop3A_156 = arith.constant 1 : i32
        %parallel_loop3A_157 = arith.subi %parallel_loop3A_136, %parallel_loop3A_156 : i32
        %parallel_loop3A_158 = arith.select %parallel_loop3A_155, %parallel_loop3A_157, %parallel_loop3A_136 : i32
        %parallel_loop3A_159 = arith.constant 32 : i32
        %parallel_loop3A_160 = arith.constant 0 : i32
        %parallel_loop3A_161 = arith.cmpi eq, %parallel_loop3A_159, %parallel_loop3A_160 : i32
        %parallel_loop3A_162 = arith.constant 1 : i32
        %parallel_loop3A_163 = arith.select %parallel_loop3A_161, %parallel_loop3A_162, %parallel_loop3A_159 : i32
        %parallel_loop3A_164 = arith.remsi %parallel_loop3A_134, %parallel_loop3A_163 : i32
        %parallel_loop3A_165 = arith.constant 0 : i32
        %parallel_loop3A_166 = arith.cmpi ne, %parallel_loop3A_164, %parallel_loop3A_165 : i32
        %parallel_loop3A_167 = arith.constant 0 : i32
        %parallel_loop3A_168 = arith.cmpi slt, %parallel_loop3A_164, %parallel_loop3A_167 : i32
        %parallel_loop3A_169 = arith.constant 0 : i32
        %parallel_loop3A_170 = arith.cmpi slt, %parallel_loop3A_163, %parallel_loop3A_169 : i32
        %parallel_loop3A_171 = arith.xori %parallel_loop3A_168, %parallel_loop3A_170 : i1
        %parallel_loop3A_172 = arith.andi %parallel_loop3A_171, %parallel_loop3A_166 : i1
        %parallel_loop3A_173 = arith.addi %parallel_loop3A_164, %parallel_loop3A_163 : i32
        %parallel_loop3A_174 = arith.select %parallel_loop3A_172, %parallel_loop3A_173, %parallel_loop3A_164 : i32
        %parallel_loop3A_175 = arith.constant 16 : i32
        %parallel_loop3A_176 = arith.muli %parallel_loop3A_174, %parallel_loop3A_175 : i32
        %parallel_loop3A_177 = arith.index_cast %parallel_loop3A_158 : i32 to index
        %parallel_loop3A_178 = arith.index_cast %parallel_loop3A_176 : i32 to index
        %parallel_loop3A_179 = tpu.vector_load %arg5[%parallel_loop3A_177, %parallel_loop3A_178] {strides = array<i32>} : memref<32x512xf32, #tpu.memory_space<vmem>>, vector<16xf32>,
        %parallel_loop3A_180 = arith.constant 2.560000e+02 : f32
        %parallel_loop3A_181 = vector.broadcast %parallel_loop3A_180 : f32 to vector<16xf32>
        %parallel_loop3A_182 = arith.mulf %parallel_loop3A_179, %parallel_loop3A_181 : vector<16xf32>
        %parallel_loop3A_183 = arith.fptosi %parallel_loop3A_182 : vector<16xf32> to vector<16xi32>
        %parallel_loop3A_184 = arith.addi %parallel_loop3A_183, %add3A_53 : vector<16xi32>
        tpu.vector_store_idx %arg7[%parallel_loop3A_184], %broadcast_in_dim3A_3 {add = true} : memref<24592xf32, #tpu.memory_space<vmem>>[vector<16xi32>], vector<16xf32>,
      } {sc.loop_unroll_factor = 8 : i64, sc.parallel_access}
      %lt3A = arith.constant 7 : i32
      %lt3A_113 = arith.cmpi slt, %scan3A_88, %lt3A : i32
      %convert_element_type3A = arith.extui %lt3A_113 : i1 to i32
      %cond3A = arith.constant 0 : i32
      %cond3A_114 = arith.cmpi ne, %convert_element_type3A, %cond3A : i32
      scf.if %cond3A_114 {
        %add3A_134 = arith.constant 2 : i32
        %add3A_135 = arith.addi %mul3A_91, %add3A_134 : i32
        %mul3A_136 = arith.constant 32 : i32
        %mul3A_137 = arith.muli %add3A_135, %mul3A_136 : i32
        %dma_start3A_138 = arith.constant 0 : i32
        %dma_start3A_139 = arith.constant 0 : i32
        %dma_start3A_140 = tpu.memref_slice %arg3[%add3A, %dma_start3A_138, %mul3A_137, %dma_start3A_139] : memref<32x3x512x512xf32, #tpu.memory_space<hbm>> -> memref<1x1x32x512xf32, #tpu.memory_space<hbm>>
        %dma_start3A_141 = tpu.memref_squeeze %dma_start3A_140 : memref<1x1x32x512xf32, #tpu.memory_space<hbm>> -> memref<32x512xf32, #tpu.memory_space<hbm>>
        %dma_start3A_142 = arith.constant 0 : i32
        %dma_start3A_143 = tpu.memref_slice %arg3[%add3A, %dma_start3A_138, %mul3A_137, %dma_start3A_142] : memref<32x3x512x512xf32, #tpu.memory_space<hbm>> -> memref<1x1x32x512xf32, #tpu.memory_space<hbm>>
        %dma_start3A_144 = tpu.memref_squeeze %dma_start3A_143 : memref<1x1x32x512xf32, #tpu.memory_space<hbm>> -> memref<32x512xf32, #tpu.memory_space<hbm>>
        tpu.enqueue_dma source(%dma_start3A_144 : memref<32x512xf32, #tpu.memory_space<hbm>>) target(%arg5 : memref<32x512xf32, #tpu.memory_space<vmem>>) target_semaphore(%arg9 : memref<!tpu.dma_semaphore, #tpu.memory_space<semaphore_mem>>)
      } else {
      }
      %eq3A = arith.constant 7 : i32
      %eq3A_115 = arith.cmpi eq, %scan3A_88, %eq3A : i32
      %convert_element_type3A_116 = arith.extui %eq3A_115 : i1 to i32
      %cond3A_117 = arith.constant 0 : i32
      %cond3A_118 = arith.cmpi ne, %convert_element_type3A_116, %cond3A_117 : i32
      scf.if %cond3A_118 {
        %dma_start3A_134 = arith.constant 1 : i32
        %dma_start3A_135 = arith.constant 0 : i32
        %dma_start3A_136 = arith.constant 0 : i32
        %dma_start3A_137 = tpu.memref_slice %arg3[%add3A, %dma_start3A_134, %dma_start3A_135, %dma_start3A_136] : memref<32x3x512x512xf32, #tpu.memory_space<hbm>> -> memref<1x1x32x512xf32, #tpu.memory_space<hbm>>
        %dma_start3A_138 = tpu.memref_squeeze %dma_start3A_137 : memref<1x1x32x512xf32, #tpu.memory_space<hbm>> -> memref<32x512xf32, #tpu.memory_space<hbm>>
        %dma_start3A_139 = arith.constant 0 : i32
        %dma_start3A_140 = arith.constant 0 : i32
        %dma_start3A_141 = tpu.memref_slice %arg3[%add3A, %dma_start3A_134, %dma_start3A_139, %dma_start3A_140] : memref<32x3x512x512xf32, #tpu.memory_space<hbm>> -> memref<1x1x32x512xf32, #tpu.memory_space<hbm>>
        %dma_start3A_142 = tpu.memref_squeeze %dma_start3A_141 : memref<1x1x32x512xf32, #tpu.memory_space<hbm>> -> memref<32x512xf32, #tpu.memory_space<hbm>>
        tpu.enqueue_dma source(%dma_start3A_142 : memref<32x512xf32, #tpu.memory_space<hbm>>) target(%arg5 : memref<32x512xf32, #tpu.memory_space<vmem>>) target_semaphore(%arg9 : memref<!tpu.dma_semaphore, #tpu.memory_space<semaphore_mem>>)
      } else {
      }
      %add3A_119 = arith.constant 1 : i32
      %add3A_120 = arith.addi %mul3A_91, %add3A_119 : i32
      %mul3A_121 = arith.constant 32 : i32
      %mul3A_122 = arith.muli %add3A_120, %mul3A_121 : i32
      %dma_wait3A_123 = arith.constant 0 : i32
      %dma_wait3A_124 = arith.constant 0 : i32
      %dma_wait3A_125 = tpu.memref_slice %arg3[%add3A, %dma_wait3A_123, %mul3A_122, %dma_wait3A_124] : memref<32x3x512x512xf32, #tpu.memory_space<hbm>> -> memref<1x1x32x512xf32, #tpu.memory_space<hbm>>
      %dma_wait3A_126 = tpu.memref_squeeze %dma_wait3A_125 : memref<1x1x32x512xf32, #tpu.memory_space<hbm>> -> memref<32x512xf32, #tpu.memory_space<hbm>>
      %dma_wait3A_127 = arith.constant 0 : i32
      %dma_wait3A_128 = tpu.memref_slice %arg3[%add3A, %dma_wait3A_123, %mul3A_122, %dma_wait3A_127] : memref<32x3x512x512xf32, #tpu.memory_space<hbm>> -> memref<1x1x32x512xf32, #tpu.memory_space<hbm>>
      %dma_wait3A_129 = tpu.memref_squeeze %dma_wait3A_128 : memref<1x1x32x512xf32, #tpu.memory_space<hbm>> -> memref<32x512xf32, #tpu.memory_space<hbm>>
      tpu.wait_dma2 semaphore(%arg10 : memref<!tpu.dma_semaphore, #tpu.memory_space<semaphore_mem>>) src(%dma_wait3A_129 : memref<32x512xf32, #tpu.memory_space<hbm>>) dst(%arg6 : memref<32x512xf32, #tpu.memory_space<vmem>>)
      %parallel_loop3A_130 = arith.constant 0 : i32
      %parallel_loop3A_131 = arith.constant 1024 : i32
      %parallel_loop3A_132 = arith.constant 1 : i32
      scf.for %parallel_loop3A_134 = %parallel_loop3A_130 to %parallel_loop3A_131 step %parallel_loop3A_132  : i32 {
        %parallel_loop3A_135 = arith.constant 32 : i32
        %parallel_loop3A_136 = arith.divsi %parallel_loop3A_134, %parallel_loop3A_135 : i32
        %parallel_loop3A_137 = arith.constant 0 : i32
        %parallel_loop3A_138 = arith.cmpi sgt, %parallel_loop3A_134, %parallel_loop3A_137 : i32
        %parallel_loop3A_139 = arith.extui %parallel_loop3A_138 : i1 to i32
        %parallel_loop3A_140 = arith.constant 0 : i32
        %parallel_loop3A_141 = arith.cmpi slt, %parallel_loop3A_134, %parallel_loop3A_140 : i32
        %parallel_loop3A_142 = arith.extui %parallel_loop3A_141 : i1 to i32
        %parallel_loop3A_143 = arith.subi %parallel_loop3A_139, %parallel_loop3A_142 : i32
        %parallel_loop3A_144 = arith.constant 0 : i32
        %parallel_loop3A_145 = arith.cmpi sgt, %parallel_loop3A_135, %parallel_loop3A_144 : i32
        %parallel_loop3A_146 = arith.extui %parallel_loop3A_145 : i1 to i32
        %parallel_loop3A_147 = arith.constant 0 : i32
        %parallel_loop3A_148 = arith.cmpi slt, %parallel_loop3A_135, %parallel_loop3A_147 : i32
        %parallel_loop3A_149 = arith.extui %parallel_loop3A_148 : i1 to i32
        %parallel_loop3A_150 = arith.subi %parallel_loop3A_146, %parallel_loop3A_149 : i32
        %parallel_loop3A_151 = arith.cmpi ne, %parallel_loop3A_143, %parallel_loop3A_150 : i32
        %parallel_loop3A_152 = arith.remsi %parallel_loop3A_134, %parallel_loop3A_135 : i32
        %parallel_loop3A_153 = arith.constant 0 : i32
        %parallel_loop3A_154 = arith.cmpi ne, %parallel_loop3A_152, %parallel_loop3A_153 : i32
        %parallel_loop3A_155 = arith.andi %parallel_loop3A_151, %parallel_loop3A_154 : i1
        %parallel_loop3A_156 = arith.constant 1 : i32
        %parallel_loop3A_157 = arith.subi %parallel_loop3A_136, %parallel_loop3A_156 : i32
        %parallel_loop3A_158 = arith.select %parallel_loop3A_155, %parallel_loop3A_157, %parallel_loop3A_136 : i32
        %parallel_loop3A_159 = arith.constant 32 : i32
        %parallel_loop3A_160 = arith.constant 0 : i32
        %parallel_loop3A_161 = arith.cmpi eq, %parallel_loop3A_159, %parallel_loop3A_160 : i32
        %parallel_loop3A_162 = arith.constant 1 : i32
        %parallel_loop3A_163 = arith.select %parallel_loop3A_161, %parallel_loop3A_162, %parallel_loop3A_159 : i32
        %parallel_loop3A_164 = arith.remsi %parallel_loop3A_134, %parallel_loop3A_163 : i32
        %parallel_loop3A_165 = arith.constant 0 : i32
        %parallel_loop3A_166 = arith.cmpi ne, %parallel_loop3A_164, %parallel_loop3A_165 : i32
        %parallel_loop3A_167 = arith.constant 0 : i32
        %parallel_loop3A_168 = arith.cmpi slt, %parallel_loop3A_164, %parallel_loop3A_167 : i32
        %parallel_loop3A_169 = arith.constant 0 : i32
        %parallel_loop3A_170 = arith.cmpi slt, %parallel_loop3A_163, %parallel_loop3A_169 : i32
        %parallel_loop3A_171 = arith.xori %parallel_loop3A_168, %parallel_loop3A_170 : i1
        %parallel_loop3A_172 = arith.andi %parallel_loop3A_171, %parallel_loop3A_166 : i1
        %parallel_loop3A_173 = arith.addi %parallel_loop3A_164, %parallel_loop3A_163 : i32
        %parallel_loop3A_174 = arith.select %parallel_loop3A_172, %parallel_loop3A_173, %parallel_loop3A_164 : i32
        %parallel_loop3A_175 = arith.constant 16 : i32
        %parallel_loop3A_176 = arith.muli %parallel_loop3A_174, %parallel_loop3A_175 : i32
        %parallel_loop3A_177 = arith.index_cast %parallel_loop3A_158 : i32 to index
        %parallel_loop3A_178 = arith.index_cast %parallel_loop3A_176 : i32 to index
        %parallel_loop3A_179 = tpu.vector_load %arg6[%parallel_loop3A_177, %parallel_loop3A_178] {strides = array<i32>} : memref<32x512xf32, #tpu.memory_space<vmem>>, vector<16xf32>,
        %parallel_loop3A_180 = arith.constant 2.560000e+02 : f32
        %parallel_loop3A_181 = vector.broadcast %parallel_loop3A_180 : f32 to vector<16xf32>
        %parallel_loop3A_182 = arith.mulf %parallel_loop3A_179, %parallel_loop3A_181 : vector<16xf32>
        %parallel_loop3A_183 = arith.fptosi %parallel_loop3A_182 : vector<16xf32> to vector<16xi32>
        %parallel_loop3A_184 = arith.addi %parallel_loop3A_183, %add3A_53 : vector<16xi32>
        tpu.vector_store_idx %arg7[%parallel_loop3A_184], %broadcast_in_dim3A_3 {add = true} : memref<24592xf32, #tpu.memory_space<vmem>>[vector<16xi32>], vector<16xf32>,
      } {sc.loop_unroll_factor = 8 : i64, sc.parallel_access}
      %scan3A_133 = arith.constant 0 : i32
      scf.yield %scan3A_133 : i32
    }
    %scan3A_60 = arith.constant 8 : i32
    %add3A_61 = arith.constant 1024 : i32
    %add3A_62 = vector.broadcast %add3A_61 : i32 to vector<16xi32>
    %add3A_63 = arith.addi %mul3A_6, %add3A_62 : vector<16xi32>
    %scan3A_64 = arith.constant 0 : i32
    %scan3A_65 = arith.constant 0 : i32
    %scan3A_66 = arith.constant 8 : i32
    %scan3A_67 = arith.addi %scan3A_65, %scan3A_66 : i32
    %scan3A_68 = arith.constant 1 : i32
    %scan3A_69 = scf.for %scan3A_88 = %scan3A_65 to %scan3A_67 step %scan3A_68 iter_args(%scan3A_89 = %scan3A_64) -> (i32)  : i32 {
      %mul3A_90 = arith.constant 2 : i32
      %mul3A_91 = arith.muli %mul3A_90, %scan3A_88 : i32
      %add3A_92 = arith.constant 1 : i32
      %add3A_93 = arith.addi %mul3A_91, %add3A_92 : i32
      %mul3A_94 = arith.constant 32 : i32
      %mul3A_95 = arith.muli %add3A_93, %mul3A_94 : i32
      %dma_start3A_96 = arith.constant 1 : i32
      %dma_start3A_97 = arith.constant 0 : i32
      %dma_start3A_98 = tpu.memref_slice %arg3[%add3A, %dma_start3A_96, %mul3A_95, %dma_start3A_97] : memref<32x3x512x512xf32, #tpu.memory_space<hbm>> -> memref<1x1x32x512xf32, #tpu.memory_space<hbm>>
      %dma_start3A_99 = tpu.memref_squeeze %dma_start3A_98 : memref<1x1x32x512xf32, #tpu.memory_space<hbm>> -> memref<32x512xf32, #tpu.memory_space<hbm>>
      %dma_start3A_100 = arith.constant 0 : i32
      %dma_start3A_101 = tpu.memref_slice %arg3[%add3A, %dma_start3A_96, %mul3A_95, %dma_start3A_100] : memref<32x3x512x512xf32, #tpu.memory_space<hbm>> -> memref<1x1x32x512xf32, #tpu.memory_space<hbm>>
      %dma_start3A_102 = tpu.memref_squeeze %dma_start3A_101 : memref<1x1x32x512xf32, #tpu.memory_space<hbm>> -> memref<32x512xf32, #tpu.memory_space<hbm>>
      tpu.enqueue_dma source(%dma_start3A_102 : memref<32x512xf32, #tpu.memory_space<hbm>>) target(%arg6 : memref<32x512xf32, #tpu.memory_space<vmem>>) target_semaphore(%arg10 : memref<!tpu.dma_semaphore, #tpu.memory_space<semaphore_mem>>)
      %mul3A_103 = arith.constant 32 : i32
      %mul3A_104 = arith.muli %mul3A_91, %mul3A_103 : i32
      %dma_wait3A = arith.constant 1 : i32
      %dma_wait3A_105 = arith.constant 0 : i32
      %dma_wait3A_106 = tpu.memref_slice %arg3[%add3A, %dma_wait3A, %mul3A_104, %dma_wait3A_105] : memref<32x3x512x512xf32, #tpu.memory_space<hbm>> -> memref<1x1x32x512xf32, #tpu.memory_space<hbm>>
      %dma_wait3A_107 = tpu.memref_squeeze %dma_wait3A_106 : memref<1x1x32x512xf32, #tpu.memory_space<hbm>> -> memref<32x512xf32, #tpu.memory_space<hbm>>
      %dma_wait3A_108 = arith.constant 0 : i32
      %dma_wait3A_109 = tpu.memref_slice %arg3[%add3A, %dma_wait3A, %mul3A_104, %dma_wait3A_108] : memref<32x3x512x512xf32, #tpu.memory_space<hbm>> -> memref<1x1x32x512xf32, #tpu.memory_space<hbm>>
      %dma_wait3A_110 = tpu.memref_squeeze %dma_wait3A_109 : memref<1x1x32x512xf32, #tpu.memory_space<hbm>> -> memref<32x512xf32, #tpu.memory_space<hbm>>
      tpu.wait_dma2 semaphore(%arg9 : memref<!tpu.dma_semaphore, #tpu.memory_space<semaphore_mem>>) src(%dma_wait3A_110 : memref<32x512xf32, #tpu.memory_space<hbm>>) dst(%arg5 : memref<32x512xf32, #tpu.memory_space<vmem>>)
      %parallel_loop3A = arith.constant 0 : i32
      %parallel_loop3A_111 = arith.constant 1024 : i32
      %parallel_loop3A_112 = arith.constant 1 : i32
      scf.for %parallel_loop3A_134 = %parallel_loop3A to %parallel_loop3A_111 step %parallel_loop3A_112  : i32 {
        %parallel_loop3A_135 = arith.constant 32 : i32
        %parallel_loop3A_136 = arith.divsi %parallel_loop3A_134, %parallel_loop3A_135 : i32
        %parallel_loop3A_137 = arith.constant 0 : i32
        %parallel_loop3A_138 = arith.cmpi sgt, %parallel_loop3A_134, %parallel_loop3A_137 : i32
        %parallel_loop3A_139 = arith.extui %parallel_loop3A_138 : i1 to i32
        %parallel_loop3A_140 = arith.constant 0 : i32
        %parallel_loop3A_141 = arith.cmpi slt, %parallel_loop3A_134, %parallel_loop3A_140 : i32
        %parallel_loop3A_142 = arith.extui %parallel_loop3A_141 : i1 to i32
        %parallel_loop3A_143 = arith.subi %parallel_loop3A_139, %parallel_loop3A_142 : i32
        %parallel_loop3A_144 = arith.constant 0 : i32
        %parallel_loop3A_145 = arith.cmpi sgt, %parallel_loop3A_135, %parallel_loop3A_144 : i32
        %parallel_loop3A_146 = arith.extui %parallel_loop3A_145 : i1 to i32
        %parallel_loop3A_147 = arith.constant 0 : i32
        %parallel_loop3A_148 = arith.cmpi slt, %parallel_loop3A_135, %parallel_loop3A_147 : i32
        %parallel_loop3A_149 = arith.extui %parallel_loop3A_148 : i1 to i32
        %parallel_loop3A_150 = arith.subi %parallel_loop3A_146, %parallel_loop3A_149 : i32
        %parallel_loop3A_151 = arith.cmpi ne, %parallel_loop3A_143, %parallel_loop3A_150 : i32
        %parallel_loop3A_152 = arith.remsi %parallel_loop3A_134, %parallel_loop3A_135 : i32
        %parallel_loop3A_153 = arith.constant 0 : i32
        %parallel_loop3A_154 = arith.cmpi ne, %parallel_loop3A_152, %parallel_loop3A_153 : i32
        %parallel_loop3A_155 = arith.andi %parallel_loop3A_151, %parallel_loop3A_154 : i1
        %parallel_loop3A_156 = arith.constant 1 : i32
        %parallel_loop3A_157 = arith.subi %parallel_loop3A_136, %parallel_loop3A_156 : i32
        %parallel_loop3A_158 = arith.select %parallel_loop3A_155, %parallel_loop3A_157, %parallel_loop3A_136 : i32
        %parallel_loop3A_159 = arith.constant 32 : i32
        %parallel_loop3A_160 = arith.constant 0 : i32
        %parallel_loop3A_161 = arith.cmpi eq, %parallel_loop3A_159, %parallel_loop3A_160 : i32
        %parallel_loop3A_162 = arith.constant 1 : i32
        %parallel_loop3A_163 = arith.select %parallel_loop3A_161, %parallel_loop3A_162, %parallel_loop3A_159 : i32
        %parallel_loop3A_164 = arith.remsi %parallel_loop3A_134, %parallel_loop3A_163 : i32
        %parallel_loop3A_165 = arith.constant 0 : i32
        %parallel_loop3A_166 = arith.cmpi ne, %parallel_loop3A_164, %parallel_loop3A_165 : i32
        %parallel_loop3A_167 = arith.constant 0 : i32
        %parallel_loop3A_168 = arith.cmpi slt, %parallel_loop3A_164, %parallel_loop3A_167 : i32
        %parallel_loop3A_169 = arith.constant 0 : i32
        %parallel_loop3A_170 = arith.cmpi slt, %parallel_loop3A_163, %parallel_loop3A_169 : i32
        %parallel_loop3A_171 = arith.xori %parallel_loop3A_168, %parallel_loop3A_170 : i1
        %parallel_loop3A_172 = arith.andi %parallel_loop3A_171, %parallel_loop3A_166 : i1
        %parallel_loop3A_173 = arith.addi %parallel_loop3A_164, %parallel_loop3A_163 : i32
        %parallel_loop3A_174 = arith.select %parallel_loop3A_172, %parallel_loop3A_173, %parallel_loop3A_164 : i32
        %parallel_loop3A_175 = arith.constant 16 : i32
        %parallel_loop3A_176 = arith.muli %parallel_loop3A_174, %parallel_loop3A_175 : i32
        %parallel_loop3A_177 = arith.index_cast %parallel_loop3A_158 : i32 to index
        %parallel_loop3A_178 = arith.index_cast %parallel_loop3A_176 : i32 to index
        %parallel_loop3A_179 = tpu.vector_load %arg5[%parallel_loop3A_177, %parallel_loop3A_178] {strides = array<i32>} : memref<32x512xf32, #tpu.memory_space<vmem>>, vector<16xf32>,
        %parallel_loop3A_180 = arith.constant 2.560000e+02 : f32
        %parallel_loop3A_181 = vector.broadcast %parallel_loop3A_180 : f32 to vector<16xf32>
        %parallel_loop3A_182 = arith.mulf %parallel_loop3A_179, %parallel_loop3A_181 : vector<16xf32>
        %parallel_loop3A_183 = arith.fptosi %parallel_loop3A_182 : vector<16xf32> to vector<16xi32>
        %parallel_loop3A_184 = arith.addi %parallel_loop3A_183, %add3A_63 : vector<16xi32>
        tpu.vector_store_idx %arg7[%parallel_loop3A_184], %broadcast_in_dim3A_3 {add = true} : memref<24592xf32, #tpu.memory_space<vmem>>[vector<16xi32>], vector<16xf32>,
      } {sc.loop_unroll_factor = 8 : i64, sc.parallel_access}
      %lt3A = arith.constant 7 : i32
      %lt3A_113 = arith.cmpi slt, %scan3A_88, %lt3A : i32
      %convert_element_type3A = arith.extui %lt3A_113 : i1 to i32
      %cond3A = arith.constant 0 : i32
      %cond3A_114 = arith.cmpi ne, %convert_element_type3A, %cond3A : i32
      scf.if %cond3A_114 {
        %add3A_134 = arith.constant 2 : i32
        %add3A_135 = arith.addi %mul3A_91, %add3A_134 : i32
        %mul3A_136 = arith.constant 32 : i32
        %mul3A_137 = arith.muli %add3A_135, %mul3A_136 : i32
        %dma_start3A_138 = arith.constant 1 : i32
        %dma_start3A_139 = arith.constant 0 : i32
        %dma_start3A_140 = tpu.memref_slice %arg3[%add3A, %dma_start3A_138, %mul3A_137, %dma_start3A_139] : memref<32x3x512x512xf32, #tpu.memory_space<hbm>> -> memref<1x1x32x512xf32, #tpu.memory_space<hbm>>
        %dma_start3A_141 = tpu.memref_squeeze %dma_start3A_140 : memref<1x1x32x512xf32, #tpu.memory_space<hbm>> -> memref<32x512xf32, #tpu.memory_space<hbm>>
        %dma_start3A_142 = arith.constant 0 : i32
        %dma_start3A_143 = tpu.memref_slice %arg3[%add3A, %dma_start3A_138, %mul3A_137, %dma_start3A_142] : memref<32x3x512x512xf32, #tpu.memory_space<hbm>> -> memref<1x1x32x512xf32, #tpu.memory_space<hbm>>
        %dma_start3A_144 = tpu.memref_squeeze %dma_start3A_143 : memref<1x1x32x512xf32, #tpu.memory_space<hbm>> -> memref<32x512xf32, #tpu.memory_space<hbm>>
        tpu.enqueue_dma source(%dma_start3A_144 : memref<32x512xf32, #tpu.memory_space<hbm>>) target(%arg5 : memref<32x512xf32, #tpu.memory_space<vmem>>) target_semaphore(%arg9 : memref<!tpu.dma_semaphore, #tpu.memory_space<semaphore_mem>>)
      } else {
      }
      %eq3A = arith.constant 7 : i32
      %eq3A_115 = arith.cmpi eq, %scan3A_88, %eq3A : i32
      %convert_element_type3A_116 = arith.extui %eq3A_115 : i1 to i32
      %cond3A_117 = arith.constant 0 : i32
      %cond3A_118 = arith.cmpi ne, %convert_element_type3A_116, %cond3A_117 : i32
      scf.if %cond3A_118 {
        %dma_start3A_134 = arith.constant 2 : i32
        %dma_start3A_135 = arith.constant 0 : i32
        %dma_start3A_136 = arith.constant 0 : i32
        %dma_start3A_137 = tpu.memref_slice %arg3[%add3A, %dma_start3A_134, %dma_start3A_135, %dma_start3A_136] : memref<32x3x512x512xf32, #tpu.memory_space<hbm>> -> memref<1x1x32x512xf32, #tpu.memory_space<hbm>>
        %dma_start3A_138 = tpu.memref_squeeze %dma_start3A_137 : memref<1x1x32x512xf32, #tpu.memory_space<hbm>> -> memref<32x512xf32, #tpu.memory_space<hbm>>
        %dma_start3A_139 = arith.constant 0 : i32
        %dma_start3A_140 = arith.constant 0 : i32
        %dma_start3A_141 = tpu.memref_slice %arg3[%add3A, %dma_start3A_134, %dma_start3A_139, %dma_start3A_140] : memref<32x3x512x512xf32, #tpu.memory_space<hbm>> -> memref<1x1x32x512xf32, #tpu.memory_space<hbm>>
        %dma_start3A_142 = tpu.memref_squeeze %dma_start3A_141 : memref<1x1x32x512xf32, #tpu.memory_space<hbm>> -> memref<32x512xf32, #tpu.memory_space<hbm>>
        tpu.enqueue_dma source(%dma_start3A_142 : memref<32x512xf32, #tpu.memory_space<hbm>>) target(%arg5 : memref<32x512xf32, #tpu.memory_space<vmem>>) target_semaphore(%arg9 : memref<!tpu.dma_semaphore, #tpu.memory_space<semaphore_mem>>)
      } else {
      }
      %add3A_119 = arith.constant 1 : i32
      %add3A_120 = arith.addi %mul3A_91, %add3A_119 : i32
      %mul3A_121 = arith.constant 32 : i32
      %mul3A_122 = arith.muli %add3A_120, %mul3A_121 : i32
      %dma_wait3A_123 = arith.constant 1 : i32
      %dma_wait3A_124 = arith.constant 0 : i32
      %dma_wait3A_125 = tpu.memref_slice %arg3[%add3A, %dma_wait3A_123, %mul3A_122, %dma_wait3A_124] : memref<32x3x512x512xf32, #tpu.memory_space<hbm>> -> memref<1x1x32x512xf32, #tpu.memory_space<hbm>>
      %dma_wait3A_126 = tpu.memref_squeeze %dma_wait3A_125 : memref<1x1x32x512xf32, #tpu.memory_space<hbm>> -> memref<32x512xf32, #tpu.memory_space<hbm>>
      %dma_wait3A_127 = arith.constant 0 : i32
      %dma_wait3A_128 = tpu.memref_slice %arg3[%add3A, %dma_wait3A_123, %mul3A_122, %dma_wait3A_127] : memref<32x3x512x512xf32, #tpu.memory_space<hbm>> -> memref<1x1x32x512xf32, #tpu.memory_space<hbm>>
      %dma_wait3A_129 = tpu.memref_squeeze %dma_wait3A_128 : memref<1x1x32x512xf32, #tpu.memory_space<hbm>> -> memref<32x512xf32, #tpu.memory_space<hbm>>
      tpu.wait_dma2 semaphore(%arg10 : memref<!tpu.dma_semaphore, #tpu.memory_space<semaphore_mem>>) src(%dma_wait3A_129 : memref<32x512xf32, #tpu.memory_space<hbm>>) dst(%arg6 : memref<32x512xf32, #tpu.memory_space<vmem>>)
      %parallel_loop3A_130 = arith.constant 0 : i32
      %parallel_loop3A_131 = arith.constant 1024 : i32
      %parallel_loop3A_132 = arith.constant 1 : i32
      scf.for %parallel_loop3A_134 = %parallel_loop3A_130 to %parallel_loop3A_131 step %parallel_loop3A_132  : i32 {
        %parallel_loop3A_135 = arith.constant 32 : i32
        %parallel_loop3A_136 = arith.divsi %parallel_loop3A_134, %parallel_loop3A_135 : i32
        %parallel_loop3A_137 = arith.constant 0 : i32
        %parallel_loop3A_138 = arith.cmpi sgt, %parallel_loop3A_134, %parallel_loop3A_137 : i32
        %parallel_loop3A_139 = arith.extui %parallel_loop3A_138 : i1 to i32
        %parallel_loop3A_140 = arith.constant 0 : i32
        %parallel_loop3A_141 = arith.cmpi slt, %parallel_loop3A_134, %parallel_loop3A_140 : i32
        %parallel_loop3A_142 = arith.extui %parallel_loop3A_141 : i1 to i32
        %parallel_loop3A_143 = arith.subi %parallel_loop3A_139, %parallel_loop3A_142 : i32
        %parallel_loop3A_144 = arith.constant 0 : i32
        %parallel_loop3A_145 = arith.cmpi sgt, %parallel_loop3A_135, %parallel_loop3A_144 : i32
        %parallel_loop3A_146 = arith.extui %parallel_loop3A_145 : i1 to i32
        %parallel_loop3A_147 = arith.constant 0 : i32
        %parallel_loop3A_148 = arith.cmpi slt, %parallel_loop3A_135, %parallel_loop3A_147 : i32
        %parallel_loop3A_149 = arith.extui %parallel_loop3A_148 : i1 to i32
        %parallel_loop3A_150 = arith.subi %parallel_loop3A_146, %parallel_loop3A_149 : i32
        %parallel_loop3A_151 = arith.cmpi ne, %parallel_loop3A_143, %parallel_loop3A_150 : i32
        %parallel_loop3A_152 = arith.remsi %parallel_loop3A_134, %parallel_loop3A_135 : i32
        %parallel_loop3A_153 = arith.constant 0 : i32
        %parallel_loop3A_154 = arith.cmpi ne, %parallel_loop3A_152, %parallel_loop3A_153 : i32
        %parallel_loop3A_155 = arith.andi %parallel_loop3A_151, %parallel_loop3A_154 : i1
        %parallel_loop3A_156 = arith.constant 1 : i32
        %parallel_loop3A_157 = arith.subi %parallel_loop3A_136, %parallel_loop3A_156 : i32
        %parallel_loop3A_158 = arith.select %parallel_loop3A_155, %parallel_loop3A_157, %parallel_loop3A_136 : i32
        %parallel_loop3A_159 = arith.constant 32 : i32
        %parallel_loop3A_160 = arith.constant 0 : i32
        %parallel_loop3A_161 = arith.cmpi eq, %parallel_loop3A_159, %parallel_loop3A_160 : i32
        %parallel_loop3A_162 = arith.constant 1 : i32
        %parallel_loop3A_163 = arith.select %parallel_loop3A_161, %parallel_loop3A_162, %parallel_loop3A_159 : i32
        %parallel_loop3A_164 = arith.remsi %parallel_loop3A_134, %parallel_loop3A_163 : i32
        %parallel_loop3A_165 = arith.constant 0 : i32
        %parallel_loop3A_166 = arith.cmpi ne, %parallel_loop3A_164, %parallel_loop3A_165 : i32
        %parallel_loop3A_167 = arith.constant 0 : i32
        %parallel_loop3A_168 = arith.cmpi slt, %parallel_loop3A_164, %parallel_loop3A_167 : i32
        %parallel_loop3A_169 = arith.constant 0 : i32
        %parallel_loop3A_170 = arith.cmpi slt, %parallel_loop3A_163, %parallel_loop3A_169 : i32
        %parallel_loop3A_171 = arith.xori %parallel_loop3A_168, %parallel_loop3A_170 : i1
        %parallel_loop3A_172 = arith.andi %parallel_loop3A_171, %parallel_loop3A_166 : i1
        %parallel_loop3A_173 = arith.addi %parallel_loop3A_164, %parallel_loop3A_163 : i32
        %parallel_loop3A_174 = arith.select %parallel_loop3A_172, %parallel_loop3A_173, %parallel_loop3A_164 : i32
        %parallel_loop3A_175 = arith.constant 16 : i32
        %parallel_loop3A_176 = arith.muli %parallel_loop3A_174, %parallel_loop3A_175 : i32
        %parallel_loop3A_177 = arith.index_cast %parallel_loop3A_158 : i32 to index
        %parallel_loop3A_178 = arith.index_cast %parallel_loop3A_176 : i32 to index
        %parallel_loop3A_179 = tpu.vector_load %arg6[%parallel_loop3A_177, %parallel_loop3A_178] {strides = array<i32>} : memref<32x512xf32, #tpu.memory_space<vmem>>, vector<16xf32>,
        %parallel_loop3A_180 = arith.constant 2.560000e+02 : f32
        %parallel_loop3A_181 = vector.broadcast %parallel_loop3A_180 : f32 to vector<16xf32>
        %parallel_loop3A_182 = arith.mulf %parallel_loop3A_179, %parallel_loop3A_181 : vector<16xf32>
        %parallel_loop3A_183 = arith.fptosi %parallel_loop3A_182 : vector<16xf32> to vector<16xi32>
        %parallel_loop3A_184 = arith.addi %parallel_loop3A_183, %add3A_63 : vector<16xi32>
        tpu.vector_store_idx %arg7[%parallel_loop3A_184], %broadcast_in_dim3A_3 {add = true} : memref<24592xf32, #tpu.memory_space<vmem>>[vector<16xi32>], vector<16xf32>,
      } {sc.loop_unroll_factor = 8 : i64, sc.parallel_access}
      %scan3A_133 = arith.constant 0 : i32
      scf.yield %scan3A_133 : i32
    }
    %scan3A_70 = arith.constant 8 : i32
    %add3A_71 = arith.constant 1280 : i32
    %add3A_72 = vector.broadcast %add3A_71 : i32 to vector<16xi32>
    %add3A_73 = arith.addi %mul3A_6, %add3A_72 : vector<16xi32>
    %scan3A_74 = arith.constant 0 : i32
    %scan3A_75 = arith.constant 0 : i32
    %scan3A_76 = arith.constant 8 : i32
    %scan3A_77 = arith.addi %scan3A_75, %scan3A_76 : i32
    %scan3A_78 = arith.constant 1 : i32
    %scan3A_79 = scf.for %scan3A_88 = %scan3A_75 to %scan3A_77 step %scan3A_78 iter_args(%scan3A_89 = %scan3A_74) -> (i32)  : i32 {
      %mul3A_90 = arith.constant 2 : i32
      %mul3A_91 = arith.muli %mul3A_90, %scan3A_88 : i32
      %add3A_92 = arith.constant 1 : i32
      %add3A_93 = arith.addi %mul3A_91, %add3A_92 : i32
      %mul3A_94 = arith.constant 32 : i32
      %mul3A_95 = arith.muli %add3A_93, %mul3A_94 : i32
      %dma_start3A_96 = arith.constant 2 : i32
      %dma_start3A_97 = arith.constant 0 : i32
      %dma_start3A_98 = tpu.memref_slice %arg3[%add3A, %dma_start3A_96, %mul3A_95, %dma_start3A_97] : memref<32x3x512x512xf32, #tpu.memory_space<hbm>> -> memref<1x1x32x512xf32, #tpu.memory_space<hbm>>
      %dma_start3A_99 = tpu.memref_squeeze %dma_start3A_98 : memref<1x1x32x512xf32, #tpu.memory_space<hbm>> -> memref<32x512xf32, #tpu.memory_space<hbm>>
      %dma_start3A_100 = arith.constant 0 : i32
      %dma_start3A_101 = tpu.memref_slice %arg3[%add3A, %dma_start3A_96, %mul3A_95, %dma_start3A_100] : memref<32x3x512x512xf32, #tpu.memory_space<hbm>> -> memref<1x1x32x512xf32, #tpu.memory_space<hbm>>
      %dma_start3A_102 = tpu.memref_squeeze %dma_start3A_101 : memref<1x1x32x512xf32, #tpu.memory_space<hbm>> -> memref<32x512xf32, #tpu.memory_space<hbm>>
      tpu.enqueue_dma source(%dma_start3A_102 : memref<32x512xf32, #tpu.memory_space<hbm>>) target(%arg6 : memref<32x512xf32, #tpu.memory_space<vmem>>) target_semaphore(%arg10 : memref<!tpu.dma_semaphore, #tpu.memory_space<semaphore_mem>>)
      %mul3A_103 = arith.constant 32 : i32
      %mul3A_104 = arith.muli %mul3A_91, %mul3A_103 : i32
      %dma_wait3A = arith.constant 2 : i32
      %dma_wait3A_105 = arith.constant 0 : i32
      %dma_wait3A_106 = tpu.memref_slice %arg3[%add3A, %dma_wait3A, %mul3A_104, %dma_wait3A_105] : memref<32x3x512x512xf32, #tpu.memory_space<hbm>> -> memref<1x1x32x512xf32, #tpu.memory_space<hbm>>
      %dma_wait3A_107 = tpu.memref_squeeze %dma_wait3A_106 : memref<1x1x32x512xf32, #tpu.memory_space<hbm>> -> memref<32x512xf32, #tpu.memory_space<hbm>>
      %dma_wait3A_108 = arith.constant 0 : i32
      %dma_wait3A_109 = tpu.memref_slice %arg3[%add3A, %dma_wait3A, %mul3A_104, %dma_wait3A_108] : memref<32x3x512x512xf32, #tpu.memory_space<hbm>> -> memref<1x1x32x512xf32, #tpu.memory_space<hbm>>
      %dma_wait3A_110 = tpu.memref_squeeze %dma_wait3A_109 : memref<1x1x32x512xf32, #tpu.memory_space<hbm>> -> memref<32x512xf32, #tpu.memory_space<hbm>>
      tpu.wait_dma2 semaphore(%arg9 : memref<!tpu.dma_semaphore, #tpu.memory_space<semaphore_mem>>) src(%dma_wait3A_110 : memref<32x512xf32, #tpu.memory_space<hbm>>) dst(%arg5 : memref<32x512xf32, #tpu.memory_space<vmem>>)
      %parallel_loop3A = arith.constant 0 : i32
      %parallel_loop3A_111 = arith.constant 1024 : i32
      %parallel_loop3A_112 = arith.constant 1 : i32
      scf.for %parallel_loop3A_130 = %parallel_loop3A to %parallel_loop3A_111 step %parallel_loop3A_112  : i32 {
        %parallel_loop3A_131 = arith.constant 32 : i32
        %parallel_loop3A_132 = arith.divsi %parallel_loop3A_130, %parallel_loop3A_131 : i32
        %parallel_loop3A_133 = arith.constant 0 : i32
        %parallel_loop3A_134 = arith.cmpi sgt, %parallel_loop3A_130, %parallel_loop3A_133 : i32
        %parallel_loop3A_135 = arith.extui %parallel_loop3A_134 : i1 to i32
        %parallel_loop3A_136 = arith.constant 0 : i32
        %parallel_loop3A_137 = arith.cmpi slt, %parallel_loop3A_130, %parallel_loop3A_136 : i32
        %parallel_loop3A_138 = arith.extui %parallel_loop3A_137 : i1 to i32
        %parallel_loop3A_139 = arith.subi %parallel_loop3A_135, %parallel_loop3A_138 : i32
        %parallel_loop3A_140 = arith.constant 0 : i32
        %parallel_loop3A_141 = arith.cmpi sgt, %parallel_loop3A_131, %parallel_loop3A_140 : i32
        %parallel_loop3A_142 = arith.extui %parallel_loop3A_141 : i1 to i32
        %parallel_loop3A_143 = arith.constant 0 : i32
        %parallel_loop3A_144 = arith.cmpi slt, %parallel_loop3A_131, %parallel_loop3A_143 : i32
        %parallel_loop3A_145 = arith.extui %parallel_loop3A_144 : i1 to i32
        %parallel_loop3A_146 = arith.subi %parallel_loop3A_142, %parallel_loop3A_145 : i32
        %parallel_loop3A_147 = arith.cmpi ne, %parallel_loop3A_139, %parallel_loop3A_146 : i32
        %parallel_loop3A_148 = arith.remsi %parallel_loop3A_130, %parallel_loop3A_131 : i32
        %parallel_loop3A_149 = arith.constant 0 : i32
        %parallel_loop3A_150 = arith.cmpi ne, %parallel_loop3A_148, %parallel_loop3A_149 : i32
        %parallel_loop3A_151 = arith.andi %parallel_loop3A_147, %parallel_loop3A_150 : i1
        %parallel_loop3A_152 = arith.constant 1 : i32
        %parallel_loop3A_153 = arith.subi %parallel_loop3A_132, %parallel_loop3A_152 : i32
        %parallel_loop3A_154 = arith.select %parallel_loop3A_151, %parallel_loop3A_153, %parallel_loop3A_132 : i32
        %parallel_loop3A_155 = arith.constant 32 : i32
        %parallel_loop3A_156 = arith.constant 0 : i32
        %parallel_loop3A_157 = arith.cmpi eq, %parallel_loop3A_155, %parallel_loop3A_156 : i32
        %parallel_loop3A_158 = arith.constant 1 : i32
        %parallel_loop3A_159 = arith.select %parallel_loop3A_157, %parallel_loop3A_158, %parallel_loop3A_155 : i32
        %parallel_loop3A_160 = arith.remsi %parallel_loop3A_130, %parallel_loop3A_159 : i32
        %parallel_loop3A_161 = arith.constant 0 : i32
        %parallel_loop3A_162 = arith.cmpi ne, %parallel_loop3A_160, %parallel_loop3A_161 : i32
        %parallel_loop3A_163 = arith.constant 0 : i32
        %parallel_loop3A_164 = arith.cmpi slt, %parallel_loop3A_160, %parallel_loop3A_163 : i32
        %parallel_loop3A_165 = arith.constant 0 : i32
        %parallel_loop3A_166 = arith.cmpi slt, %parallel_loop3A_159, %parallel_loop3A_165 : i32
        %parallel_loop3A_167 = arith.xori %parallel_loop3A_164, %parallel_loop3A_166 : i1
        %parallel_loop3A_168 = arith.andi %parallel_loop3A_167, %parallel_loop3A_162 : i1
        %parallel_loop3A_169 = arith.addi %parallel_loop3A_160, %parallel_loop3A_159 : i32
        %parallel_loop3A_170 = arith.select %parallel_loop3A_168, %parallel_loop3A_169, %parallel_loop3A_160 : i32
        %parallel_loop3A_171 = arith.constant 16 : i32
        %parallel_loop3A_172 = arith.muli %parallel_loop3A_170, %parallel_loop3A_171 : i32
        %parallel_loop3A_173 = arith.index_cast %parallel_loop3A_154 : i32 to index
        %parallel_loop3A_174 = arith.index_cast %parallel_loop3A_172 : i32 to index
        %parallel_loop3A_175 = tpu.vector_load %arg5[%parallel_loop3A_173, %parallel_loop3A_174] {strides = array<i32>} : memref<32x512xf32, #tpu.memory_space<vmem>>, vector<16xf32>,
        %parallel_loop3A_176 = arith.constant 2.560000e+02 : f32
        %parallel_loop3A_177 = vector.broadcast %parallel_loop3A_176 : f32 to vector<16xf32>
        %parallel_loop3A_178 = arith.mulf %parallel_loop3A_175, %parallel_loop3A_177 : vector<16xf32>
        %parallel_loop3A_179 = arith.fptosi %parallel_loop3A_178 : vector<16xf32> to vector<16xi32>
        %parallel_loop3A_180 = arith.addi %parallel_loop3A_179, %add3A_73 : vector<16xi32>
        tpu.vector_store_idx %arg7[%parallel_loop3A_180], %broadcast_in_dim3A_3 {add = true} : memref<24592xf32, #tpu.memory_space<vmem>>[vector<16xi32>], vector<16xf32>,
      } {sc.loop_unroll_factor = 8 : i64, sc.parallel_access}
      %lt3A = arith.constant 7 : i32
      %lt3A_113 = arith.cmpi slt, %scan3A_88, %lt3A : i32
      %convert_element_type3A = arith.extui %lt3A_113 : i1 to i32
      %cond3A = arith.constant 0 : i32
      %cond3A_114 = arith.cmpi ne, %convert_element_type3A, %cond3A : i32
      scf.if %cond3A_114 {
        %add3A_130 = arith.constant 2 : i32
        %add3A_131 = arith.addi %mul3A_91, %add3A_130 : i32
        %mul3A_132 = arith.constant 32 : i32
        %mul3A_133 = arith.muli %add3A_131, %mul3A_132 : i32
        %dma_start3A_134 = arith.constant 2 : i32
        %dma_start3A_135 = arith.constant 0 : i32
        %dma_start3A_136 = tpu.memref_slice %arg3[%add3A, %dma_start3A_134, %mul3A_133, %dma_start3A_135] : memref<32x3x512x512xf32, #tpu.memory_space<hbm>> -> memref<1x1x32x512xf32, #tpu.memory_space<hbm>>
        %dma_start3A_137 = tpu.memref_squeeze %dma_start3A_136 : memref<1x1x32x512xf32, #tpu.memory_space<hbm>> -> memref<32x512xf32, #tpu.memory_space<hbm>>
        %dma_start3A_138 = arith.constant 0 : i32
        %dma_start3A_139 = tpu.memref_slice %arg3[%add3A, %dma_start3A_134, %mul3A_133, %dma_start3A_138] : memref<32x3x512x512xf32, #tpu.memory_space<hbm>> -> memref<1x1x32x512xf32, #tpu.memory_space<hbm>>
        %dma_start3A_140 = tpu.memref_squeeze %dma_start3A_139 : memref<1x1x32x512xf32, #tpu.memory_space<hbm>> -> memref<32x512xf32, #tpu.memory_space<hbm>>
        tpu.enqueue_dma source(%dma_start3A_140 : memref<32x512xf32, #tpu.memory_space<hbm>>) target(%arg5 : memref<32x512xf32, #tpu.memory_space<vmem>>) target_semaphore(%arg9 : memref<!tpu.dma_semaphore, #tpu.memory_space<semaphore_mem>>)
      } else {
      }
      %add3A_115 = arith.constant 1 : i32
      %add3A_116 = arith.addi %mul3A_91, %add3A_115 : i32
      %mul3A_117 = arith.constant 32 : i32
      %mul3A_118 = arith.muli %add3A_116, %mul3A_117 : i32
      %dma_wait3A_119 = arith.constant 2 : i32
      %dma_wait3A_120 = arith.constant 0 : i32
      %dma_wait3A_121 = tpu.memref_slice %arg3[%add3A, %dma_wait3A_119, %mul3A_118, %dma_wait3A_120] : memref<32x3x512x512xf32, #tpu.memory_space<hbm>> -> memref<1x1x32x512xf32, #tpu.memory_space<hbm>>
      %dma_wait3A_122 = tpu.memref_squeeze %dma_wait3A_121 : memref<1x1x32x512xf32, #tpu.memory_space<hbm>> -> memref<32x512xf32, #tpu.memory_space<hbm>>
      %dma_wait3A_123 = arith.constant 0 : i32
      %dma_wait3A_124 = tpu.memref_slice %arg3[%add3A, %dma_wait3A_119, %mul3A_118, %dma_wait3A_123] : memref<32x3x512x512xf32, #tpu.memory_space<hbm>> -> memref<1x1x32x512xf32, #tpu.memory_space<hbm>>
      %dma_wait3A_125 = tpu.memref_squeeze %dma_wait3A_124 : memref<1x1x32x512xf32, #tpu.memory_space<hbm>> -> memref<32x512xf32, #tpu.memory_space<hbm>>
      tpu.wait_dma2 semaphore(%arg10 : memref<!tpu.dma_semaphore, #tpu.memory_space<semaphore_mem>>) src(%dma_wait3A_125 : memref<32x512xf32, #tpu.memory_space<hbm>>) dst(%arg6 : memref<32x512xf32, #tpu.memory_space<vmem>>)
      %parallel_loop3A_126 = arith.constant 0 : i32
      %parallel_loop3A_127 = arith.constant 1024 : i32
      %parallel_loop3A_128 = arith.constant 1 : i32
      scf.for %parallel_loop3A_130 = %parallel_loop3A_126 to %parallel_loop3A_127 step %parallel_loop3A_128  : i32 {
        %parallel_loop3A_131 = arith.constant 32 : i32
        %parallel_loop3A_132 = arith.divsi %parallel_loop3A_130, %parallel_loop3A_131 : i32
        %parallel_loop3A_133 = arith.constant 0 : i32
        %parallel_loop3A_134 = arith.cmpi sgt, %parallel_loop3A_130, %parallel_loop3A_133 : i32
        %parallel_loop3A_135 = arith.extui %parallel_loop3A_134 : i1 to i32
        %parallel_loop3A_136 = arith.constant 0 : i32
        %parallel_loop3A_137 = arith.cmpi slt, %parallel_loop3A_130, %parallel_loop3A_136 : i32
        %parallel_loop3A_138 = arith.extui %parallel_loop3A_137 : i1 to i32
        %parallel_loop3A_139 = arith.subi %parallel_loop3A_135, %parallel_loop3A_138 : i32
        %parallel_loop3A_140 = arith.constant 0 : i32
        %parallel_loop3A_141 = arith.cmpi sgt, %parallel_loop3A_131, %parallel_loop3A_140 : i32
        %parallel_loop3A_142 = arith.extui %parallel_loop3A_141 : i1 to i32
        %parallel_loop3A_143 = arith.constant 0 : i32
        %parallel_loop3A_144 = arith.cmpi slt, %parallel_loop3A_131, %parallel_loop3A_143 : i32
        %parallel_loop3A_145 = arith.extui %parallel_loop3A_144 : i1 to i32
        %parallel_loop3A_146 = arith.subi %parallel_loop3A_142, %parallel_loop3A_145 : i32
        %parallel_loop3A_147 = arith.cmpi ne, %parallel_loop3A_139, %parallel_loop3A_146 : i32
        %parallel_loop3A_148 = arith.remsi %parallel_loop3A_130, %parallel_loop3A_131 : i32
        %parallel_loop3A_149 = arith.constant 0 : i32
        %parallel_loop3A_150 = arith.cmpi ne, %parallel_loop3A_148, %parallel_loop3A_149 : i32
        %parallel_loop3A_151 = arith.andi %parallel_loop3A_147, %parallel_loop3A_150 : i1
        %parallel_loop3A_152 = arith.constant 1 : i32
        %parallel_loop3A_153 = arith.subi %parallel_loop3A_132, %parallel_loop3A_152 : i32
        %parallel_loop3A_154 = arith.select %parallel_loop3A_151, %parallel_loop3A_153, %parallel_loop3A_132 : i32
        %parallel_loop3A_155 = arith.constant 32 : i32
        %parallel_loop3A_156 = arith.constant 0 : i32
        %parallel_loop3A_157 = arith.cmpi eq, %parallel_loop3A_155, %parallel_loop3A_156 : i32
        %parallel_loop3A_158 = arith.constant 1 : i32
        %parallel_loop3A_159 = arith.select %parallel_loop3A_157, %parallel_loop3A_158, %parallel_loop3A_155 : i32
        %parallel_loop3A_160 = arith.remsi %parallel_loop3A_130, %parallel_loop3A_159 : i32
        %parallel_loop3A_161 = arith.constant 0 : i32
        %parallel_loop3A_162 = arith.cmpi ne, %parallel_loop3A_160, %parallel_loop3A_161 : i32
        %parallel_loop3A_163 = arith.constant 0 : i32
        %parallel_loop3A_164 = arith.cmpi slt, %parallel_loop3A_160, %parallel_loop3A_163 : i32
        %parallel_loop3A_165 = arith.constant 0 : i32
        %parallel_loop3A_166 = arith.cmpi slt, %parallel_loop3A_159, %parallel_loop3A_165 : i32
        %parallel_loop3A_167 = arith.xori %parallel_loop3A_164, %parallel_loop3A_166 : i1
        %parallel_loop3A_168 = arith.andi %parallel_loop3A_167, %parallel_loop3A_162 : i1
        %parallel_loop3A_169 = arith.addi %parallel_loop3A_160, %parallel_loop3A_159 : i32
        %parallel_loop3A_170 = arith.select %parallel_loop3A_168, %parallel_loop3A_169, %parallel_loop3A_160 : i32
        %parallel_loop3A_171 = arith.constant 16 : i32
        %parallel_loop3A_172 = arith.muli %parallel_loop3A_170, %parallel_loop3A_171 : i32
        %parallel_loop3A_173 = arith.index_cast %parallel_loop3A_154 : i32 to index
        %parallel_loop3A_174 = arith.index_cast %parallel_loop3A_172 : i32 to index
        %parallel_loop3A_175 = tpu.vector_load %arg6[%parallel_loop3A_173, %parallel_loop3A_174] {strides = array<i32>} : memref<32x512xf32, #tpu.memory_space<vmem>>, vector<16xf32>,
        %parallel_loop3A_176 = arith.constant 2.560000e+02 : f32
        %parallel_loop3A_177 = vector.broadcast %parallel_loop3A_176 : f32 to vector<16xf32>
        %parallel_loop3A_178 = arith.mulf %parallel_loop3A_175, %parallel_loop3A_177 : vector<16xf32>
        %parallel_loop3A_179 = arith.fptosi %parallel_loop3A_178 : vector<16xf32> to vector<16xi32>
        %parallel_loop3A_180 = arith.addi %parallel_loop3A_179, %add3A_73 : vector<16xi32>
        tpu.vector_store_idx %arg7[%parallel_loop3A_180], %broadcast_in_dim3A_3 {add = true} : memref<24592xf32, #tpu.memory_space<vmem>>[vector<16xi32>], vector<16xf32>,
      } {sc.loop_unroll_factor = 8 : i64, sc.parallel_access}
      %scan3A_129 = arith.constant 0 : i32
      scf.yield %scan3A_129 : i32
    }
    %scan3A_80 = arith.constant 8 : i32
    %scan3A_81 = arith.constant 0 : i32
    %scan3A_82 = arith.constant 0 : i32
    %scan3A_83 = arith.constant 96 : i32
    %scan3A_84 = arith.addi %scan3A_82, %scan3A_83 : i32
    %scan3A_85 = arith.constant 1 : i32
    %scan3A_86 = scf.for %scan3A_88 = %scan3A_82 to %scan3A_84 step %scan3A_85 iter_args(%scan3A_89 = %scan3A_81) -> (i32)  : i32 {
      %mul3A_90 = arith.constant 16 : i32
      %mul3A_91 = arith.muli %scan3A_88, %mul3A_90 : i32
      %get3A = arith.index_cast %mul3A_91 : i32 to index
      %get3A_92 = tpu.vector_load %arg7[%get3A] {strides = array<i32>} : memref<24592xf32, #tpu.memory_space<vmem>>, vector<16xf32>,
      %mul3A_93 = arith.constant 16 : i32
      %mul3A_94 = arith.muli %scan3A_88, %mul3A_93 : i32
      %add3A_95 = arith.constant 1537 : i32
      %add3A_96 = arith.addi %add3A_95, %mul3A_94 : i32
      %get3A_97 = arith.index_cast %add3A_96 : i32 to index
      %get3A_98 = tpu.vector_load %arg7[%get3A_97] {strides = array<i32>} : memref<24592xf32, #tpu.memory_space<vmem>>, vector<16xf32>,
      %add3A_99 = arith.addf %get3A_92, %get3A_98 : vector<16xf32>
      %mul3A_100 = arith.constant 16 : i32
      %mul3A_101 = arith.muli %scan3A_88, %mul3A_100 : i32
      %add3A_102 = arith.constant 3074 : i32
      %add3A_103 = arith.addi %add3A_102, %mul3A_101 : i32
      %get3A_104 = arith.index_cast %add3A_103 : i32 to index
      %get3A_105 = tpu.vector_load %arg7[%get3A_104] {strides = array<i32>} : memref<24592xf32, #tpu.memory_space<vmem>>, vector<16xf32>,
      %add3A_106 = arith.addf %add3A_99, %get3A_105 : vector<16xf32>
      %mul3A_107 = arith.constant 16 : i32
      %mul3A_108 = arith.muli %scan3A_88, %mul3A_107 : i32
      %add3A_109 = arith.constant 4611 : i32
      %add3A_110 = arith.addi %add3A_109, %mul3A_108 : i32
      %get3A_111 = arith.index_cast %add3A_110 : i32 to index
      %get3A_112 = tpu.vector_load %arg7[%get3A_111] {strides = array<i32>} : memref<24592xf32, #tpu.memory_space<vmem>>, vector<16xf32>,
      %add3A_113 = arith.addf %add3A_106, %get3A_112 : vector<16xf32>
      %mul3A_114 = arith.constant 16 : i32
      %mul3A_115 = arith.muli %scan3A_88, %mul3A_114 : i32
      %add3A_116 = arith.constant 6148 : i32
      %add3A_117 = arith.addi %add3A_116, %mul3A_115 : i32
      %get3A_118 = arith.index_cast %add3A_117 : i32 to index
      %get3A_119 = tpu.vector_load %arg7[%get3A_118] {strides = array<i32>} : memref<24592xf32, #tpu.memory_space<vmem>>, vector<16xf32>,
      %add3A_120 = arith.addf %add3A_113, %get3A_119 : vector<16xf32>
      %mul3A_121 = arith.constant 16 : i32
      %mul3A_122 = arith.muli %scan3A_88, %mul3A_121 : i32
      %add3A_123 = arith.constant 7685 : i32
      %add3A_124 = arith.addi %add3A_123, %mul3A_122 : i32
      %get3A_125 = arith.index_cast %add3A_124 : i32 to index
      %get3A_126 = tpu.vector_load %arg7[%get3A_125] {strides = array<i32>} : memref<24592xf32, #tpu.memory_space<vmem>>, vector<16xf32>,
      %add3A_127 = arith.addf %add3A_120, %get3A_126 : vector<16xf32>
      %mul3A_128 = arith.constant 16 : i32
      %mul3A_129 = arith.muli %scan3A_88, %mul3A_128 : i32
      %add3A_130 = arith.constant 9222 : i32
      %add3A_131 = arith.addi %add3A_130, %mul3A_129 : i32
      %get3A_132 = arith.index_cast %add3A_131 : i32 to index
      %get3A_133 = tpu.vector_load %arg7[%get3A_132] {strides = array<i32>} : memref<24592xf32, #tpu.memory_space<vmem>>, vector<16xf32>,
      %add3A_134 = arith.addf %add3A_127, %get3A_133 : vector<16xf32>
      %mul3A_135 = arith.constant 16 : i32
      %mul3A_136 = arith.muli %scan3A_88, %mul3A_135 : i32
      %add3A_137 = arith.constant 10759 : i32
      %add3A_138 = arith.addi %add3A_137, %mul3A_136 : i32
      %get3A_139 = arith.index_cast %add3A_138 : i32 to index
      %get3A_140 = tpu.vector_load %arg7[%get3A_139] {strides = array<i32>} : memref<24592xf32, #tpu.memory_space<vmem>>, vector<16xf32>,
      %add3A_141 = arith.addf %add3A_134, %get3A_140 : vector<16xf32>
      %mul3A_142 = arith.constant 16 : i32
      %mul3A_143 = arith.muli %scan3A_88, %mul3A_142 : i32
      %add3A_144 = arith.constant 12296 : i32
      %add3A_145 = arith.addi %add3A_144, %mul3A_143 : i32
      %get3A_146 = arith.index_cast %add3A_145 : i32 to index
      %get3A_147 = tpu.vector_load %arg7[%get3A_146] {strides = array<i32>} : memref<24592xf32, #tpu.memory_space<vmem>>, vector<16xf32>,
      %add3A_148 = arith.addf %add3A_141, %get3A_147 : vector<16xf32>
      %mul3A_149 = arith.constant 16 : i32
      %mul3A_150 = arith.muli %scan3A_88, %mul3A_149 : i32
      %add3A_151 = arith.constant 13833 : i32
      %add3A_152 = arith.addi %add3A_151, %mul3A_150 : i32
      %get3A_153 = arith.index_cast %add3A_152 : i32 to index
      %get3A_154 = tpu.vector_load %arg7[%get3A_153] {strides = array<i32>} : memref<24592xf32, #tpu.memory_space<vmem>>, vector<16xf32>,
      %add3A_155 = arith.addf %add3A_148, %get3A_154 : vector<16xf32>
      %mul3A_156 = arith.constant 16 : i32
      %mul3A_157 = arith.muli %scan3A_88, %mul3A_156 : i32
      %add3A_158 = arith.constant 15370 : i32
      %add3A_159 = arith.addi %add3A_158, %mul3A_157 : i32
      %get3A_160 = arith.index_cast %add3A_159 : i32 to index
      %get3A_161 = tpu.vector_load %arg7[%get3A_160] {strides = array<i32>} : memref<24592xf32, #tpu.memory_space<vmem>>, vector<16xf32>,
      %add3A_162 = arith.addf %add3A_155, %get3A_161 : vector<16xf32>
      %mul3A_163 = arith.constant 16 : i32
      %mul3A_164 = arith.muli %scan3A_88, %mul3A_163 : i32
      %add3A_165 = arith.constant 16907 : i32
      %add3A_166 = arith.addi %add3A_165, %mul3A_164 : i32
      %get3A_167 = arith.index_cast %add3A_166 : i32 to index
      %get3A_168 = tpu.vector_load %arg7[%get3A_167] {strides = array<i32>} : memref<24592xf32, #tpu.memory_space<vmem>>, vector<16xf32>,
      %add3A_169 = arith.addf %add3A_162, %get3A_168 : vector<16xf32>
      %mul3A_170 = arith.constant 16 : i32
      %mul3A_171 = arith.muli %scan3A_88, %mul3A_170 : i32
      %add3A_172 = arith.constant 18444 : i32
      %add3A_173 = arith.addi %add3A_172, %mul3A_171 : i32
      %get3A_174 = arith.index_cast %add3A_173 : i32 to index
      %get3A_175 = tpu.vector_load %arg7[%get3A_174] {strides = array<i32>} : memref<24592xf32, #tpu.memory_space<vmem>>, vector<16xf32>,
      %add3A_176 = arith.addf %add3A_169, %get3A_175 : vector<16xf32>
      %mul3A_177 = arith.constant 16 : i32
      %mul3A_178 = arith.muli %scan3A_88, %mul3A_177 : i32
      %add3A_179 = arith.constant 19981 : i32
      %add3A_180 = arith.addi %add3A_179, %mul3A_178 : i32
      %get3A_181 = arith.index_cast %add3A_180 : i32 to index
      %get3A_182 = tpu.vector_load %arg7[%get3A_181] {strides = array<i32>} : memref<24592xf32, #tpu.memory_space<vmem>>, vector<16xf32>,
      %add3A_183 = arith.addf %add3A_176, %get3A_182 : vector<16xf32>
      %mul3A_184 = arith.constant 16 : i32
      %mul3A_185 = arith.muli %scan3A_88, %mul3A_184 : i32
      %add3A_186 = arith.constant 21518 : i32
      %add3A_187 = arith.addi %add3A_186, %mul3A_185 : i32
      %get3A_188 = arith.index_cast %add3A_187 : i32 to index
      %get3A_189 = tpu.vector_load %arg7[%get3A_188] {strides = array<i32>} : memref<24592xf32, #tpu.memory_space<vmem>>, vector<16xf32>,
      %add3A_190 = arith.addf %add3A_183, %get3A_189 : vector<16xf32>
      %mul3A_191 = arith.constant 16 : i32
      %mul3A_192 = arith.muli %scan3A_88, %mul3A_191 : i32
      %add3A_193 = arith.constant 23055 : i32
      %add3A_194 = arith.addi %add3A_193, %mul3A_192 : i32
      %get3A_195 = arith.index_cast %add3A_194 : i32 to index
      %get3A_196 = tpu.vector_load %arg7[%get3A_195] {strides = array<i32>} : memref<24592xf32, #tpu.memory_space<vmem>>, vector<16xf32>,
      %add3A_197 = arith.addf %add3A_190, %get3A_196 : vector<16xf32>
      %mul3A_198 = arith.constant 16 : i32
      %mul3A_199 = arith.muli %scan3A_88, %mul3A_198 : i32
      %swap3A = arith.index_cast %mul3A_199 : i32 to index
      %swap3A_200 = tpu.vector_load %arg8[%swap3A] {strides = array<i32>} : memref<1536xf32, #tpu.memory_space<vmem>>, vector<16xf32>,
      tpu.vector_store %arg8[%swap3A], %add3A_197 {strides = array<i32>} : memref<1536xf32, #tpu.memory_space<vmem>>, vector<16xf32>,
      %scan3A_201 = arith.constant 0 : i32
      scf.yield %scan3A_201 : i32
    }
    %scan3A_87 = arith.constant 96 : i32
    "tpu.region"() ({
      %run_scoped3A = tpu.sem_alloc : memref<!tpu.dma_semaphore, #tpu.memory_space<semaphore_mem>>
      %dma_start3A_88 = arith.constant 0 : i32
      %dma_start3A_89 = tpu.memref_slice %arg4[%add3A, %dma_start3A_88] : memref<32x1536xf32, #tpu.memory_space<hbm>> -> memref<1x1536xf32, #tpu.memory_space<hbm>>
      %dma_start3A_90 = tpu.memref_squeeze %dma_start3A_89 : memref<1x1536xf32, #tpu.memory_space<hbm>> -> memref<1536xf32, #tpu.memory_space<hbm>>
      %dma_start3A_91 = arith.constant 0 : i32
      %dma_start3A_92 = tpu.memref_slice %arg4[%add3A, %dma_start3A_91] : memref<32x1536xf32, #tpu.memory_space<hbm>> -> memref<1x1536xf32, #tpu.memory_space<hbm>>
      %dma_start3A_93 = tpu.memref_squeeze %dma_start3A_92 : memref<1x1536xf32, #tpu.memory_space<hbm>> -> memref<1536xf32, #tpu.memory_space<hbm>>
      tpu.enqueue_dma source(%arg8 : memref<1536xf32, #tpu.memory_space<vmem>>) target(%dma_start3A_93 : memref<1536xf32, #tpu.memory_space<hbm>>) target_semaphore(%run_scoped3A : memref<!tpu.dma_semaphore, #tpu.memory_space<semaphore_mem>>)
      %dma_wait3A = arith.constant 0 : i32
      %dma_wait3A_94 = tpu.memref_slice %arg4[%add3A, %dma_wait3A] : memref<32x1536xf32, #tpu.memory_space<hbm>> -> memref<1x1536xf32, #tpu.memory_space<hbm>>
      %dma_wait3A_95 = tpu.memref_squeeze %dma_wait3A_94 : memref<1x1536xf32, #tpu.memory_space<hbm>> -> memref<1536xf32, #tpu.memory_space<hbm>>
      %dma_wait3A_96 = arith.constant 0 : i32
      %dma_wait3A_97 = tpu.memref_slice %arg4[%add3A, %dma_wait3A_96] : memref<32x1536xf32, #tpu.memory_space<hbm>> -> memref<1x1536xf32, #tpu.memory_space<hbm>>
      %dma_wait3A_98 = tpu.memref_squeeze %dma_wait3A_97 : memref<1x1536xf32, #tpu.memory_space<hbm>> -> memref<1536xf32, #tpu.memory_space<hbm>>
      tpu.wait_dma2 semaphore(%run_scoped3A : memref<!tpu.dma_semaphore, #tpu.memory_space<semaphore_mem>>) src(%arg8 : memref<1536xf32, #tpu.memory_space<vmem>>) dst(%dma_wait3A_98 : memref<1536xf32, #tpu.memory_space<hbm>>)
      tpu.yield
    }) : () -> ()
    return
  }
}

module attributes {stable_mosaic.version = 14 : i64} {
  func.func @kl_body(%arg0: memref<32x1536xf32, #tpu.memory_space<vmem>>, %arg1: memref<1x1xf32, #tpu.memory_space<vmem>>) attributes {dimension_semantics = [], scalar_prefetch = 0 : i64, scratch_operands = 0 : i64, tpu.core_type = #tpu.core_type<tc>} {
    %get3A = arith.constant 0 : index
    %get3A_0 = arith.constant 0 : index
    %get3A_1 = vector.load %arg0[%get3A, %get3A_0] : memref<32x1536xf32, #tpu.memory_space<vmem>>, vector<32x1536xf32>
    %reduce_sum3A = arith.constant dense<0.000000e+00> : vector<1536xf32>
    %reduce_sum3A_2 = vector.multi_reduction <add>, %get3A_1, %reduce_sum3A [0] : vector<32x1536xf32> to vector<1536xf32>
    %broadcast_in_dim3A = vector.shape_cast %reduce_sum3A_2 : vector<1536xf32> to vector<1x1536xf32>
    %slice3A = vector.extract_strided_slice %broadcast_in_dim3A {offsets = [0, 0], sizes = [1, 256], strides = [1, 1]} : vector<1x1536xf32> to vector<1x256xf32>
    %reduce_sum3A_3 = vector.shape_cast %slice3A : vector<1x256xf32> to vector<1x1x256xf32>
    %reduce_sum3A_4 = arith.constant dense<0.000000e+00> : vector<1xf32>
    %reduce_sum3A_5 = vector.multi_reduction <add>, %reduce_sum3A_3, %reduce_sum3A_4 [1, 2] : vector<1x1x256xf32> to vector<1xf32>
    %reduce_sum3A_6 = vector.shape_cast %reduce_sum3A_5 : vector<1xf32> to vector<1x1x1xf32>
    %reduce_sum3A_7 = vector.extract %reduce_sum3A_6[0, 0, 0] : f32 from vector<1x1x1xf32>
    %add3A = arith.constant 9.99999993E-9 : f32
    %add3A_8 = arith.addf %reduce_sum3A_7, %add3A : f32
    %div3A = vector.broadcast %add3A_8 : f32 to vector<1x256xf32>
    %div3A_9 = arith.divf %slice3A, %div3A : vector<1x256xf32>
    %add3A_10 = arith.constant 9.99999993E-9 : f32
    %add3A_11 = vector.broadcast %add3A_10 : f32 to vector<1x256xf32>
    %add3A_12 = arith.addf %div3A_9, %add3A_11 : vector<1x256xf32>
    %slice3A_13 = vector.extract_strided_slice %broadcast_in_dim3A {offsets = [0, 256], sizes = [1, 256], strides = [1, 1]} : vector<1x1536xf32> to vector<1x256xf32>
    %reduce_sum3A_14 = vector.shape_cast %slice3A_13 : vector<1x256xf32> to vector<1x1x256xf32>
    %reduce_sum3A_15 = arith.constant dense<0.000000e+00> : vector<1xf32>
    %reduce_sum3A_16 = vector.multi_reduction <add>, %reduce_sum3A_14, %reduce_sum3A_15 [1, 2] : vector<1x1x256xf32> to vector<1xf32>
    %reduce_sum3A_17 = vector.shape_cast %reduce_sum3A_16 : vector<1xf32> to vector<1x1x1xf32>
    %reduce_sum3A_18 = vector.extract %reduce_sum3A_17[0, 0, 0] : f32 from vector<1x1x1xf32>
    %add3A_19 = arith.constant 9.99999993E-9 : f32
    %add3A_20 = arith.addf %reduce_sum3A_18, %add3A_19 : f32
    %div3A_21 = vector.broadcast %add3A_20 : f32 to vector<1x256xf32>
    %div3A_22 = arith.divf %slice3A_13, %div3A_21 : vector<1x256xf32>
    %add3A_23 = arith.constant 9.99999993E-9 : f32
    %add3A_24 = vector.broadcast %add3A_23 : f32 to vector<1x256xf32>
    %add3A_25 = arith.addf %div3A_22, %add3A_24 : vector<1x256xf32>
    %slice3A_26 = vector.extract_strided_slice %broadcast_in_dim3A {offsets = [0, 512], sizes = [1, 256], strides = [1, 1]} : vector<1x1536xf32> to vector<1x256xf32>
    %reduce_sum3A_27 = vector.shape_cast %slice3A_26 : vector<1x256xf32> to vector<1x1x256xf32>
    %reduce_sum3A_28 = arith.constant dense<0.000000e+00> : vector<1xf32>
    %reduce_sum3A_29 = vector.multi_reduction <add>, %reduce_sum3A_27, %reduce_sum3A_28 [1, 2] : vector<1x1x256xf32> to vector<1xf32>
    %reduce_sum3A_30 = vector.shape_cast %reduce_sum3A_29 : vector<1xf32> to vector<1x1x1xf32>
    %reduce_sum3A_31 = vector.extract %reduce_sum3A_30[0, 0, 0] : f32 from vector<1x1x1xf32>
    %add3A_32 = arith.constant 9.99999993E-9 : f32
    %add3A_33 = arith.addf %reduce_sum3A_31, %add3A_32 : f32
    %div3A_34 = vector.broadcast %add3A_33 : f32 to vector<1x256xf32>
    %div3A_35 = arith.divf %slice3A_26, %div3A_34 : vector<1x256xf32>
    %add3A_36 = arith.constant 9.99999993E-9 : f32
    %add3A_37 = vector.broadcast %add3A_36 : f32 to vector<1x256xf32>
    %add3A_38 = arith.addf %div3A_35, %add3A_37 : vector<1x256xf32>
    %slice3A_39 = vector.extract_strided_slice %broadcast_in_dim3A {offsets = [0, 768], sizes = [1, 256], strides = [1, 1]} : vector<1x1536xf32> to vector<1x256xf32>
    %reduce_sum3A_40 = vector.shape_cast %slice3A_39 : vector<1x256xf32> to vector<1x1x256xf32>
    %reduce_sum3A_41 = arith.constant dense<0.000000e+00> : vector<1xf32>
    %reduce_sum3A_42 = vector.multi_reduction <add>, %reduce_sum3A_40, %reduce_sum3A_41 [1, 2] : vector<1x1x256xf32> to vector<1xf32>
    %reduce_sum3A_43 = vector.shape_cast %reduce_sum3A_42 : vector<1xf32> to vector<1x1x1xf32>
    %reduce_sum3A_44 = vector.extract %reduce_sum3A_43[0, 0, 0] : f32 from vector<1x1x1xf32>
    %add3A_45 = arith.constant 9.99999993E-9 : f32
    %add3A_46 = arith.addf %reduce_sum3A_44, %add3A_45 : f32
    %div3A_47 = vector.broadcast %add3A_46 : f32 to vector<1x256xf32>
    %div3A_48 = arith.divf %slice3A_39, %div3A_47 : vector<1x256xf32>
    %add3A_49 = arith.constant 9.99999993E-9 : f32
    %add3A_50 = vector.broadcast %add3A_49 : f32 to vector<1x256xf32>
    %add3A_51 = arith.addf %div3A_48, %add3A_50 : vector<1x256xf32>
    %slice3A_52 = vector.extract_strided_slice %broadcast_in_dim3A {offsets = [0, 1024], sizes = [1, 256], strides = [1, 1]} : vector<1x1536xf32> to vector<1x256xf32>
    %reduce_sum3A_53 = vector.shape_cast %slice3A_52 : vector<1x256xf32> to vector<1x1x256xf32>
    %reduce_sum3A_54 = arith.constant dense<0.000000e+00> : vector<1xf32>
    %reduce_sum3A_55 = vector.multi_reduction <add>, %reduce_sum3A_53, %reduce_sum3A_54 [1, 2] : vector<1x1x256xf32> to vector<1xf32>
    %reduce_sum3A_56 = vector.shape_cast %reduce_sum3A_55 : vector<1xf32> to vector<1x1x1xf32>
    %reduce_sum3A_57 = vector.extract %reduce_sum3A_56[0, 0, 0] : f32 from vector<1x1x1xf32>
    %add3A_58 = arith.constant 9.99999993E-9 : f32
    %add3A_59 = arith.addf %reduce_sum3A_57, %add3A_58 : f32
    %div3A_60 = vector.broadcast %add3A_59 : f32 to vector<1x256xf32>
    %div3A_61 = arith.divf %slice3A_52, %div3A_60 : vector<1x256xf32>
    %add3A_62 = arith.constant 9.99999993E-9 : f32
    %add3A_63 = vector.broadcast %add3A_62 : f32 to vector<1x256xf32>
    %add3A_64 = arith.addf %div3A_61, %add3A_63 : vector<1x256xf32>
    %slice3A_65 = vector.extract_strided_slice %broadcast_in_dim3A {offsets = [0, 1280], sizes = [1, 256], strides = [1, 1]} : vector<1x1536xf32> to vector<1x256xf32>
    %reduce_sum3A_66 = vector.shape_cast %slice3A_65 : vector<1x256xf32> to vector<1x1x256xf32>
    %reduce_sum3A_67 = arith.constant dense<0.000000e+00> : vector<1xf32>
    %reduce_sum3A_68 = vector.multi_reduction <add>, %reduce_sum3A_66, %reduce_sum3A_67 [1, 2] : vector<1x1x256xf32> to vector<1xf32>
    %reduce_sum3A_69 = vector.shape_cast %reduce_sum3A_68 : vector<1xf32> to vector<1x1x1xf32>
    %reduce_sum3A_70 = vector.extract %reduce_sum3A_69[0, 0, 0] : f32 from vector<1x1x1xf32>
    %add3A_71 = arith.constant 9.99999993E-9 : f32
    %add3A_72 = arith.addf %reduce_sum3A_70, %add3A_71 : f32
    %div3A_73 = vector.broadcast %add3A_72 : f32 to vector<1x256xf32>
    %div3A_74 = arith.divf %slice3A_65, %div3A_73 : vector<1x256xf32>
    %add3A_75 = arith.constant 9.99999993E-9 : f32
    %add3A_76 = vector.broadcast %add3A_75 : f32 to vector<1x256xf32>
    %add3A_77 = arith.addf %div3A_74, %add3A_76 : vector<1x256xf32>
    %broadcast_in_dim3A_78 = arith.constant 0.000000e+00 : f32
    %broadcast_in_dim3A_79 = vector.broadcast %broadcast_in_dim3A_78 : f32 to vector<1x1xf32>
    %log3A = math.log %add3A_51 : vector<1x256xf32>
    %log3A_80 = math.log %add3A_12 : vector<1x256xf32>
    %sub3A = arith.subf %log3A, %log3A_80 : vector<1x256xf32>
    %mul3A = arith.mulf %add3A_51, %sub3A : vector<1x256xf32>
    %reduce_sum3A_81 = vector.shape_cast %mul3A : vector<1x256xf32> to vector<1x1x256xf32>
    %reduce_sum3A_82 = arith.constant dense<0.000000e+00> : vector<1xf32>
    %reduce_sum3A_83 = vector.multi_reduction <add>, %reduce_sum3A_81, %reduce_sum3A_82 [1, 2] : vector<1x1x256xf32> to vector<1xf32>
    %reduce_sum3A_84 = vector.shape_cast %reduce_sum3A_83 : vector<1xf32> to vector<1x1x1xf32>
    %reduce_sum3A_85 = vector.extract %reduce_sum3A_84[0, 0, 0] : f32 from vector<1x1x1xf32>
    %broadcast_in_dim3A_86 = vector.broadcast %reduce_sum3A_85 : f32 to vector<1x1xf32>
    %add3A_87 = arith.addf %broadcast_in_dim3A_79, %broadcast_in_dim3A_86 : vector<1x1xf32>
    %log3A_88 = math.log %add3A_64 : vector<1x256xf32>
    %log3A_89 = math.log %add3A_25 : vector<1x256xf32>
    %sub3A_90 = arith.subf %log3A_88, %log3A_89 : vector<1x256xf32>
    %mul3A_91 = arith.mulf %add3A_64, %sub3A_90 : vector<1x256xf32>
    %reduce_sum3A_92 = vector.shape_cast %mul3A_91 : vector<1x256xf32> to vector<1x1x256xf32>
    %reduce_sum3A_93 = arith.constant dense<0.000000e+00> : vector<1xf32>
    %reduce_sum3A_94 = vector.multi_reduction <add>, %reduce_sum3A_92, %reduce_sum3A_93 [1, 2] : vector<1x1x256xf32> to vector<1xf32>
    %reduce_sum3A_95 = vector.shape_cast %reduce_sum3A_94 : vector<1xf32> to vector<1x1x1xf32>
    %reduce_sum3A_96 = vector.extract %reduce_sum3A_95[0, 0, 0] : f32 from vector<1x1x1xf32>
    %broadcast_in_dim3A_97 = vector.broadcast %reduce_sum3A_96 : f32 to vector<1x1xf32>
    %add3A_98 = arith.addf %add3A_87, %broadcast_in_dim3A_97 : vector<1x1xf32>
    %log3A_99 = math.log %add3A_77 : vector<1x256xf32>
    %log3A_100 = math.log %add3A_38 : vector<1x256xf32>
    %sub3A_101 = arith.subf %log3A_99, %log3A_100 : vector<1x256xf32>
    %mul3A_102 = arith.mulf %add3A_77, %sub3A_101 : vector<1x256xf32>
    %reduce_sum3A_103 = vector.shape_cast %mul3A_102 : vector<1x256xf32> to vector<1x1x256xf32>
    %reduce_sum3A_104 = arith.constant dense<0.000000e+00> : vector<1xf32>
    %reduce_sum3A_105 = vector.multi_reduction <add>, %reduce_sum3A_103, %reduce_sum3A_104 [1, 2] : vector<1x1x256xf32> to vector<1xf32>
    %reduce_sum3A_106 = vector.shape_cast %reduce_sum3A_105 : vector<1xf32> to vector<1x1x1xf32>
    %reduce_sum3A_107 = vector.extract %reduce_sum3A_106[0, 0, 0] : f32 from vector<1x1x1xf32>
    %broadcast_in_dim3A_108 = vector.broadcast %reduce_sum3A_107 : f32 to vector<1x1xf32>
    %add3A_109 = arith.addf %add3A_98, %broadcast_in_dim3A_108 : vector<1x1xf32>
    %div3A_110 = arith.constant 2.560000e+02 : f32
    %div3A_111 = vector.broadcast %div3A_110 : f32 to vector<1x1xf32>
    %div3A_112 = arith.divf %add3A_109, %div3A_111 : vector<1x1xf32>
    %swap3A = arith.constant 0 : index
    %swap3A_113 = arith.constant 0 : index
    %swap3A_114 = vector.load %arg1[%swap3A, %swap3A_113] : memref<1x1xf32, #tpu.memory_space<vmem>>, vector<1x1xf32>
    tpu.vector_store %arg1[%swap3A, %swap3A_113], %div3A_112 {strides = array<i32>} : memref<1x1xf32, #tpu.memory_space<vmem>>, vector<1x1xf32>,
    return
  }
}

</mosaic_0001>

<sc_bundles>
// kernel: kernel.4.cloned.1.call-start
scs
__scs_entry_jumppad:
0x0: {  	(pc) =	sbr.rel $0x88, $3  }
0x1: {  	(tag) =	ssettag $0x0;
	lr =	simm.s32 $0x1  }
0x2: {  	[smem:$0x3F9F] =	sst lr;
	_ =	strace $0xD0000000  }
0x3: {  	_ = 	snop  }
0x4: {  	_ = 	snop  }
0x5: {  	_ = 	snop  }
0x6: {  	_ = 	snop  }
0x7: {  	_ = 	snop  }
__scs_overlays_trampoline_lowered:
0x8: {  	[smem:$0x3FAE] =	sst s0  }
0x9: {  	[smem:$0x3FAF] =	sst s1  }
0xa: {  	[smem:$0x3FB0] =	sst s2  }
0xb: {  	[smem:$0x3FB1] =	sst s3  }
0xc: {  	[smem:$0x3FB2] =	sst s4  }
0xd: {  	[smem:$0x3FB3] =	sst s5  }
0xe: {  	[smem:$0x3FB4] =	sst s6  }
0xf: {  	[smem:$0x3FB5] =	sst s7  }
0x10: {  	[smem:$0x3FB6] =	sst s8  }
0x11: {  	[smem:$0x3FB7] =	sst s9;
	s0 =	simm.s32 @!p0 $0x0  }
0x12: {  	s1 =	sld [smem:$0x3F9D];
	s0 =	simm.s32 @p0 $0x1  }
0x13: {  	[smem:$0x3FB8] =	sst s0;
	s0 =	simm.s32 @!p1 $0x0  }
0x14: {  	s2 =	sld [smem:$0x3F9C];
	s0 =	simm.s32 @p1 $0x1  }
0x15: {  	[smem:$0x3FB9] =	sst s0;
	s0 =	simm.s32 @!p2 $0x0  }
0x16: {  	s3 =	sld [smem:$0x3FDB];
	s0 =	simm.s32 @p2 $0x1  }
0x17: {  	s4 =	simm.s32 $0x1BF5;
	[smem:$0x3FBB] =	sst s0  }
0x18: {  	s0 =	sld [smem:$0x3F9E];
	_ =	swait.ge [sflag:s4], $0x0  }
0x19: {  	s7 =	sld [smem:$0x3F9F]  }
0x1a: {  	s8 =	sadd.s32 $0xFFFFE003, lr  }
0x1b: {  	s9 =	sadd.s32 $0xFFFFFEF7, lr;
	s5 =	simm.s32 $0xFFFFFFFF;
	p2 =	slt.u32 s8, $0xFFFFF086  }
0x1c: {  	p1 =	slt.u32 s9, $0xF7A;
	s5 =	simm.s32 @!p2 $0x0  }
0x1d: {  	s5 =	simm.s32 @p1 $0x1;
	p0 =	seq.s32 s7, s2  }
0x1e: {  	s7 =	smul.u32 @!p0 $0xF7A, s2;
	p2 =	seq.s32 @!p0 s5, $0x0  }
0x1f: {  	s9 =	smul.u32 $0xF7A, s1;
	s8 =	simm.s32 @!p0 $0x1BF5;
	p2 =	por !p2, p0  }
0x20: {  	[sflag:s8] =	ssyncset.s32 @!p0 $0xFFFFF086;
	s6 =	sadd.s32 @!p0 s3, s7;
	s7 =	simm.s32 @!p0 $0x108  }
0x21: {  	s3 =	sadd.s32 s3, s9;
	s6 =	sadd.s32 @!p0 $0x88, s6;
	s7 =	simm.s32 @p2 $0x1082  }
0x22: {  	[simem:s7], [sflag:s8] =	dma.local @!p0 [hbm:s6], $0xF7A  }
0x23: {  	s9 =	sor.u32 $0xD0000000, s2;
	s6 =	simm.s32 $0x108;
	_ =	swait.ge @!p0 [sflag:s8], $0x0  }
0x24: {  	s3 =	sadd.s32 $0x88, s3;
	s6 =	simm.s32 @!p1 $0x1082;
	[sflag:s4] =	ssyncset.s32 $0xFFFFF086  }
0x25: {  	[simem:s6], [sflag:s4] =	dma.local [hbm:s3], $0xF7A  }
0x26: {  	[smem:$0x3F9F] =	sst s1;
	(tag) =	ssettag s2;
	_ =	strace s9  }
0x27: {  	s1 =	sld [smem:$0x3FAF]  }
0x28: {  	s2 =	sld [smem:$0x3FB0]  }
0x29: {  	s4 =	sld [smem:$0x3FB2]  }
0x2a: {  	p0 =	seq.s32 s5, $0x0;
	s5 =	sld [smem:$0x3FB3]  }
0x2b: {  	s6 =	sld [smem:$0x3FB4]  }
0x2c: {  	s7 =	sld [smem:$0x3FB5]  }
0x2d: {  	s3 =	simm.s32 $0x108;
	s8 =	sld [smem:$0x3FB6]  }
0x2e: {  	s3 =	simm.s32 @!p0 $0x1082;
	s9 =	sld [smem:$0x3FB7]  }
0x2f: {  	lr =	sadd.s32 s0, s3;
	s0 =	sld [smem:$0x3FAE]  }
0x30: {  	s3 =	sld [smem:$0x3FB1]  }
0x31: {  	[smem:$0x3FBA] =	sst s10  }
0x32: {  	s10 =	sld [smem:$0x3FB8];
	_ =	sdelay $0x3  }
0x33: {  	p0 =	seq.s32 s10, $0x1;
	s10 =	sld [smem:$0x3FBA];
	_ =	sdelay $0x3  }
0x34: {  	[smem:$0x3FBA] =	sst s10  }
0x35: {  	s10 =	sld [smem:$0x3FB9];
	_ =	sdelay $0x3  }
0x36: {  	p1 =	seq.s32 s10, $0x1;
	s10 =	sld [smem:$0x3FBA];
	_ =	sdelay $0x3  }
0x37: {  	[smem:$0x3FBA] =	sst s10  }
0x38: {  	s10 =	sld [smem:$0x3FBB]  }
0x39: {  	_ = 	snop;
	(pc) =	sbr.ind lr, $3  }
0x3a: {  	_ = 	snop  }
0x3b: {  	_ = 	snop  }
0x3c: {  	p2 =	seq.s32 s10, $0x1;
	s10 =	sld [smem:$0x3FBA]  }
0x3d: {  	_ =	shalt  }
0x3e: {  	_ =	shalt  }
0x3f: {  	_ =	shalt  }
0x40: {  	_ =	shalt  }
0x41: {  	_ =	shalt  }
0x42: {  	_ =	shalt  }
0x43: {  	_ =	shalt  }
0x44: {  	_ =	shalt  }
0x45: {  	_ =	shalt  }
0x46: {  	_ =	shalt  }
0x47: {  	_ =	shalt  }
0x48: {  	_ =	shalt  }
0x49: {  	_ =	shalt  }
0x4a: {  	_ =	shalt  }
0x4b: {  	_ =	shalt  }
0x4c: {  	_ =	shalt  }
0x4d: {  	_ =	shalt  }
0x4e: {  	_ =	shalt  }
0x4f: {  	_ =	shalt  }
0x50: {  	_ =	shalt  }
0x51: {  	_ =	shalt  }
0x52: {  	_ =	shalt  }
0x53: {  	_ =	shalt  }
0x54: {  	_ =	shalt  }
0x55: {  	_ =	shalt  }
0x56: {  	_ =	shalt  }
0x57: {  	_ =	shalt  }
0x58: {  	_ =	shalt  }
0x59: {  	_ =	shalt  }
0x5a: {  	_ =	shalt  }
0x5b: {  	_ =	shalt  }
0x5c: {  	_ =	shalt  }
0x5d: {  	_ =	shalt  }
0x5e: {  	_ =	shalt  }
0x5f: {  	_ =	shalt  }
0x60: {  	_ =	shalt  }
0x61: {  	_ =	shalt  }
0x62: {  	_ =	shalt  }
0x63: {  	_ =	shalt  }
0x64: {  	_ =	shalt  }
0x65: {  	_ =	shalt  }
0x66: {  	_ =	shalt  }
0x67: {  	_ =	shalt  }
0x68: {  	_ =	shalt  }
0x69: {  	_ =	shalt  }
0x6a: {  	_ =	shalt  }
0x6b: {  	_ =	shalt  }
0x6c: {  	_ =	shalt  }
0x6d: {  	_ =	shalt  }
0x6e: {  	_ =	shalt  }
0x6f: {  	_ =	shalt  }
0x70: {  	_ =	shalt  }
0x71: {  	_ =	shalt  }
0x72: {  	_ =	shalt  }
0x73: {  	_ =	shalt  }
0x74: {  	_ =	shalt  }
0x75: {  	_ =	shalt  }
0x76: {  	_ =	shalt  }
0x77: {  	_ =	shalt  }
0x78: {  	_ =	shalt  }
0x79: {  	_ =	shalt  }
0x7a: {  	_ =	shalt  }
0x7b: {  	_ =	shalt  }
0x7c: {  	_ =	shalt  }
0x7d: {  	_ =	shalt  }
0x7e: {  	_ =	shalt  }
0x7f: {  	_ =	shalt  }
0x80: {  	_ =	shalt  }
0x81: {  	_ =	shalt  }
0x82: {  	_ =	shalt  }
0x83: {  	_ =	shalt  }
0x84: {  	_ =	shalt  }
0x85: {  	_ =	shalt  }
0x86: {  	_ =	shalt  }
0x87: {  	_ =	shalt  }
.Lfunc_end0:
.L_simem_size_0:
called_computation_lowered:
.L_overlay_start_0:
0x88: {  	s2 =	sld [smem:$0x3FD9]  }
0x89: {  	s3 =	sld [smem:$0x3FFE];
	_ =	sdelay $0x1  }
0x8a: {  	s1 =	srdreg.scid  }
0x8b: {  	s0 =	sand.u32 $0x1, s1  }
0x8c: {  	s17 =	sshll.u32 s0, $0xA;
	s2 =	sadd.s32 s3, s2  }
0x8d: {  	s2 =	sadd.s32 s2, s17  }
0x8e: {  	[smem:$0x3FC6] =	sst s2  }
0x8f: {  	_ = 	snop  }
0x90: {  	s2 =	sld [smem:$0x3FC9]  }
0x91: {  	s18 =	sld [smem:$0x3FC8];
	(tm) =	ssettm $0x1  }
0x92: {  	s4 =	sld [smem:$0x3FFB];
	_ =	sdelay $0x3  }
0x93: {  	_ =	strace s4  }
0x94: {  	s4 =	sld [smem:$0x3FFC];
	_ =	sdelay $0x3  }
0x95: {  	_ =	strace s4  }
0x96: {  	s4 =	sld [smem:$0x3FFD];
	_ =	sdelay $0x3  }
0x97: {  	_ =	strace s4  }
0x98: {  	_ =	strace $0x8FFFFFFF  }
0x99: {  	s19 =	sld [smem:$0x3FDB];
	_ =	sdelay $0x1  }
0x9a: {  	s5 =	simm.s32 $_scs_section_size  }
0x9b: {  	s6 =	simm.s32 $_size__tile_overlayer_lowered;
	s7 =	simm.s32 $_tile_overlayer_lowered  }
0x9c: {  	s22 =	simm.s32 $0x1BFF;
	s21 =	sshll.u32 s7, $0x1;
	s4 =	sadd.s32 s5, s19  }
0x9d: {  	s8 =	simm.s32 $0x0;
	s20 =	sshll.u32 s6, $0x1;
	s6 =	sadd.s32 s21, s4  }
0x9e: {  	[timem:s8], [sflag:s22] =	dma.local [hbm:s6], s20  }
0x9f: {  	_ =	swait.ge [sflag:s22], s20  }
0xa0: {  	s5 =	ssub.s32 $0x0, s20;
	[sflag:s22] =	ssyncset.done $0x0  }
0xa1: {  	[sflag:s22] =	ssyncadd.s32 s5;
	_ =	sdelay $0x1  }
0xa2: {  	s23 =	simm.s32 $0x1B8B  }
0xa3: {  	_ =	swait.ge [sflag:s23], $0x1  }
0xa4: {  	[sflag:s23] =	ssyncset.done $0x0  }
0xa5: {  	s25 =	simm.s32 $0x1B8E;
	s24 =	sld [smem:$0x3FFE];
	[sflag:s23] =	ssyncadd.s32 $0xFFFFFFFF  }
0xa6: {  	s26 =	simm.s32 $execute0_lowered;
	[smem:$0x3FD2] =	sst s25  }
0xa7: {  	s6 =	sshll.u32 s26, $0x1;
	_ =	strace $0x80000046;
	[dreg:$0x1] =	wrdreg $0xFFFFFFFF  }
0xa8: {  	s28 =	simm.s32 $_size_execute0_lowered;
	s4 =	sadd.s32 s4, s6;
	[dreg:$0x0] =	wrdreg $0x0  }
0xa9: {  	s6 =	sshll.u32 s28, $0x1;
	[dreg:$0x2] =	wrdreg s4  }
0xaa: {  	[dreg:$0x3] =	wrdreg s6  }
0xab: {  	[dreg:$0x4] =	wrdreg $0xC0  }
0xac: {  	_ =	task [dreg:s8], $0x5FFFF  }
0xad: {  	[dreg:$0x1] =	wrdreg $0xFFFFFFFF  }
0xae: {  	[dreg:$0x0] =	wrdreg $0x60  }
0xaf: {  	[dreg:$0x2] =	wrdreg s2  }
0xb0: {  	[dreg:$0x3] =	wrdreg s18  }
0xb1: {  	[dreg:$0x4] =	wrdreg s24  }
0xb2: {  	[dreg:$0x5] =	wrdreg $0x9  }
0xb3: {  	_ =	task.clear_ibuf [dreg:s8], $0x6FFFF;
	_ =	strace $0x90000046  }
0xb4: {  	s29 =	simm.s32 $0x9;
	_ =	strace $0x80000048  }
0xb5: {  	_ =	swait.ge [sflag:s29], $0x1  }
0xb6: {  	[sflag:s29] =	ssyncadd.s32 $0xFFFFFFFF  }
0xb7: {  	_ =	strace $0x90000048  }
0xb8: {  	_ =	sfence  }
0xb9: {  	s30 =	sld [smem:$0x0];
	_ =	sdelay $0x2  }
0xba: {  	s31 =	sshll.u32 s1, $0xD;
	s1 =	sshrl.u32 s1, $0x2  }
0xbb: {  	s3 =	sand.u32 $0x4000, s31;
	s1 =	sadd.s32 s1, s30  }
0xbc: {  	s0 =	sor.u32 s3, s0;
	s1 =	sshll.u32 s1, $0x11  }
0xbd: {  	s0 =	sor.u32 s1, s0  }
0xbe: {  	s0 =	sadd.s32 $0x8F2B, s0  }
0xbf: {  	[sflag:s0] =	ssyncadd.remote.s32 $0x1  }
0xc0: {  	_ =	sfence.sel $0xFFFF  }
0xc1: {  	[dreg:$0x0] =	wrdreg $0xFFFFFFFF;
	(pc) =	sbr.abs _section_cstart, $3  }
0xc2: {  	[dreg:$0x1] =	wrdreg $0xFFFFFFFF  }
0xc3: {  	_ =	task.clear_ibuf [dreg:s8], $0x2FFFF;
	_ =	strace $0x9FFFFFFF  }
0xc4: {  	(tm) =	ssettm $0x7FFFFFFF  }
0xc5: {  	_ =	shalt  }
tec
execute0_lowered:
.L_overlay_start_1:
0x0: {  	(tag) =	ssettag $0x1  }
0x1: {  	s1 =	rddreg [dreg:$0x0]  }
0x2: {  	s3 =	rddreg [dreg:$0x1];
	s2 =	srdreg.scid  }
0x3: {  	s0 =	stileid.u32;
	s6 =	rddreg [dreg:$0x2];
	s17 =	simm.s32 $0x4000  }
0x4: {  	s18 =	simm.s32 $0x1;
	s19 =	simm.s32 $0x8000;
	s20 =	simm.s32 $0x2  }
0x5: {  	s21 =	simm.s32 $0x80;
	s22 =	simm.s32 $0x400;
	s23 =	simm.s32 $0xE080  }
0x6: {  	s24 =	simm.s32 $0x3;
	s7 =	sand.u32 $0x1, s2;
	s4 =	sshll.u32 s0, $0x1  }
0x7: {  	s8 =	sshrl.u32 s0, $0x2;
	s5 =	sor.u32 s7, s4;
	s4 =	simm.s32 $0x0  }
0x8: {  	s8 =	smul.u32 $0x3000, s8;
	s7 =	ssub.s32 $0x2, s7;
	s9 =	sshll.u32 s5, $0x7  }
0x9: {  	[smem:$0x7FF] =	sst s4;
	s5 =	smul.u32 $0xC0000, s5;
	s31 =	sshrl.u32 s7, $0x1  }
0xa: {  	s9 =	sand.u32 $0x380, s9;
	_ =	strace $0x80000047;
	s16 =	ssub.s32 s7, s31  }
0xb: {  	v0 =	vlaneseq.u32;
	s8 =	sor.u32 s8, s9;
	s14 =	sshrl.u32 s5, $0x3;
	s7 =	sor.u32 $0x8000, s5  }
0xc: {  	v0 =	vmul.u32 $0x601, v0;
	s9 =	sadd.s32 $0x80000, s5;
	s11 =	sadd.s32 $0x48000, s5;
	s13 =	sadd.s32 $0x88000, s5  }
0xd: {  	v1 =	vimm.f32 $0.0e+00;
	s16 =	smax.u32 s16, $0x1;
	s8 =	sshrl.u32 s8, $0x3;
	s12 =	sshrl.u32 s9, $0x3  }
0xe: {  	v2 =	vimm.f32 $1.000000000e+00;
	v3 =	vadd.s32 $0x100, v0;
	v4 =	vadd.s32 $0x200, v0;
	s15 =	sadd.s32 s8, s6;
	s6 =	sadd.s32 s1, s14;
	s8 =	sadd.s32 $0x40000, s5  }
0xf: {  	v5 =	vadd.s32 $0x300, v0;
	v6 =	vadd.s32 $0x400, v0;
	v7 =	vadd.s32 $0x500, v0;
	s14 =	sadd.s32 s3, s14;
	s10 =	sshrl.u32 s8, $0x3;
	s15 =	sadd.s32 $0x600, s15  }
.LBB2_1:
0x10: {  	s25 =	simm.s32 $0x40;
	s26 =	simm.s32 $0x0  }
.LBB2_2:
0x11: {  	p0 =	sne.s32 s25, $0x18000;
	[tilespmem:s26+$0x8000] =	vst v1;
	s26 =	smov.u32 s25;
	s25 =	sadd.s32 $0x40, s25  }
.Ltmp0:
0x12: {  	(pc) =	sbr.rel @p0 .LBB2_2-.Ltmp0, $2  }
0x13: {  	_ =	sdelay $0x2  }
0x14: {  	s26 =	sshra.s32 s26, $0x2  }
0x15: {  	[tilespmem:s26+$0x8000] =	vst v1;
	s26 =	simm.s32 $0x0;
	s28 =	simm.s32 $0x0  }
0x16: {  	[tilespmem:s26], [sflag:$0x1] =	stream.linear.gather [hbm4b:s6+s26], $0x4000, $0x38;
	[tilespmem:$0xE680] =	vst v63  }
.LBB2_4:
0x17: {  	s25 =	sshll.u32 s28, $0xF  }
0x18: {  	s29 =	sor.u32 s25, s5  }
0x19: {  	s29 =	sshrl.u32 s29, $0x3  }
0x1a: {  	s29 =	sadd.s32 s29, s1  }
0x1b: {  	s29 =	sadd.s32 $0x800, s29  }
0x1c: {  	[tilespmem:s17], [sflag:$0x2] =	stream.linear.gather [hbm4b:s29+s26], $0x4000, $0x38;
	[tilespmem:$0xE680] =	vst v63  }
0x1d: {  	s30 =	sand.u32 $0xC00, s26;
	s29 =	simm.s32 $0x0  }
0x1e: {  	s31 =	simm.s32 $0x0;
	_ =	swait.ge [sflag:s18], $0x4000;
	s29 =	sand.u32 $0x3000, s29  }
0x1f: {  	s31 =	sand.u32 $0x380, s31;
	[sflag:s18] =	ssyncset.done $0x0;
	s29 =	sor.u32 s30, s29  }
0x20: {  	[sflag:s18] =	ssyncadd.s32 $0xFFFFC000;
	s29 =	sor.u32 s31, s29  }
0x21: {  	v8 =	vld [tilespmem:s29+$0x70];
	_ =	sdelay $0x3  }
0x22: {  	v9 =	vld [tilespmem:s29+$0x0]  }
0x23: {  	v10 =	vld [tilespmem:s29+$0x10];
	v8 =	vmul.f32 $2.560000000e+02, v8  }
0x24: {  	v11 =	vld [tilespmem:s29+$0x20]  }
0x25: {  	v12 =	vld [tilespmem:s29+$0x30];
	v8 =	vtrunc.f32 v8  }
0x26: {  	v13 =	vld [tilespmem:s29+$0x40];
	v8 =	vcvt.f32.s32 v8  }
0x27: {  	v14 =	vld [tilespmem:s29+$0x50]  }
0x28: {  	s30 =	simm.s32 $0x80;
	v15 =	vld [tilespmem:s29+$0x60];
	s29 =	simm.s32 $0x400;
	v8 =	vadd.s32 v0, v8  }
0x29: {  	s2 =	simm.s32 $0x20;
	s30 =	sand.u32 $0x3000, s30;
	s0 =	sand.u32 $0xC00, s29;
	v9 =	vmul.f32 $2.560000000e+02, v9  }
0x2a: {  	s2 =	sand.u32 $0x380, s2;
	s30 =	sor.u32 s0, s30;
	v10 =	vmul.f32 $2.560000000e+02, v10;
	v11 =	vmul.f32 $2.560000000e+02, v11  }
0x2b: {  	s2 =	sor.u32 s2, s30;
	v12 =	vmul.f32 $2.560000000e+02, v12;
	v13 =	vmul.f32 $2.560000000e+02, v13  }
0x2c: {  	v16 =	vld [tilespmem:s2+$0x0];
	v14 =	vmul.f32 $2.560000000e+02, v14;
	v9 =	vtrunc.f32 v9  }
0x2d: {  	v10 =	vtrunc.f32 v10;
	v11 =	vtrunc.f32 v11;
	[tilespmem:v8+s19+$0x0] =	vst.idx.add.f32.msk $0xffff, v2  }
0x2e: {  	v8 =	vtrunc.f32 v12;
	v12 =	vmul.f32 $2.560000000e+02, v15;
	v15 =	vld [tilespmem:s2+$0x70]  }
0x2f: {  	v17 =	vld [tilespmem:s2+$0x10];
	v13 =	vtrunc.f32 v13;
	v9 =	vcvt.f32.s32 v9  }
0x30: {  	v14 =	vtrunc.f32 v14;
	v10 =	vcvt.f32.s32 v10  }
0x31: {  	v18 =	vld [tilespmem:s2+$0x20];
	v11 =	vcvt.f32.s32 v11;
	v22 =	vcvt.f32.s32 v14;
	v19 =	vadd.s32 v0, v9  }
0x32: {  	v21 =	vld [tilespmem:s2+$0x30];
	v16 =	vmul.f32 $2.560000000e+02, v16;
	v20 =	vadd.s32 v0, v10;
	v8 =	vcvt.f32.s32 v8  }
0x33: {  	v24 =	vld [tilespmem:s2+$0x40];
	v9 =	vcvt.f32.s32 v13;
	v23 =	vadd.s32 v0, v11;
	v15 =	vmul.f32 $2.560000000e+02, v15  }
0x34: {  	v14 =	vld [tilespmem:s2+$0x50];
	v17 =	vmul.f32 $2.560000000e+02, v17;
	v12 =	vtrunc.f32 v12;
	v11 =	vadd.s32 v0, v8  }
0x35: {  	v13 =	vld [tilespmem:s2+$0x60];
	v10 =	vadd.s32 v0, v9;
	v12 =	vcvt.f32.s32 v12;
	v8 =	vtrunc.f32 v15  }
0x36: {  	v18 =	vmul.f32 $2.560000000e+02, v18;
	v9 =	vadd.s32 v0, v22;
	[tilespmem:v19+s19+$0x0] =	vst.idx.add.f32.msk $0xffff, v2;
	v63 =	vcvt.f32.s32 v8  }
0x37: {  	v19 =	vmul.f32 $2.560000000e+02, v21;
	[tilespmem:v20+s19+$0x0] =	vst.idx.add.f32.msk $0xffff, v2;
	v15 =	vtrunc.f32 v16;
	v8 =	vadd.s32 v0, v12  }
0x38: {  	s30 =	simm.s32 $0x8;
	[tilespmem:v23+s19+$0x0] =	vst.idx.add.f32.msk $0xffff, v2;
	v16 =	vtrunc.f32 v17;
	v17 =	vmul.f32 $2.560000000e+02, v24;
	v12 =	vadd.s32 v0, v63  }
.LBB2_5:
0x39: {  	s30 =	sadd.s32 $0x8, s30;
	v18 =	vtrunc.f32 v18;
	v14 =	vmul.f32 $2.560000000e+02, v14;
	[tilespmem:v11+s19+$0x0] =	vst.idx.add.f32.msk $0xffff, v2  }
0x3a: {  	v11 =	vtrunc.f32 v19;
	s29 =	sadd.s32 $0x400, s29;
	s2 =	sshll.u32 s30, $0x4;
	p0 =	slt.u32 s30, $0x3F8;
	v13 =	vmul.f32 $2.560000000e+02, v13;
	[tilespmem:v10+s19+$0x0] =	vst.idx.add.f32.msk $0xffff, v2  }
0x3b: {  	s31 =	sand.u32 $0xC00, s29;
	s0 =	sshll.u32 s30, $0x2;
	v10 =	vtrunc.f32 v17;
	s2 =	sand.u32 $0x3000, s2;
	v14 =	vtrunc.f32 v14;
	[tilespmem:v9+s19+$0x0] =	vst.idx.add.f32.msk $0xffff, v2  }
0x3c: {  	s0 =	sand.u32 $0x380, s0;
	v9 =	vcvt.f32.s32 v15;
	s2 =	sor.u32 s31, s2;
	v13 =	vtrunc.f32 v13;
	[tilespmem:v8+s19+$0x0] =	vst.idx.add.f32.msk $0xffff, v2  }
0x3d: {  	v15 =	vcvt.f32.s32 v18;
	v8 =	vcvt.f32.s32 v16;
	s0 =	sor.u32 s0, s2;
	[tilespmem:v12+s19+$0x0] =	vst.idx.add.f32.msk $0xffff, v2  }
0x3e: {  	v10 =	vcvt.f32.s32 v10;
	v16 =	vadd.s32 v0, v9;
	v9 =	vcvt.f32.s32 v11;
	v12 =	vld [tilespmem:s0+$0x70]  }
0x3f: {  	v13 =	vcvt.f32.s32 v13;
	v20 =	vadd.s32 v0, v8;
	v8 =	vcvt.f32.s32 v14;
	v17 =	vld [tilespmem:s0+$0x0]  }
0x40: {  	v21 =	vadd.s32 v0, v15;
	v10 =	vadd.s32 v0, v10;
	v11 =	vadd.s32 v0, v9;
	v18 =	vld [tilespmem:s0+$0x10]  }
0x41: {  	v9 =	vadd.s32 v0, v8;
	v8 =	vadd.s32 v0, v13;
	v15 =	vld [tilespmem:s0+$0x20]  }
0x42: {  	v19 =	vld [tilespmem:s0+$0x30]  }
0x43: {  	v22 =	vld [tilespmem:s0+$0x40];
	v12 =	vmul.f32 $2.560000000e+02, v12  }
.Ltmp1:
0x44: {  	v17 =	vmul.f32 $2.560000000e+02, v17;
	v14 =	vld [tilespmem:s0+$0x50];
	(pc) =	sbr.rel @p0 .LBB2_5-.Ltmp1, $4  }
0x45: {  	v23 =	vmul.f32 $2.560000000e+02, v18;
	v13 =	vld [tilespmem:s0+$0x60];
	v12 =	vtrunc.f32 v12  }
0x46: {  	v18 =	vmul.f32 $2.560000000e+02, v15;
	v12 =	vcvt.f32.s32 v12;
	[tilespmem:v16+s19+$0x0] =	vst.idx.add.f32.msk $0xffff, v2  }
0x47: {  	v15 =	vtrunc.f32 v17;
	v19 =	vmul.f32 $2.560000000e+02, v19;
	[tilespmem:v20+s19+$0x0] =	vst.idx.add.f32.msk $0xffff, v2  }
0x48: {  	v16 =	vtrunc.f32 v23;
	v17 =	vmul.f32 $2.560000000e+02, v22;
	v12 =	vadd.s32 v0, v12;
	[tilespmem:v21+s19+$0x0] =	vst.idx.add.f32.msk $0xffff, v2  }
0x49: {  	_ = 	snop  }
0x4a: {  	v18 =	vtrunc.f32 v18  }
0x4b: {  	v14 =	vmul.f32 $2.560000000e+02, v14;
	v15 =	vcvt.f32.s32 v15  }
0x4c: {  	v19 =	vtrunc.f32 v19;
	v16 =	vcvt.f32.s32 v16  }
0x4d: {  	[tilespmem:v11+s19+$0x0] =	vst.idx.add.f32.msk $0xffff, v2;
	v11 =	vmul.f32 $2.560000000e+02, v13;
	v13 =	vcvt.f32.s32 v18;
	v15 =	vadd.s32 v0, v15  }
0x4e: {  	[tilespmem:v10+s19+$0x0] =	vst.idx.add.f32.msk $0xffff, v2;
	v10 =	vtrunc.f32 v17;
	v17 =	vcvt.f32.s32 v19;
	v16 =	vadd.s32 v0, v16  }
0x4f: {  	[tilespmem:v9+s19+$0x0] =	vst.idx.add.f32.msk $0xffff, v2;
	v14 =	vtrunc.f32 v14;
	v9 =	vcvt.f32.s32 v10;
	v10 =	vadd.s32 v0, v13  }
0x50: {  	[tilespmem:v8+s19+$0x0] =	vst.idx.add.f32.msk $0xffff, v2;
	v11 =	vtrunc.f32 v11;
	v8 =	vcvt.f32.s32 v14;
	v13 =	vadd.s32 v0, v17  }
0x51: {  	[tilespmem:v12+s19+$0x0] =	vst.idx.add.f32.msk $0xffff, v2;
	v11 =	vcvt.f32.s32 v11;
	v9 =	vadd.s32 v0, v9  }
0x52: {  	v8 =	vadd.s32 v0, v8;
	[tilespmem:v15+s19+$0x0] =	vst.idx.add.f32.msk $0xffff, v2  }
0x53: {  	v11 =	vadd.s32 v0, v11;
	[tilespmem:v16+s19+$0x0] =	vst.idx.add.f32.msk $0xffff, v2  }
0x54: {  	[tilespmem:v10+s19+$0x0] =	vst.idx.add.f32.msk $0xffff, v2  }
0x55: {  	s0 =	sadd.s32 s25, s7;
	[tilespmem:v13+s19+$0x0] =	vst.idx.add.f32.msk $0xffff, v2  }
0x56: {  	p0 =	seq.s32 s28, $0x7;
	s0 =	sshrl.u32 s0, $0x3;
	[tilespmem:v9+s19+$0x0] =	vst.idx.add.f32.msk $0xffff, v2  }
0x57: {  	s2 =	simm.s32 $0x0;
	s0 =	smov.u32 @p0 s10;
	[tilespmem:v8+s19+$0x0] =	vst.idx.add.f32.msk $0xffff, v2  }
0x58: {  	s30 =	simm.s32 $0x0;
	s31 =	simm.s32 $0x0;
	s0 =	sadd.s32 s1, s0;
	[tilespmem:v11+s19+$0x0] =	vst.idx.add.f32.msk $0xffff, v2  }
0x59: {  	[tilespmem:s2], [sflag:$0x1] =	stream.linear.gather [hbm4b:s0+s2], $0x4000, $0x38;
	[tilespmem:$0xE680] =	vst v63  }
0x5a: {  	s0 =	sand.u32 $0x3000, s30;
	s2 =	sand.u32 $0xC00, s2;
	_ =	swait.ge [sflag:s20], $0x4000  }
0x5b: {  	s25 =	sand.u32 $0x380, s31;
	s0 =	sor.u32 s2, s0;
	[sflag:s20] =	ssyncset.done $0x0  }
0x5c: {  	s0 =	sor.u32 s25, s0;
	[sflag:s20] =	ssyncadd.s32 $0xFFFFC000  }
0x5d: {  	v8 =	vld [tilespmem:s0+$0x4070];
	_ =	sdelay $0x3  }
0x5e: {  	v9 =	vld [tilespmem:s0+$0x4000]  }
0x5f: {  	v10 =	vld [tilespmem:s0+$0x4010];
	v8 =	vmul.f32 $2.560000000e+02, v8  }
0x60: {  	v11 =	vld [tilespmem:s0+$0x4020]  }
0x61: {  	v12 =	vld [tilespmem:s0+$0x4030];
	v8 =	vtrunc.f32 v8  }
0x62: {  	v13 =	vld [tilespmem:s0+$0x4040];
	v8 =	vcvt.f32.s32 v8  }
0x63: {  	v14 =	vld [tilespmem:s0+$0x4050]  }
0x64: {  	s30 =	simm.s32 $0x80;
	s25 =	simm.s32 $0x400;
	v8 =	vadd.s32 v0, v8  }
0x65: {  	s29 =	simm.s32 $0x20;
	s31 =	sand.u32 $0xC00, s25;
	v15 =	vld [tilespmem:s0+$0x4060];
	s0 =	sand.u32 $0x3000, s30;
	v9 =	vmul.f32 $2.560000000e+02, v9  }
0x66: {  	s29 =	sand.u32 $0x380, s29;
	s0 =	sor.u32 s31, s0;
	v10 =	vmul.f32 $2.560000000e+02, v10;
	v11 =	vmul.f32 $2.560000000e+02, v11  }
0x67: {  	s0 =	sor.u32 s29, s0;
	v12 =	vmul.f32 $2.560000000e+02, v12;
	v13 =	vmul.f32 $2.560000000e+02, v13  }
0x68: {  	v16 =	vld [tilespmem:s0+$0x4000];
	v14 =	vmul.f32 $2.560000000e+02, v14;
	v9 =	vtrunc.f32 v9  }
0x69: {  	v10 =	vtrunc.f32 v10;
	v11 =	vtrunc.f32 v11;
	[tilespmem:v8+s19+$0x0] =	vst.idx.add.f32.msk $0xffff, v2  }
0x6a: {  	v8 =	vtrunc.f32 v12;
	v12 =	vmul.f32 $2.560000000e+02, v15;
	v15 =	vld [tilespmem:s0+$0x4070]  }
0x6b: {  	v17 =	vld [tilespmem:s0+$0x4010];
	v13 =	vtrunc.f32 v13;
	v9 =	vcvt.f32.s32 v9  }
0x6c: {  	v14 =	vtrunc.f32 v14;
	v10 =	vcvt.f32.s32 v10  }
0x6d: {  	v18 =	vld [tilespmem:s0+$0x4020];
	v11 =	vcvt.f32.s32 v11;
	v22 =	vcvt.f32.s32 v14;
	v19 =	vadd.s32 v0, v9  }
0x6e: {  	v21 =	vld [tilespmem:s0+$0x4030];
	v16 =	vmul.f32 $2.560000000e+02, v16;
	v20 =	vadd.s32 v0, v10;
	v8 =	vcvt.f32.s32 v8  }
0x6f: {  	v24 =	vld [tilespmem:s0+$0x4040];
	v9 =	vcvt.f32.s32 v13;
	v23 =	vadd.s32 v0, v11;
	v15 =	vmul.f32 $2.560000000e+02, v15  }
0x70: {  	v14 =	vld [tilespmem:s0+$0x4050];
	v17 =	vmul.f32 $2.560000000e+02, v17;
	v12 =	vtrunc.f32 v12;
	v11 =	vadd.s32 v0, v8  }
0x71: {  	v13 =	vld [tilespmem:s0+$0x4060];
	v10 =	vadd.s32 v0, v9;
	v12 =	vcvt.f32.s32 v12;
	v8 =	vtrunc.f32 v15  }
0x72: {  	v18 =	vmul.f32 $2.560000000e+02, v18;
	v9 =	vadd.s32 v0, v22;
	[tilespmem:v19+s19+$0x0] =	vst.idx.add.f32.msk $0xffff, v2;
	v63 =	vcvt.f32.s32 v8  }
0x73: {  	v19 =	vmul.f32 $2.560000000e+02, v21;
	[tilespmem:v20+s19+$0x0] =	vst.idx.add.f32.msk $0xffff, v2;
	v15 =	vtrunc.f32 v16;
	v8 =	vadd.s32 v0, v12  }
0x74: {  	s29 =	simm.s32 $0x8;
	[tilespmem:v23+s19+$0x0] =	vst.idx.add.f32.msk $0xffff, v2;
	v16 =	vtrunc.f32 v17;
	v17 =	vmul.f32 $2.560000000e+02, v24;
	v12 =	vadd.s32 v0, v63  }
.LBB2_7:
0x75: {  	s29 =	sadd.s32 $0x8, s29;
	v18 =	vtrunc.f32 v18;
	v14 =	vmul.f32 $2.560000000e+02, v14;
	[tilespmem:v11+s19+$0x0] =	vst.idx.add.f32.msk $0xffff, v2  }
0x76: {  	v11 =	vtrunc.f32 v19;
	s25 =	sadd.s32 $0x400, s25;
	s0 =	sshll.u32 s29, $0x4;
	p0 =	slt.u32 s29, $0x3F8;
	v13 =	vmul.f32 $2.560000000e+02, v13;
	[tilespmem:v10+s19+$0x0] =	vst.idx.add.f32.msk $0xffff, v2  }
0x77: {  	s2 =	sand.u32 $0xC00, s25;
	s30 =	sshll.u32 s29, $0x2;
	v10 =	vtrunc.f32 v17;
	s0 =	sand.u32 $0x3000, s0;
	v14 =	vtrunc.f32 v14;
	[tilespmem:v9+s19+$0x0] =	vst.idx.add.f32.msk $0xffff, v2  }
0x78: {  	s30 =	sand.u32 $0x380, s30;
	v9 =	vcvt.f32.s32 v15;
	s0 =	sor.u32 s2, s0;
	v13 =	vtrunc.f32 v13;
	[tilespmem:v8+s19+$0x0] =	vst.idx.add.f32.msk $0xffff, v2  }
0x79: {  	v15 =	vcvt.f32.s32 v18;
	v8 =	vcvt.f32.s32 v16;
	s0 =	sor.u32 s30, s0;
	[tilespmem:v12+s19+$0x0] =	vst.idx.add.f32.msk $0xffff, v2  }
0x7a: {  	v10 =	vcvt.f32.s32 v10;
	v16 =	vadd.s32 v0, v9;
	v9 =	vcvt.f32.s32 v11;
	v12 =	vld [tilespmem:s0+$0x4070]  }
0x7b: {  	v13 =	vcvt.f32.s32 v13;
	v20 =	vadd.s32 v0, v8;
	v8 =	vcvt.f32.s32 v14;
	v17 =	vld [tilespmem:s0+$0x4000]  }
0x7c: {  	v21 =	vadd.s32 v0, v15;
	v10 =	vadd.s32 v0, v10;
	v11 =	vadd.s32 v0, v9;
	v18 =	vld [tilespmem:s0+$0x4010]  }
0x7d: {  	v9 =	vadd.s32 v0, v8;
	v8 =	vadd.s32 v0, v13;
	v15 =	vld [tilespmem:s0+$0x4020]  }
0x7e: {  	v19 =	vld [tilespmem:s0+$0x4030]  }
0x7f: {  	v22 =	vld [tilespmem:s0+$0x4040];
	v12 =	vmul.f32 $2.560000000e+02, v12  }
.Ltmp2:
0x80: {  	v17 =	vmul.f32 $2.560000000e+02, v17;
	v14 =	vld [tilespmem:s0+$0x4050];
	(pc) =	sbr.rel @p0 .LBB2_7-.Ltmp2, $4  }
0x81: {  	v23 =	vmul.f32 $2.560000000e+02, v18;
	v13 =	vld [tilespmem:s0+$0x4060];
	v12 =	vtrunc.f32 v12  }
0x82: {  	v18 =	vmul.f32 $2.560000000e+02, v15;
	v12 =	vcvt.f32.s32 v12;
	[tilespmem:v16+s19+$0x0] =	vst.idx.add.f32.msk $0xffff, v2  }
0x83: {  	v15 =	vtrunc.f32 v17;
	v19 =	vmul.f32 $2.560000000e+02, v19;
	[tilespmem:v20+s19+$0x0] =	vst.idx.add.f32.msk $0xffff, v2  }
0x84: {  	v16 =	vtrunc.f32 v23;
	v17 =	vmul.f32 $2.560000000e+02, v22;
	v12 =	vadd.s32 v0, v12;
	[tilespmem:v21+s19+$0x0] =	vst.idx.add.f32.msk $0xffff, v2  }
0x85: {  	_ = 	snop  }
0x86: {  	v18 =	vtrunc.f32 v18  }
0x87: {  	v14 =	vmul.f32 $2.560000000e+02, v14;
	v15 =	vcvt.f32.s32 v15  }
0x88: {  	v19 =	vtrunc.f32 v19;
	v16 =	vcvt.f32.s32 v16  }
0x89: {  	[tilespmem:v11+s19+$0x0] =	vst.idx.add.f32.msk $0xffff, v2;
	v57 =	vmul.f32 $2.560000000e+02, v13;
	v58 =	vcvt.f32.s32 v18;
	v15 =	vadd.s32 v0, v15  }
0x8a: {  	[tilespmem:v10+s19+$0x0] =	vst.idx.add.f32.msk $0xffff, v2;
	v59 =	vtrunc.f32 v17;
	v60 =	vcvt.f32.s32 v19;
	v16 =	vadd.s32 v0, v16  }
0x8b: {  	[tilespmem:v9+s19+$0x0] =	vst.idx.add.f32.msk $0xffff, v2;
	v14 =	vtrunc.f32 v14;
	v61 =	vcvt.f32.s32 v59;
	v62 =	vadd.s32 v0, v58  }
0x8c: {  	[tilespmem:v8+s19+$0x0] =	vst.idx.add.f32.msk $0xffff, v2;
	v11 =	vtrunc.f32 v57;
	v8 =	vcvt.f32.s32 v14;
	v63 =	vadd.s32 v0, v60  }
0x8d: {  	[tilespmem:v12+s19+$0x0] =	vst.idx.add.f32.msk $0xffff, v2;
	v11 =	vcvt.f32.s32 v11;
	v9 =	vadd.s32 v0, v61  }
0x8e: {  	s28 =	sadd.s32 $0x1, s28;
	v8 =	vadd.s32 v0, v8;
	[tilespmem:v15+s19+$0x0] =	vst.idx.add.f32.msk $0xffff, v2  }
0x8f: {  	p0 =	sne.s32 s28, $0x8;
	v11 =	vadd.s32 v0, v11;
	[tilespmem:v16+s19+$0x0] =	vst.idx.add.f32.msk $0xffff, v2  }
.Ltmp3:
0x90: {  	[tilespmem:v62+s19+$0x0] =	vst.idx.add.f32.msk $0xffff, v2;
	(pc) =	sbr.rel @p0 .LBB2_4-.Ltmp3, $4  }
0x91: {  	[tilespmem:v63+s19+$0x0] =	vst.idx.add.f32.msk $0xffff, v2  }
0x92: {  	[tilespmem:v9+s19+$0x0] =	vst.idx.add.f32.msk $0xffff, v2  }
0x93: {  	[tilespmem:v8+s19+$0x0] =	vst.idx.add.f32.msk $0xffff, v2  }
0x94: {  	s25 =	simm.s32 $0x0;
	[tilespmem:v11+s19+$0x0] =	vst.idx.add.f32.msk $0xffff, v2  }
0x95: {  	s28 =	simm.s32 $0x0  }
.LBB2_10:
0x96: {  	s26 =	sshll.u32 s28, $0xF  }
0x97: {  	s0 =	sadd.s32 s26, s8  }
0x98: {  	s0 =	sadd.s32 $0x4000, s0  }
0x99: {  	s0 =	sshrl.u32 s0, $0x3  }
0x9a: {  	s31 =	simm.s32 $0x0;
	s2 =	sand.u32 $0xC00, s25;
	s0 =	sadd.s32 s1, s0  }
0x9b: {  	[tilespmem:s17], [sflag:$0x2] =	stream.linear.gather [hbm4b:s0+s25], $0x4000, $0x38;
	[tilespmem:$0xE680] =	vst v63  }
0x9c: {  	s29 =	simm.s32 $0x0;
	s0 =	sand.u32 $0x3000, s31;
	_ =	swait.ge [sflag:s18], $0x4000  }
0x9d: {  	s29 =	sand.u32 $0x380, s29;
	s0 =	sor.u32 s2, s0;
	[sflag:s18] =	ssyncset.done $0x0  }
0x9e: {  	s0 =	sor.u32 s29, s0;
	[sflag:s18] =	ssyncadd.s32 $0xFFFFC000  }
0x9f: {  	v8 =	vld [tilespmem:s0+$0x70];
	_ =	sdelay $0x3  }
0xa0: {  	v9 =	vld [tilespmem:s0+$0x0]  }
0xa1: {  	v10 =	vld [tilespmem:s0+$0x10];
	v8 =	vmul.f32 $2.560000000e+02, v8  }
0xa2: {  	v11 =	vld [tilespmem:s0+$0x20]  }
0xa3: {  	v12 =	vld [tilespmem:s0+$0x30];
	v8 =	vtrunc.f32 v8  }
0xa4: {  	v13 =	vld [tilespmem:s0+$0x40];
	v8 =	vcvt.f32.s32 v8  }
0xa5: {  	v14 =	vld [tilespmem:s0+$0x50]  }
0xa6: {  	s2 =	simm.s32 $0x80;
	s29 =	simm.s32 $0x400;
	v8 =	vadd.s32 v3, v8  }
0xa7: {  	s30 =	simm.s32 $0x20;
	s31 =	sand.u32 $0xC00, s29;
	v15 =	vld [tilespmem:s0+$0x60];
	s0 =	sand.u32 $0x3000, s2;
	v9 =	vmul.f32 $2.560000000e+02, v9  }
0xa8: {  	s30 =	sand.u32 $0x380, s30;
	s0 =	sor.u32 s31, s0;
	v10 =	vmul.f32 $2.560000000e+02, v10;
	v11 =	vmul.f32 $2.560000000e+02, v11  }
0xa9: {  	s0 =	sor.u32 s30, s0;
	v12 =	vmul.f32 $2.560000000e+02, v12;
	v13 =	vmul.f32 $2.560000000e+02, v13  }
0xaa: {  	v16 =	vld [tilespmem:s0+$0x0];
	v14 =	vmul.f32 $2.560000000e+02, v14;
	v9 =	vtrunc.f32 v9  }
0xab: {  	v10 =	vtrunc.f32 v10;
	v11 =	vtrunc.f32 v11;
	[tilespmem:v8+s19+$0x0] =	vst.idx.add.f32.msk $0xffff, v2  }
0xac: {  	v8 =	vtrunc.f32 v12;
	v12 =	vmul.f32 $2.560000000e+02, v15;
	v15 =	vld [tilespmem:s0+$0x70]  }
0xad: {  	v17 =	vld [tilespmem:s0+$0x10];
	v13 =	vtrunc.f32 v13;
	v9 =	vcvt.f32.s32 v9  }
0xae: {  	v14 =	vtrunc.f32 v14;
	v10 =	vcvt.f32.s32 v10  }
0xaf: {  	v18 =	vld [tilespmem:s0+$0x20];
	v11 =	vcvt.f32.s32 v11;
	v22 =	vcvt.f32.s32 v14;
	v19 =	vadd.s32 v3, v9  }
0xb0: {  	v21 =	vld [tilespmem:s0+$0x30];
	v16 =	vmul.f32 $2.560000000e+02, v16;
	v20 =	vadd.s32 v3, v10;
	v8 =	vcvt.f32.s32 v8  }
0xb1: {  	v24 =	vld [tilespmem:s0+$0x40];
	v9 =	vcvt.f32.s32 v13;
	v23 =	vadd.s32 v3, v11;
	v15 =	vmul.f32 $2.560000000e+02, v15  }
0xb2: {  	v14 =	vld [tilespmem:s0+$0x50];
	v17 =	vmul.f32 $2.560000000e+02, v17;
	v12 =	vtrunc.f32 v12;
	v11 =	vadd.s32 v3, v8  }
0xb3: {  	v13 =	vld [tilespmem:s0+$0x60];
	v10 =	vadd.s32 v3, v9;
	v12 =	vcvt.f32.s32 v12;
	v8 =	vtrunc.f32 v15  }
0xb4: {  	v18 =	vmul.f32 $2.560000000e+02, v18;
	v9 =	vadd.s32 v3, v22;
	[tilespmem:v19+s19+$0x0] =	vst.idx.add.f32.msk $0xffff, v2;
	v63 =	vcvt.f32.s32 v8  }
0xb5: {  	v19 =	vmul.f32 $2.560000000e+02, v21;
	[tilespmem:v20+s19+$0x0] =	vst.idx.add.f32.msk $0xffff, v2;
	v15 =	vtrunc.f32 v16;
	v8 =	vadd.s32 v3, v12  }
0xb6: {  	s30 =	simm.s32 $0x8;
	[tilespmem:v23+s19+$0x0] =	vst.idx.add.f32.msk $0xffff, v2;
	v16 =	vtrunc.f32 v17;
	v17 =	vmul.f32 $2.560000000e+02, v24;
	v12 =	vadd.s32 v3, v63  }
.LBB2_11:
0xb7: {  	s30 =	sadd.s32 $0x8, s30;
	v18 =	vtrunc.f32 v18;
	v14 =	vmul.f32 $2.560000000e+02, v14;
	[tilespmem:v11+s19+$0x0] =	vst.idx.add.f32.msk $0xffff, v2  }
0xb8: {  	v11 =	vtrunc.f32 v19;
	s29 =	sadd.s32 $0x400, s29;
	s0 =	sshll.u32 s30, $0x4;
	p0 =	slt.u32 s30, $0x3F8;
	v13 =	vmul.f32 $2.560000000e+02, v13;
	[tilespmem:v10+s19+$0x0] =	vst.idx.add.f32.msk $0xffff, v2  }
0xb9: {  	s2 =	sand.u32 $0xC00, s29;
	s31 =	sshll.u32 s30, $0x2;
	v10 =	vtrunc.f32 v17;
	s0 =	sand.u32 $0x3000, s0;
	v14 =	vtrunc.f32 v14;
	[tilespmem:v9+s19+$0x0] =	vst.idx.add.f32.msk $0xffff, v2  }
0xba: {  	s31 =	sand.u32 $0x380, s31;
	v9 =	vcvt.f32.s32 v15;
	s0 =	sor.u32 s2, s0;
	v13 =	vtrunc.f32 v13;
	[tilespmem:v8+s19+$0x0] =	vst.idx.add.f32.msk $0xffff, v2  }
0xbb: {  	v15 =	vcvt.f32.s32 v18;
	v8 =	vcvt.f32.s32 v16;
	s0 =	sor.u32 s31, s0;
	[tilespmem:v12+s19+$0x0] =	vst.idx.add.f32.msk $0xffff, v2  }
0xbc: {  	v10 =	vcvt.f32.s32 v10;
	v16 =	vadd.s32 v3, v9;
	v9 =	vcvt.f32.s32 v11;
	v12 =	vld [tilespmem:s0+$0x70]  }
0xbd: {  	v13 =	vcvt.f32.s32 v13;
	v20 =	vadd.s32 v3, v8;
	v8 =	vcvt.f32.s32 v14;
	v17 =	vld [tilespmem:s0+$0x0]  }
0xbe: {  	v21 =	vadd.s32 v3, v15;
	v10 =	vadd.s32 v3, v10;
	v11 =	vadd.s32 v3, v9;
	v18 =	vld [tilespmem:s0+$0x10]  }
0xbf: {  	v9 =	vadd.s32 v3, v8;
	v8 =	vadd.s32 v3, v13;
	v15 =	vld [tilespmem:s0+$0x20]  }
0xc0: {  	v19 =	vld [tilespmem:s0+$0x30]  }
0xc1: {  	v22 =	vld [tilespmem:s0+$0x40];
	v12 =	vmul.f32 $2.560000000e+02, v12  }
.Ltmp4:
0xc2: {  	v17 =	vmul.f32 $2.560000000e+02, v17;
	v14 =	vld [tilespmem:s0+$0x50];
	(pc) =	sbr.rel @p0 .LBB2_11-.Ltmp4, $4  }
0xc3: {  	v23 =	vmul.f32 $2.560000000e+02, v18;
	v13 =	vld [tilespmem:s0+$0x60];
	v12 =	vtrunc.f32 v12  }
0xc4: {  	v18 =	vmul.f32 $2.560000000e+02, v15;
	v12 =	vcvt.f32.s32 v12;
	[tilespmem:v16+s19+$0x0] =	vst.idx.add.f32.msk $0xffff, v2  }
0xc5: {  	v15 =	vtrunc.f32 v17;
	v19 =	vmul.f32 $2.560000000e+02, v19;
	[tilespmem:v20+s19+$0x0] =	vst.idx.add.f32.msk $0xffff, v2  }
0xc6: {  	v16 =	vtrunc.f32 v23;
	v17 =	vmul.f32 $2.560000000e+02, v22;
	v12 =	vadd.s32 v3, v12;
	[tilespmem:v21+s19+$0x0] =	vst.idx.add.f32.msk $0xffff, v2  }
0xc7: {  	_ = 	snop  }
0xc8: {  	v18 =	vtrunc.f32 v18  }
0xc9: {  	v14 =	vmul.f32 $2.560000000e+02, v14;
	v15 =	vcvt.f32.s32 v15  }
0xca: {  	v19 =	vtrunc.f32 v19;
	v16 =	vcvt.f32.s32 v16  }
0xcb: {  	[tilespmem:v11+s19+$0x0] =	vst.idx.add.f32.msk $0xffff, v2;
	v11 =	vmul.f32 $2.560000000e+02, v13;
	v13 =	vcvt.f32.s32 v18;
	v15 =	vadd.s32 v3, v15  }
0xcc: {  	[tilespmem:v10+s19+$0x0] =	vst.idx.add.f32.msk $0xffff, v2;
	v10 =	vtrunc.f32 v17;
	v17 =	vcvt.f32.s32 v19;
	v16 =	vadd.s32 v3, v16  }
0xcd: {  	[tilespmem:v9+s19+$0x0] =	vst.idx.add.f32.msk $0xffff, v2;
	v14 =	vtrunc.f32 v14;
	v9 =	vcvt.f32.s32 v10;
	v10 =	vadd.s32 v3, v13  }
0xce: {  	[tilespmem:v8+s19+$0x0] =	vst.idx.add.f32.msk $0xffff, v2;
	v11 =	vtrunc.f32 v11;
	v8 =	vcvt.f32.s32 v14;
	v13 =	vadd.s32 v3, v17  }
0xcf: {  	[tilespmem:v12+s19+$0x0] =	vst.idx.add.f32.msk $0xffff, v2;
	v11 =	vcvt.f32.s32 v11;
	v9 =	vadd.s32 v3, v9  }
0xd0: {  	v8 =	vadd.s32 v3, v8;
	[tilespmem:v15+s19+$0x0] =	vst.idx.add.f32.msk $0xffff, v2  }
0xd1: {  	v11 =	vadd.s32 v3, v11;
	[tilespmem:v16+s19+$0x0] =	vst.idx.add.f32.msk $0xffff, v2  }
0xd2: {  	[tilespmem:v10+s19+$0x0] =	vst.idx.add.f32.msk $0xffff, v2  }
0xd3: {  	s0 =	sadd.s32 s26, s11;
	[tilespmem:v13+s19+$0x0] =	vst.idx.add.f32.msk $0xffff, v2  }
0xd4: {  	p0 =	seq.s32 s28, $0x7;
	s0 =	sshrl.u32 s0, $0x3;
	[tilespmem:v9+s19+$0x0] =	vst.idx.add.f32.msk $0xffff, v2  }
0xd5: {  	s2 =	simm.s32 $0x0;
	s0 =	smov.u32 @p0 s12;
	[tilespmem:v8+s19+$0x0] =	vst.idx.add.f32.msk $0xffff, v2  }
0xd6: {  	s30 =	simm.s32 $0x0;
	s31 =	simm.s32 $0x0;
	s0 =	sadd.s32 s1, s0;
	[tilespmem:v11+s19+$0x0] =	vst.idx.add.f32.msk $0xffff, v2  }
0xd7: {  	[tilespmem:s2], [sflag:$0x1] =	stream.linear.gather [hbm4b:s0+s2], $0x4000, $0x38;
	[tilespmem:$0xE680] =	vst v63  }
0xd8: {  	s0 =	sand.u32 $0x3000, s30;
	s2 =	sand.u32 $0xC00, s2;
	_ =	swait.ge [sflag:s20], $0x4000  }
0xd9: {  	s26 =	sand.u32 $0x380, s31;
	s0 =	sor.u32 s2, s0;
	[sflag:s20] =	ssyncset.done $0x0  }
0xda: {  	s0 =	sor.u32 s26, s0;
	[sflag:s20] =	ssyncadd.s32 $0xFFFFC000  }
0xdb: {  	v8 =	vld [tilespmem:s0+$0x4070];
	_ =	sdelay $0x3  }
0xdc: {  	v9 =	vld [tilespmem:s0+$0x4000]  }
0xdd: {  	v10 =	vld [tilespmem:s0+$0x4010];
	v8 =	vmul.f32 $2.560000000e+02, v8  }
0xde: {  	v11 =	vld [tilespmem:s0+$0x4020]  }
0xdf: {  	v12 =	vld [tilespmem:s0+$0x4030];
	v8 =	vtrunc.f32 v8  }
0xe0: {  	v13 =	vld [tilespmem:s0+$0x4040];
	v8 =	vcvt.f32.s32 v8  }
0xe1: {  	v14 =	vld [tilespmem:s0+$0x4050]  }
0xe2: {  	s30 =	simm.s32 $0x80;
	s26 =	simm.s32 $0x400;
	v8 =	vadd.s32 v3, v8  }
0xe3: {  	s29 =	simm.s32 $0x20;
	s31 =	sand.u32 $0xC00, s26;
	v15 =	vld [tilespmem:s0+$0x4060];
	s0 =	sand.u32 $0x3000, s30;
	v9 =	vmul.f32 $2.560000000e+02, v9  }
0xe4: {  	s29 =	sand.u32 $0x380, s29;
	s0 =	sor.u32 s31, s0;
	v10 =	vmul.f32 $2.560000000e+02, v10;
	v11 =	vmul.f32 $2.560000000e+02, v11  }
0xe5: {  	s0 =	sor.u32 s29, s0;
	v12 =	vmul.f32 $2.560000000e+02, v12;
	v13 =	vmul.f32 $2.560000000e+02, v13  }
0xe6: {  	v16 =	vld [tilespmem:s0+$0x4000];
	v14 =	vmul.f32 $2.560000000e+02, v14;
	v9 =	vtrunc.f32 v9  }
0xe7: {  	v10 =	vtrunc.f32 v10;
	v11 =	vtrunc.f32 v11;
	[tilespmem:v8+s19+$0x0] =	vst.idx.add.f32.msk $0xffff, v2  }
0xe8: {  	v8 =	vtrunc.f32 v12;
	v12 =	vmul.f32 $2.560000000e+02, v15;
	v15 =	vld [tilespmem:s0+$0x4070]  }
0xe9: {  	v17 =	vld [tilespmem:s0+$0x4010];
	v13 =	vtrunc.f32 v13;
	v9 =	vcvt.f32.s32 v9  }
0xea: {  	v14 =	vtrunc.f32 v14;
	v10 =	vcvt.f32.s32 v10  }
0xeb: {  	v18 =	vld [tilespmem:s0+$0x4020];
	v11 =	vcvt.f32.s32 v11;
	v22 =	vcvt.f32.s32 v14;
	v19 =	vadd.s32 v3, v9  }
0xec: {  	v21 =	vld [tilespmem:s0+$0x4030];
	v16 =	vmul.f32 $2.560000000e+02, v16;
	v20 =	vadd.s32 v3, v10;
	v8 =	vcvt.f32.s32 v8  }
0xed: {  	v24 =	vld [tilespmem:s0+$0x4040];
	v9 =	vcvt.f32.s32 v13;
	v23 =	vadd.s32 v3, v11;
	v15 =	vmul.f32 $2.560000000e+02, v15  }
0xee: {  	v14 =	vld [tilespmem:s0+$0x4050];
	v17 =	vmul.f32 $2.560000000e+02, v17;
	v12 =	vtrunc.f32 v12;
	v11 =	vadd.s32 v3, v8  }
0xef: {  	v13 =	vld [tilespmem:s0+$0x4060];
	v10 =	vadd.s32 v3, v9;
	v12 =	vcvt.f32.s32 v12;
	v8 =	vtrunc.f32 v15  }
0xf0: {  	v18 =	vmul.f32 $2.560000000e+02, v18;
	v9 =	vadd.s32 v3, v22;
	[tilespmem:v19+s19+$0x0] =	vst.idx.add.f32.msk $0xffff, v2;
	v63 =	vcvt.f32.s32 v8  }
0xf1: {  	v19 =	vmul.f32 $2.560000000e+02, v21;
	[tilespmem:v20+s19+$0x0] =	vst.idx.add.f32.msk $0xffff, v2;
	v15 =	vtrunc.f32 v16;
	v8 =	vadd.s32 v3, v12  }
0xf2: {  	s29 =	simm.s32 $0x8;
	[tilespmem:v23+s19+$0x0] =	vst.idx.add.f32.msk $0xffff, v2;
	v16 =	vtrunc.f32 v17;
	v17 =	vmul.f32 $2.560000000e+02, v24;
	v12 =	vadd.s32 v3, v63  }
.LBB2_13:
0xf3: {  	s29 =	sadd.s32 $0x8, s29;
	v18 =	vtrunc.f32 v18;
	v14 =	vmul.f32 $2.560000000e+02, v14;
	[tilespmem:v11+s19+$0x0] =	vst.idx.add.f32.msk $0xffff, v2  }
0xf4: {  	v11 =	vtrunc.f32 v19;
	s26 =	sadd.s32 $0x400, s26;
	s0 =	sshll.u32 s29, $0x4;
	p0 =	slt.u32 s29, $0x3F8;
	v13 =	vmul.f32 $2.560000000e+02, v13;
	[tilespmem:v10+s19+$0x0] =	vst.idx.add.f32.msk $0xffff, v2  }
0xf5: {  	s2 =	sand.u32 $0xC00, s26;
	s30 =	sshll.u32 s29, $0x2;
	v10 =	vtrunc.f32 v17;
	s0 =	sand.u32 $0x3000, s0;
	v14 =	vtrunc.f32 v14;
	[tilespmem:v9+s19+$0x0] =	vst.idx.add.f32.msk $0xffff, v2  }
0xf6: {  	s30 =	sand.u32 $0x380, s30;
	v9 =	vcvt.f32.s32 v15;
	s0 =	sor.u32 s2, s0;
	v13 =	vtrunc.f32 v13;
	[tilespmem:v8+s19+$0x0] =	vst.idx.add.f32.msk $0xffff, v2  }
0xf7: {  	v15 =	vcvt.f32.s32 v18;
	v8 =	vcvt.f32.s32 v16;
	s0 =	sor.u32 s30, s0;
	[tilespmem:v12+s19+$0x0] =	vst.idx.add.f32.msk $0xffff, v2  }
0xf8: {  	v10 =	vcvt.f32.s32 v10;
	v16 =	vadd.s32 v3, v9;
	v9 =	vcvt.f32.s32 v11;
	v12 =	vld [tilespmem:s0+$0x4070]  }
0xf9: {  	v13 =	vcvt.f32.s32 v13;
	v20 =	vadd.s32 v3, v8;
	v8 =	vcvt.f32.s32 v14;
	v17 =	vld [tilespmem:s0+$0x4000]  }
0xfa: {  	v21 =	vadd.s32 v3, v15;
	v10 =	vadd.s32 v3, v10;
	v11 =	vadd.s32 v3, v9;
	v18 =	vld [tilespmem:s0+$0x4010]  }
0xfb: {  	v9 =	vadd.s32 v3, v8;
	v8 =	vadd.s32 v3, v13;
	v15 =	vld [tilespmem:s0+$0x4020]  }
0xfc: {  	v19 =	vld [tilespmem:s0+$0x4030]  }
0xfd: {  	v22 =	vld [tilespmem:s0+$0x4040];
	v12 =	vmul.f32 $2.560000000e+02, v12  }
.Ltmp5:
0xfe: {  	v17 =	vmul.f32 $2.560000000e+02, v17;
	v14 =	vld [tilespmem:s0+$0x4050];
	(pc) =	sbr.rel @p0 .LBB2_13-.Ltmp5, $4  }
0xff: {  	v23 =	vmul.f32 $2.560000000e+02, v18;
	v13 =	vld [tilespmem:s0+$0x4060];
	v12 =	vtrunc.f32 v12  }
0x100: {  	v18 =	vmul.f32 $2.560000000e+02, v15;
	v12 =	vcvt.f32.s32 v12;
	[tilespmem:v16+s19+$0x0] =	vst.idx.add.f32.msk $0xffff, v2  }
0x101: {  	v15 =	vtrunc.f32 v17;
	v19 =	vmul.f32 $2.560000000e+02, v19;
	[tilespmem:v20+s19+$0x0] =	vst.idx.add.f32.msk $0xffff, v2  }
0x102: {  	v16 =	vtrunc.f32 v23;
	v17 =	vmul.f32 $2.560000000e+02, v22;
	v12 =	vadd.s32 v3, v12;
	[tilespmem:v21+s19+$0x0] =	vst.idx.add.f32.msk $0xffff, v2  }
0x103: {  	_ = 	snop  }
0x104: {  	v18 =	vtrunc.f32 v18  }
0x105: {  	v14 =	vmul.f32 $2.560000000e+02, v14;
	v15 =	vcvt.f32.s32 v15  }
0x106: {  	v19 =	vtrunc.f32 v19;
	v16 =	vcvt.f32.s32 v16  }
0x107: {  	[tilespmem:v11+s19+$0x0] =	vst.idx.add.f32.msk $0xffff, v2;
	v57 =	vmul.f32 $2.560000000e+02, v13;
	v58 =	vcvt.f32.s32 v18;
	v15 =	vadd.s32 v3, v15  }
0x108: {  	[tilespmem:v10+s19+$0x0] =	vst.idx.add.f32.msk $0xffff, v2;
	v59 =	vtrunc.f32 v17;
	v60 =	vcvt.f32.s32 v19;
	v16 =	vadd.s32 v3, v16  }
0x109: {  	[tilespmem:v9+s19+$0x0] =	vst.idx.add.f32.msk $0xffff, v2;
	v14 =	vtrunc.f32 v14;
	v61 =	vcvt.f32.s32 v59;
	v62 =	vadd.s32 v3, v58  }
0x10a: {  	[tilespmem:v8+s19+$0x0] =	vst.idx.add.f32.msk $0xffff, v2;
	v11 =	vtrunc.f32 v57;
	v8 =	vcvt.f32.s32 v14;
	v63 =	vadd.s32 v3, v60  }
0x10b: {  	[tilespmem:v12+s19+$0x0] =	vst.idx.add.f32.msk $0xffff, v2;
	v11 =	vcvt.f32.s32 v11;
	v9 =	vadd.s32 v3, v61  }
0x10c: {  	s28 =	sadd.s32 $0x1, s28;
	v8 =	vadd.s32 v3, v8;
	[tilespmem:v15+s19+$0x0] =	vst.idx.add.f32.msk $0xffff, v2  }
0x10d: {  	p0 =	sne.s32 s28, $0x8;
	v11 =	vadd.s32 v3, v11;
	[tilespmem:v16+s19+$0x0] =	vst.idx.add.f32.msk $0xffff, v2  }
.Ltmp6:
0x10e: {  	[tilespmem:v62+s19+$0x0] =	vst.idx.add.f32.msk $0xffff, v2;
	(pc) =	sbr.rel @p0 .LBB2_10-.Ltmp6, $4  }
0x10f: {  	[tilespmem:v63+s19+$0x0] =	vst.idx.add.f32.msk $0xffff, v2  }
0x110: {  	[tilespmem:v9+s19+$0x0] =	vst.idx.add.f32.msk $0xffff, v2  }
0x111: {  	[tilespmem:v8+s19+$0x0] =	vst.idx.add.f32.msk $0xffff, v2  }
0x112: {  	s26 =	simm.s32 $0x0;
	[tilespmem:v11+s19+$0x0] =	vst.idx.add.f32.msk $0xffff, v2  }
0x113: {  	s28 =	simm.s32 $0x0  }
.LBB2_16:
0x114: {  	s25 =	sshll.u32 s28, $0xF  }
0x115: {  	s0 =	sadd.s32 s25, s9  }
0x116: {  	s0 =	sadd.s32 $0x4000, s0  }
0x117: {  	s0 =	sshrl.u32 s0, $0x3  }
0x118: {  	s31 =	simm.s32 $0x0;
	s2 =	sand.u32 $0xC00, s26;
	s0 =	sadd.s32 s1, s0  }
0x119: {  	[tilespmem:s17], [sflag:$0x2] =	stream.linear.gather [hbm4b:s0+s26], $0x4000, $0x38;
	[tilespmem:$0xE680] =	vst v63  }
0x11a: {  	s29 =	simm.s32 $0x0;
	s0 =	sand.u32 $0x3000, s31;
	_ =	swait.ge [sflag:s18], $0x4000  }
0x11b: {  	s29 =	sand.u32 $0x380, s29;
	s0 =	sor.u32 s2, s0;
	[sflag:s18] =	ssyncset.done $0x0  }
0x11c: {  	s0 =	sor.u32 s29, s0;
	[sflag:s18] =	ssyncadd.s32 $0xFFFFC000  }
0x11d: {  	v8 =	vld [tilespmem:s0+$0x70];
	_ =	sdelay $0x3  }
0x11e: {  	v9 =	vld [tilespmem:s0+$0x0]  }
0x11f: {  	v10 =	vld [tilespmem:s0+$0x10];
	v8 =	vmul.f32 $2.560000000e+02, v8  }
0x120: {  	v11 =	vld [tilespmem:s0+$0x20]  }
0x121: {  	v12 =	vld [tilespmem:s0+$0x30];
	v8 =	vtrunc.f32 v8  }
0x122: {  	v13 =	vld [tilespmem:s0+$0x40];
	v8 =	vcvt.f32.s32 v8  }
0x123: {  	v14 =	vld [tilespmem:s0+$0x50]  }
0x124: {  	s2 =	simm.s32 $0x80;
	s29 =	simm.s32 $0x400;
	v8 =	vadd.s32 v4, v8  }
0x125: {  	s30 =	simm.s32 $0x20;
	s31 =	sand.u32 $0xC00, s29;
	v15 =	vld [tilespmem:s0+$0x60];
	s0 =	sand.u32 $0x3000, s2;
	v9 =	vmul.f32 $2.560000000e+02, v9  }
0x126: {  	s30 =	sand.u32 $0x380, s30;
	s0 =	sor.u32 s31, s0;
	v10 =	vmul.f32 $2.560000000e+02, v10;
	v11 =	vmul.f32 $2.560000000e+02, v11  }
0x127: {  	s0 =	sor.u32 s30, s0;
	v12 =	vmul.f32 $2.560000000e+02, v12;
	v13 =	vmul.f32 $2.560000000e+02, v13  }
0x128: {  	v16 =	vld [tilespmem:s0+$0x0];
	v14 =	vmul.f32 $2.560000000e+02, v14;
	v9 =	vtrunc.f32 v9  }
0x129: {  	v10 =	vtrunc.f32 v10;
	v11 =	vtrunc.f32 v11;
	[tilespmem:v8+s19+$0x0] =	vst.idx.add.f32.msk $0xffff, v2  }
0x12a: {  	v8 =	vtrunc.f32 v12;
	v12 =	vmul.f32 $2.560000000e+02, v15;
	v15 =	vld [tilespmem:s0+$0x70]  }
0x12b: {  	v17 =	vld [tilespmem:s0+$0x10];
	v13 =	vtrunc.f32 v13;
	v9 =	vcvt.f32.s32 v9  }
0x12c: {  	v14 =	vtrunc.f32 v14;
	v10 =	vcvt.f32.s32 v10  }
0x12d: {  	v18 =	vld [tilespmem:s0+$0x20];
	v11 =	vcvt.f32.s32 v11;
	v22 =	vcvt.f32.s32 v14;
	v19 =	vadd.s32 v4, v9  }
0x12e: {  	v21 =	vld [tilespmem:s0+$0x30];
	v16 =	vmul.f32 $2.560000000e+02, v16;
	v20 =	vadd.s32 v4, v10;
	v8 =	vcvt.f32.s32 v8  }
0x12f: {  	v24 =	vld [tilespmem:s0+$0x40];
	v9 =	vcvt.f32.s32 v13;
	v23 =	vadd.s32 v4, v11;
	v15 =	vmul.f32 $2.560000000e+02, v15  }
0x130: {  	v14 =	vld [tilespmem:s0+$0x50];
	v17 =	vmul.f32 $2.560000000e+02, v17;
	v12 =	vtrunc.f32 v12;
	v11 =	vadd.s32 v4, v8  }
0x131: {  	v13 =	vld [tilespmem:s0+$0x60];
	v10 =	vadd.s32 v4, v9;
	v12 =	vcvt.f32.s32 v12;
	v8 =	vtrunc.f32 v15  }
0x132: {  	v18 =	vmul.f32 $2.560000000e+02, v18;
	v9 =	vadd.s32 v4, v22;
	[tilespmem:v19+s19+$0x0] =	vst.idx.add.f32.msk $0xffff, v2;
	v63 =	vcvt.f32.s32 v8  }
0x133: {  	v19 =	vmul.f32 $2.560000000e+02, v21;
	[tilespmem:v20+s19+$0x0] =	vst.idx.add.f32.msk $0xffff, v2;
	v15 =	vtrunc.f32 v16;
	v8 =	vadd.s32 v4, v12  }
0x134: {  	s30 =	simm.s32 $0x8;
	[tilespmem:v23+s19+$0x0] =	vst.idx.add.f32.msk $0xffff, v2;
	v16 =	vtrunc.f32 v17;
	v17 =	vmul.f32 $2.560000000e+02, v24;
	v12 =	vadd.s32 v4, v63  }
.LBB2_17:
0x135: {  	s30 =	sadd.s32 $0x8, s30;
	v18 =	vtrunc.f32 v18;
	v14 =	vmul.f32 $2.560000000e+02, v14;
	[tilespmem:v11+s19+$0x0] =	vst.idx.add.f32.msk $0xffff, v2  }
0x136: {  	v11 =	vtrunc.f32 v19;
	s29 =	sadd.s32 $0x400, s29;
	s0 =	sshll.u32 s30, $0x4;
	p0 =	slt.u32 s30, $0x3F8;
	v13 =	vmul.f32 $2.560000000e+02, v13;
	[tilespmem:v10+s19+$0x0] =	vst.idx.add.f32.msk $0xffff, v2  }
0x137: {  	s2 =	sand.u32 $0xC00, s29;
	s31 =	sshll.u32 s30, $0x2;
	v10 =	vtrunc.f32 v17;
	s0 =	sand.u32 $0x3000, s0;
	v14 =	vtrunc.f32 v14;
	[tilespmem:v9+s19+$0x0] =	vst.idx.add.f32.msk $0xffff, v2  }
0x138: {  	s31 =	sand.u32 $0x380, s31;
	v9 =	vcvt.f32.s32 v15;
	s0 =	sor.u32 s2, s0;
	v13 =	vtrunc.f32 v13;
	[tilespmem:v8+s19+$0x0] =	vst.idx.add.f32.msk $0xffff, v2  }
0x139: {  	v15 =	vcvt.f32.s32 v18;
	v8 =	vcvt.f32.s32 v16;
	s0 =	sor.u32 s31, s0;
	[tilespmem:v12+s19+$0x0] =	vst.idx.add.f32.msk $0xffff, v2  }
0x13a: {  	v10 =	vcvt.f32.s32 v10;
	v16 =	vadd.s32 v4, v9;
	v9 =	vcvt.f32.s32 v11;
	v12 =	vld [tilespmem:s0+$0x70]  }
0x13b: {  	v13 =	vcvt.f32.s32 v13;
	v20 =	vadd.s32 v4, v8;
	v8 =	vcvt.f32.s32 v14;
	v17 =	vld [tilespmem:s0+$0x0]  }
0x13c: {  	v21 =	vadd.s32 v4, v15;
	v10 =	vadd.s32 v4, v10;
	v11 =	vadd.s32 v4, v9;
	v18 =	vld [tilespmem:s0+$0x10]  }
0x13d: {  	v9 =	vadd.s32 v4, v8;
	v8 =	vadd.s32 v4, v13;
	v15 =	vld [tilespmem:s0+$0x20]  }
0x13e: {  	v19 =	vld [tilespmem:s0+$0x30]  }
0x13f: {  	v22 =	vld [tilespmem:s0+$0x40];
	v12 =	vmul.f32 $2.560000000e+02, v12  }
.Ltmp7:
0x140: {  	v17 =	vmul.f32 $2.560000000e+02, v17;
	v14 =	vld [tilespmem:s0+$0x50];
	(pc) =	sbr.rel @p0 .LBB2_17-.Ltmp7, $4  }
0x141: {  	v23 =	vmul.f32 $2.560000000e+02, v18;
	v13 =	vld [tilespmem:s0+$0x60];
	v12 =	vtrunc.f32 v12  }
0x142: {  	v18 =	vmul.f32 $2.560000000e+02, v15;
	v12 =	vcvt.f32.s32 v12;
	[tilespmem:v16+s19+$0x0] =	vst.idx.add.f32.msk $0xffff, v2  }
0x143: {  	v15 =	vtrunc.f32 v17;
	v19 =	vmul.f32 $2.560000000e+02, v19;
	[tilespmem:v20+s19+$0x0] =	vst.idx.add.f32.msk $0xffff, v2  }
0x144: {  	v16 =	vtrunc.f32 v23;
	v17 =	vmul.f32 $2.560000000e+02, v22;
	v12 =	vadd.s32 v4, v12;
	[tilespmem:v21+s19+$0x0] =	vst.idx.add.f32.msk $0xffff, v2  }
0x145: {  	_ = 	snop  }
0x146: {  	v18 =	vtrunc.f32 v18  }
0x147: {  	v14 =	vmul.f32 $2.560000000e+02, v14;
	v15 =	vcvt.f32.s32 v15  }
0x148: {  	v19 =	vtrunc.f32 v19;
	v16 =	vcvt.f32.s32 v16  }
0x149: {  	[tilespmem:v11+s19+$0x0] =	vst.idx.add.f32.msk $0xffff, v2;
	v11 =	vmul.f32 $2.560000000e+02, v13;
	v13 =	vcvt.f32.s32 v18;
	v15 =	vadd.s32 v4, v15  }
0x14a: {  	[tilespmem:v10+s19+$0x0] =	vst.idx.add.f32.msk $0xffff, v2;
	v10 =	vtrunc.f32 v17;
	v17 =	vcvt.f32.s32 v19;
	v16 =	vadd.s32 v4, v16  }
0x14b: {  	[tilespmem:v9+s19+$0x0] =	vst.idx.add.f32.msk $0xffff, v2;
	v14 =	vtrunc.f32 v14;
	v9 =	vcvt.f32.s32 v10;
	v10 =	vadd.s32 v4, v13  }
0x14c: {  	[tilespmem:v8+s19+$0x0] =	vst.idx.add.f32.msk $0xffff, v2;
	v11 =	vtrunc.f32 v11;
	v8 =	vcvt.f32.s32 v14;
	v13 =	vadd.s32 v4, v17  }
0x14d: {  	[tilespmem:v12+s19+$0x0] =	vst.idx.add.f32.msk $0xffff, v2;
	v11 =	vcvt.f32.s32 v11;
	v9 =	vadd.s32 v4, v9  }
0x14e: {  	v8 =	vadd.s32 v4, v8;
	[tilespmem:v15+s19+$0x0] =	vst.idx.add.f32.msk $0xffff, v2  }
0x14f: {  	v11 =	vadd.s32 v4, v11;
	[tilespmem:v16+s19+$0x0] =	vst.idx.add.f32.msk $0xffff, v2  }
0x150: {  	[tilespmem:v10+s19+$0x0] =	vst.idx.add.f32.msk $0xffff, v2  }
0x151: {  	s0 =	sadd.s32 s25, s13;
	[tilespmem:v13+s19+$0x0] =	vst.idx.add.f32.msk $0xffff, v2  }
0x152: {  	s0 =	sshrl.u32 s0, $0x3;
	[tilespmem:v9+s19+$0x0] =	vst.idx.add.f32.msk $0xffff, v2  }
0x153: {  	p0 =	seq.s32 s28, $0x7;
	s2 =	simm.s32 $0x0;
	s0 =	sadd.s32 s1, s0;
	[tilespmem:v8+s19+$0x0] =	vst.idx.add.f32.msk $0xffff, v2  }
0x154: {  	s30 =	simm.s32 $0x0;
	s31 =	simm.s32 $0x0;
	s0 =	smov.u32 @p0 s14;
	[tilespmem:v11+s19+$0x0] =	vst.idx.add.f32.msk $0xffff, v2  }
0x155: {  	[tilespmem:s2], [sflag:$0x1] =	stream.linear.gather [hbm4b:s0+s2], $0x4000, $0x38;
	[tilespmem:$0xE680] =	vst v63  }
0x156: {  	s0 =	sand.u32 $0x3000, s30;
	s2 =	sand.u32 $0xC00, s2;
	_ =	swait.ge [sflag:s20], $0x4000  }
0x157: {  	s25 =	sand.u32 $0x380, s31;
	s0 =	sor.u32 s2, s0;
	[sflag:s20] =	ssyncset.done $0x0  }
0x158: {  	s0 =	sor.u32 s25, s0;
	[sflag:s20] =	ssyncadd.s32 $0xFFFFC000  }
0x159: {  	v8 =	vld [tilespmem:s0+$0x4070];
	_ =	sdelay $0x3  }
0x15a: {  	v9 =	vld [tilespmem:s0+$0x4000]  }
0x15b: {  	v10 =	vld [tilespmem:s0+$0x4010];
	v8 =	vmul.f32 $2.560000000e+02, v8  }
0x15c: {  	v11 =	vld [tilespmem:s0+$0x4020]  }
0x15d: {  	v12 =	vld [tilespmem:s0+$0x4030];
	v8 =	vtrunc.f32 v8  }
0x15e: {  	v13 =	vld [tilespmem:s0+$0x4040];
	v8 =	vcvt.f32.s32 v8  }
0x15f: {  	v14 =	vld [tilespmem:s0+$0x4050]  }
0x160: {  	s30 =	simm.s32 $0x80;
	s25 =	simm.s32 $0x400;
	v8 =	vadd.s32 v4, v8  }
0x161: {  	s29 =	simm.s32 $0x20;
	s31 =	sand.u32 $0xC00, s25;
	v15 =	vld [tilespmem:s0+$0x4060];
	s0 =	sand.u32 $0x3000, s30;
	v9 =	vmul.f32 $2.560000000e+02, v9  }
0x162: {  	s29 =	sand.u32 $0x380, s29;
	s0 =	sor.u32 s31, s0;
	v10 =	vmul.f32 $2.560000000e+02, v10;
	v11 =	vmul.f32 $2.560000000e+02, v11  }
0x163: {  	s0 =	sor.u32 s29, s0;
	v12 =	vmul.f32 $2.560000000e+02, v12;
	v13 =	vmul.f32 $2.560000000e+02, v13  }
0x164: {  	v16 =	vld [tilespmem:s0+$0x4000];
	v14 =	vmul.f32 $2.560000000e+02, v14;
	v9 =	vtrunc.f32 v9  }
0x165: {  	v10 =	vtrunc.f32 v10;
	v11 =	vtrunc.f32 v11;
	[tilespmem:v8+s19+$0x0] =	vst.idx.add.f32.msk $0xffff, v2  }
0x166: {  	v8 =	vtrunc.f32 v12;
	v12 =	vmul.f32 $2.560000000e+02, v15;
	v15 =	vld [tilespmem:s0+$0x4070]  }
0x167: {  	v17 =	vld [tilespmem:s0+$0x4010];
	v13 =	vtrunc.f32 v13;
	v9 =	vcvt.f32.s32 v9  }
0x168: {  	v14 =	vtrunc.f32 v14;
	v10 =	vcvt.f32.s32 v10  }
0x169: {  	v18 =	vld [tilespmem:s0+$0x4020];
	v11 =	vcvt.f32.s32 v11;
	v22 =	vcvt.f32.s32 v14;
	v19 =	vadd.s32 v4, v9  }
0x16a: {  	v21 =	vld [tilespmem:s0+$0x4030];
	v16 =	vmul.f32 $2.560000000e+02, v16;
	v20 =	vadd.s32 v4, v10;
	v8 =	vcvt.f32.s32 v8  }
0x16b: {  	v24 =	vld [tilespmem:s0+$0x4040];
	v9 =	vcvt.f32.s32 v13;
	v23 =	vadd.s32 v4, v11;
	v15 =	vmul.f32 $2.560000000e+02, v15  }
0x16c: {  	v14 =	vld [tilespmem:s0+$0x4050];
	v17 =	vmul.f32 $2.560000000e+02, v17;
	v12 =	vtrunc.f32 v12;
	v11 =	vadd.s32 v4, v8  }
0x16d: {  	v13 =	vld [tilespmem:s0+$0x4060];
	v10 =	vadd.s32 v4, v9;
	v12 =	vcvt.f32.s32 v12;
	v8 =	vtrunc.f32 v15  }
0x16e: {  	v18 =	vmul.f32 $2.560000000e+02, v18;
	v9 =	vadd.s32 v4, v22;
	[tilespmem:v19+s19+$0x0] =	vst.idx.add.f32.msk $0xffff, v2;
	v63 =	vcvt.f32.s32 v8  }
0x16f: {  	v19 =	vmul.f32 $2.560000000e+02, v21;
	[tilespmem:v20+s19+$0x0] =	vst.idx.add.f32.msk $0xffff, v2;
	v15 =	vtrunc.f32 v16;
	v8 =	vadd.s32 v4, v12  }
0x170: {  	s29 =	simm.s32 $0x8;
	[tilespmem:v23+s19+$0x0] =	vst.idx.add.f32.msk $0xffff, v2;
	v16 =	vtrunc.f32 v17;
	v17 =	vmul.f32 $2.560000000e+02, v24;
	v12 =	vadd.s32 v4, v63  }
.LBB2_19:
0x171: {  	s29 =	sadd.s32 $0x8, s29;
	v18 =	vtrunc.f32 v18;
	v14 =	vmul.f32 $2.560000000e+02, v14;
	[tilespmem:v11+s19+$0x0] =	vst.idx.add.f32.msk $0xffff, v2  }
0x172: {  	v11 =	vtrunc.f32 v19;
	s25 =	sadd.s32 $0x400, s25;
	s0 =	sshll.u32 s29, $0x4;
	p0 =	slt.u32 s29, $0x3F8;
	v13 =	vmul.f32 $2.560000000e+02, v13;
	[tilespmem:v10+s19+$0x0] =	vst.idx.add.f32.msk $0xffff, v2  }
0x173: {  	s2 =	sand.u32 $0xC00, s25;
	s30 =	sshll.u32 s29, $0x2;
	v10 =	vtrunc.f32 v17;
	s0 =	sand.u32 $0x3000, s0;
	v14 =	vtrunc.f32 v14;
	[tilespmem:v9+s19+$0x0] =	vst.idx.add.f32.msk $0xffff, v2  }
0x174: {  	s30 =	sand.u32 $0x380, s30;
	v9 =	vcvt.f32.s32 v15;
	s0 =	sor.u32 s2, s0;
	v13 =	vtrunc.f32 v13;
	[tilespmem:v8+s19+$0x0] =	vst.idx.add.f32.msk $0xffff, v2  }
0x175: {  	v15 =	vcvt.f32.s32 v18;
	v8 =	vcvt.f32.s32 v16;
	s0 =	sor.u32 s30, s0;
	[tilespmem:v12+s19+$0x0] =	vst.idx.add.f32.msk $0xffff, v2  }
0x176: {  	v10 =	vcvt.f32.s32 v10;
	v16 =	vadd.s32 v4, v9;
	v9 =	vcvt.f32.s32 v11;
	v12 =	vld [tilespmem:s0+$0x4070]  }
0x177: {  	v13 =	vcvt.f32.s32 v13;
	v20 =	vadd.s32 v4, v8;
	v8 =	vcvt.f32.s32 v14;
	v17 =	vld [tilespmem:s0+$0x4000]  }
0x178: {  	v21 =	vadd.s32 v4, v15;
	v10 =	vadd.s32 v4, v10;
	v11 =	vadd.s32 v4, v9;
	v18 =	vld [tilespmem:s0+$0x4010]  }
0x179: {  	v9 =	vadd.s32 v4, v8;
	v8 =	vadd.s32 v4, v13;
	v15 =	vld [tilespmem:s0+$0x4020]  }
0x17a: {  	v19 =	vld [tilespmem:s0+$0x4030]  }
0x17b: {  	v22 =	vld [tilespmem:s0+$0x4040];
	v12 =	vmul.f32 $2.560000000e+02, v12  }
.Ltmp8:
0x17c: {  	v17 =	vmul.f32 $2.560000000e+02, v17;
	v14 =	vld [tilespmem:s0+$0x4050];
	(pc) =	sbr.rel @p0 .LBB2_19-.Ltmp8, $4  }
0x17d: {  	v23 =	vmul.f32 $2.560000000e+02, v18;
	v13 =	vld [tilespmem:s0+$0x4060];
	v12 =	vtrunc.f32 v12  }
0x17e: {  	v18 =	vmul.f32 $2.560000000e+02, v15;
	v12 =	vcvt.f32.s32 v12;
	[tilespmem:v16+s19+$0x0] =	vst.idx.add.f32.msk $0xffff, v2  }
0x17f: {  	v15 =	vtrunc.f32 v17;
	v19 =	vmul.f32 $2.560000000e+02, v19;
	[tilespmem:v20+s19+$0x0] =	vst.idx.add.f32.msk $0xffff, v2  }
0x180: {  	v16 =	vtrunc.f32 v23;
	v17 =	vmul.f32 $2.560000000e+02, v22;
	v12 =	vadd.s32 v4, v12;
	[tilespmem:v21+s19+$0x0] =	vst.idx.add.f32.msk $0xffff, v2  }
0x181: {  	_ = 	snop  }
0x182: {  	v18 =	vtrunc.f32 v18  }
0x183: {  	v14 =	vmul.f32 $2.560000000e+02, v14;
	v15 =	vcvt.f32.s32 v15  }
0x184: {  	v19 =	vtrunc.f32 v19;
	v16 =	vcvt.f32.s32 v16  }
0x185: {  	[tilespmem:v11+s19+$0x0] =	vst.idx.add.f32.msk $0xffff, v2;
	v57 =	vmul.f32 $2.560000000e+02, v13;
	v58 =	vcvt.f32.s32 v18;
	v15 =	vadd.s32 v4, v15  }
0x186: {  	[tilespmem:v10+s19+$0x0] =	vst.idx.add.f32.msk $0xffff, v2;
	v59 =	vtrunc.f32 v17;
	v60 =	vcvt.f32.s32 v19;
	v16 =	vadd.s32 v4, v16  }
0x187: {  	[tilespmem:v9+s19+$0x0] =	vst.idx.add.f32.msk $0xffff, v2;
	v14 =	vtrunc.f32 v14;
	v61 =	vcvt.f32.s32 v59;
	v62 =	vadd.s32 v4, v58  }
0x188: {  	[tilespmem:v8+s19+$0x0] =	vst.idx.add.f32.msk $0xffff, v2;
	v11 =	vtrunc.f32 v57;
	v8 =	vcvt.f32.s32 v14;
	v63 =	vadd.s32 v4, v60  }
0x189: {  	[tilespmem:v12+s19+$0x0] =	vst.idx.add.f32.msk $0xffff, v2;
	v11 =	vcvt.f32.s32 v11;
	v9 =	vadd.s32 v4, v61  }
0x18a: {  	s28 =	sadd.s32 $0x1, s28;
	v8 =	vadd.s32 v4, v8;
	[tilespmem:v15+s19+$0x0] =	vst.idx.add.f32.msk $0xffff, v2  }
0x18b: {  	p0 =	sne.s32 s28, $0x8;
	v11 =	vadd.s32 v4, v11;
	[tilespmem:v16+s19+$0x0] =	vst.idx.add.f32.msk $0xffff, v2  }
.Ltmp9:
0x18c: {  	[tilespmem:v62+s19+$0x0] =	vst.idx.add.f32.msk $0xffff, v2;
	(pc) =	sbr.rel @p0 .LBB2_16-.Ltmp9, $4  }
0x18d: {  	[tilespmem:v63+s19+$0x0] =	vst.idx.add.f32.msk $0xffff, v2  }
0x18e: {  	[tilespmem:v9+s19+$0x0] =	vst.idx.add.f32.msk $0xffff, v2  }
0x18f: {  	[tilespmem:v8+s19+$0x0] =	vst.idx.add.f32.msk $0xffff, v2  }
0x190: {  	s25 =	simm.s32 $0x0;
	[tilespmem:v11+s19+$0x0] =	vst.idx.add.f32.msk $0xffff, v2  }
0x191: {  	s28 =	simm.s32 $0x0  }
.LBB2_22:
0x192: {  	s26 =	sshll.u32 s28, $0xF  }
0x193: {  	s0 =	sor.u32 s26, s5  }
0x194: {  	s0 =	sshrl.u32 s0, $0x3  }
0x195: {  	s0 =	sadd.s32 s0, s3  }
0x196: {  	s31 =	simm.s32 $0x0;
	s2 =	sand.u32 $0xC00, s25;
	s0 =	sadd.s32 $0x800, s0  }
0x197: {  	[tilespmem:s17], [sflag:$0x2] =	stream.linear.gather [hbm4b:s0+s25], $0x4000, $0x38;
	[tilespmem:$0xE680] =	vst v63  }
0x198: {  	s29 =	simm.s32 $0x0;
	s0 =	sand.u32 $0x3000, s31;
	_ =	swait.ge [sflag:s18], $0x4000  }
0x199: {  	s29 =	sand.u32 $0x380, s29;
	s0 =	sor.u32 s2, s0;
	[sflag:s18] =	ssyncset.done $0x0  }
0x19a: {  	s0 =	sor.u32 s29, s0;
	[sflag:s18] =	ssyncadd.s32 $0xFFFFC000  }
0x19b: {  	v8 =	vld [tilespmem:s0+$0x70];
	_ =	sdelay $0x3  }
0x19c: {  	v9 =	vld [tilespmem:s0+$0x0]  }
0x19d: {  	v10 =	vld [tilespmem:s0+$0x10];
	v8 =	vmul.f32 $2.560000000e+02, v8  }
0x19e: {  	v11 =	vld [tilespmem:s0+$0x20]  }
0x19f: {  	v12 =	vld [tilespmem:s0+$0x30];
	v8 =	vtrunc.f32 v8  }
0x1a0: {  	v13 =	vld [tilespmem:s0+$0x40];
	v8 =	vcvt.f32.s32 v8  }
0x1a1: {  	v14 =	vld [tilespmem:s0+$0x50]  }
0x1a2: {  	s2 =	simm.s32 $0x80;
	s29 =	simm.s32 $0x400;
	v8 =	vadd.s32 v5, v8  }
0x1a3: {  	s30 =	simm.s32 $0x20;
	s31 =	sand.u32 $0xC00, s29;
	v15 =	vld [tilespmem:s0+$0x60];
	s0 =	sand.u32 $0x3000, s2;
	v9 =	vmul.f32 $2.560000000e+02, v9  }
0x1a4: {  	s30 =	sand.u32 $0x380, s30;
	s0 =	sor.u32 s31, s0;
	v10 =	vmul.f32 $2.560000000e+02, v10;
	v11 =	vmul.f32 $2.560000000e+02, v11  }
0x1a5: {  	s0 =	sor.u32 s30, s0;
	v12 =	vmul.f32 $2.560000000e+02, v12;
	v13 =	vmul.f32 $2.560000000e+02, v13  }
0x1a6: {  	v16 =	vld [tilespmem:s0+$0x0];
	v14 =	vmul.f32 $2.560000000e+02, v14;
	v9 =	vtrunc.f32 v9  }
0x1a7: {  	v10 =	vtrunc.f32 v10;
	v11 =	vtrunc.f32 v11;
	[tilespmem:v8+s19+$0x0] =	vst.idx.add.f32.msk $0xffff, v2  }
0x1a8: {  	v8 =	vtrunc.f32 v12;
	v12 =	vmul.f32 $2.560000000e+02, v15;
	v15 =	vld [tilespmem:s0+$0x70]  }
0x1a9: {  	v17 =	vld [tilespmem:s0+$0x10];
	v13 =	vtrunc.f32 v13;
	v9 =	vcvt.f32.s32 v9  }
0x1aa: {  	v14 =	vtrunc.f32 v14;
	v10 =	vcvt.f32.s32 v10  }
0x1ab: {  	v18 =	vld [tilespmem:s0+$0x20];
	v11 =	vcvt.f32.s32 v11;
	v22 =	vcvt.f32.s32 v14;
	v19 =	vadd.s32 v5, v9  }
0x1ac: {  	v21 =	vld [tilespmem:s0+$0x30];
	v16 =	vmul.f32 $2.560000000e+02, v16;
	v20 =	vadd.s32 v5, v10;
	v8 =	vcvt.f32.s32 v8  }
0x1ad: {  	v24 =	vld [tilespmem:s0+$0x40];
	v9 =	vcvt.f32.s32 v13;
	v23 =	vadd.s32 v5, v11;
	v15 =	vmul.f32 $2.560000000e+02, v15  }
0x1ae: {  	v14 =	vld [tilespmem:s0+$0x50];
	v17 =	vmul.f32 $2.560000000e+02, v17;
	v12 =	vtrunc.f32 v12;
	v11 =	vadd.s32 v5, v8  }
0x1af: {  	v13 =	vld [tilespmem:s0+$0x60];
	v10 =	vadd.s32 v5, v9;
	v12 =	vcvt.f32.s32 v12;
	v8 =	vtrunc.f32 v15  }
0x1b0: {  	v18 =	vmul.f32 $2.560000000e+02, v18;
	v9 =	vadd.s32 v5, v22;
	[tilespmem:v19+s19+$0x0] =	vst.idx.add.f32.msk $0xffff, v2;
	v63 =	vcvt.f32.s32 v8  }
0x1b1: {  	v19 =	vmul.f32 $2.560000000e+02, v21;
	[tilespmem:v20+s19+$0x0] =	vst.idx.add.f32.msk $0xffff, v2;
	v15 =	vtrunc.f32 v16;
	v8 =	vadd.s32 v5, v12  }
0x1b2: {  	s30 =	simm.s32 $0x8;
	[tilespmem:v23+s19+$0x0] =	vst.idx.add.f32.msk $0xffff, v2;
	v16 =	vtrunc.f32 v17;
	v17 =	vmul.f32 $2.560000000e+02, v24;
	v12 =	vadd.s32 v5, v63  }
.LBB2_23:
0x1b3: {  	s30 =	sadd.s32 $0x8, s30;
	v18 =	vtrunc.f32 v18;
	v14 =	vmul.f32 $2.560000000e+02, v14;
	[tilespmem:v11+s19+$0x0] =	vst.idx.add.f32.msk $0xffff, v2  }
0x1b4: {  	v11 =	vtrunc.f32 v19;
	s29 =	sadd.s32 $0x400, s29;
	s0 =	sshll.u32 s30, $0x4;
	p0 =	slt.u32 s30, $0x3F8;
	v13 =	vmul.f32 $2.560000000e+02, v13;
	[tilespmem:v10+s19+$0x0] =	vst.idx.add.f32.msk $0xffff, v2  }
0x1b5: {  	s2 =	sand.u32 $0xC00, s29;
	s31 =	sshll.u32 s30, $0x2;
	v10 =	vtrunc.f32 v17;
	s0 =	sand.u32 $0x3000, s0;
	v14 =	vtrunc.f32 v14;
	[tilespmem:v9+s19+$0x0] =	vst.idx.add.f32.msk $0xffff, v2  }
0x1b6: {  	s31 =	sand.u32 $0x380, s31;
	v9 =	vcvt.f32.s32 v15;
	s0 =	sor.u32 s2, s0;
	v13 =	vtrunc.f32 v13;
	[tilespmem:v8+s19+$0x0] =	vst.idx.add.f32.msk $0xffff, v2  }
0x1b7: {  	v15 =	vcvt.f32.s32 v18;
	v8 =	vcvt.f32.s32 v16;
	s0 =	sor.u32 s31, s0;
	[tilespmem:v12+s19+$0x0] =	vst.idx.add.f32.msk $0xffff, v2  }
0x1b8: {  	v10 =	vcvt.f32.s32 v10;
	v16 =	vadd.s32 v5, v9;
	v9 =	vcvt.f32.s32 v11;
	v12 =	vld [tilespmem:s0+$0x70]  }
0x1b9: {  	v13 =	vcvt.f32.s32 v13;
	v20 =	vadd.s32 v5, v8;
	v8 =	vcvt.f32.s32 v14;
	v17 =	vld [tilespmem:s0+$0x0]  }
0x1ba: {  	v21 =	vadd.s32 v5, v15;
	v10 =	vadd.s32 v5, v10;
	v11 =	vadd.s32 v5, v9;
	v18 =	vld [tilespmem:s0+$0x10]  }
0x1bb: {  	v9 =	vadd.s32 v5, v8;
	v8 =	vadd.s32 v5, v13;
	v15 =	vld [tilespmem:s0+$0x20]  }
0x1bc: {  	v19 =	vld [tilespmem:s0+$0x30]  }
0x1bd: {  	v22 =	vld [tilespmem:s0+$0x40];
	v12 =	vmul.f32 $2.560000000e+02, v12  }
.Ltmp10:
0x1be: {  	v17 =	vmul.f32 $2.560000000e+02, v17;
	v14 =	vld [tilespmem:s0+$0x50];
	(pc) =	sbr.rel @p0 .LBB2_23-.Ltmp10, $4  }
0x1bf: {  	v23 =	vmul.f32 $2.560000000e+02, v18;
	v13 =	vld [tilespmem:s0+$0x60];
	v12 =	vtrunc.f32 v12  }
0x1c0: {  	v18 =	vmul.f32 $2.560000000e+02, v15;
	v12 =	vcvt.f32.s32 v12;
	[tilespmem:v16+s19+$0x0] =	vst.idx.add.f32.msk $0xffff, v2  }
0x1c1: {  	v15 =	vtrunc.f32 v17;
	v19 =	vmul.f32 $2.560000000e+02, v19;
	[tilespmem:v20+s19+$0x0] =	vst.idx.add.f32.msk $0xffff, v2  }
0x1c2: {  	v16 =	vtrunc.f32 v23;
	v17 =	vmul.f32 $2.560000000e+02, v22;
	v12 =	vadd.s32 v5, v12;
	[tilespmem:v21+s19+$0x0] =	vst.idx.add.f32.msk $0xffff, v2  }
0x1c3: {  	_ = 	snop  }
0x1c4: {  	v18 =	vtrunc.f32 v18  }
0x1c5: {  	v14 =	vmul.f32 $2.560000000e+02, v14;
	v15 =	vcvt.f32.s32 v15  }
0x1c6: {  	v19 =	vtrunc.f32 v19;
	v16 =	vcvt.f32.s32 v16  }
0x1c7: {  	[tilespmem:v11+s19+$0x0] =	vst.idx.add.f32.msk $0xffff, v2;
	v11 =	vmul.f32 $2.560000000e+02, v13;
	v13 =	vcvt.f32.s32 v18;
	v15 =	vadd.s32 v5, v15  }
0x1c8: {  	[tilespmem:v10+s19+$0x0] =	vst.idx.add.f32.msk $0xffff, v2;
	v10 =	vtrunc.f32 v17;
	v17 =	vcvt.f32.s32 v19;
	v16 =	vadd.s32 v5, v16  }
0x1c9: {  	[tilespmem:v9+s19+$0x0] =	vst.idx.add.f32.msk $0xffff, v2;
	v14 =	vtrunc.f32 v14;
	v9 =	vcvt.f32.s32 v10;
	v10 =	vadd.s32 v5, v13  }
0x1ca: {  	[tilespmem:v8+s19+$0x0] =	vst.idx.add.f32.msk $0xffff, v2;
	v11 =	vtrunc.f32 v11;
	v8 =	vcvt.f32.s32 v14;
	v13 =	vadd.s32 v5, v17  }
0x1cb: {  	[tilespmem:v12+s19+$0x0] =	vst.idx.add.f32.msk $0xffff, v2;
	v11 =	vcvt.f32.s32 v11;
	v9 =	vadd.s32 v5, v9  }
0x1cc: {  	v8 =	vadd.s32 v5, v8;
	[tilespmem:v15+s19+$0x0] =	vst.idx.add.f32.msk $0xffff, v2  }
0x1cd: {  	v11 =	vadd.s32 v5, v11;
	[tilespmem:v16+s19+$0x0] =	vst.idx.add.f32.msk $0xffff, v2  }
0x1ce: {  	[tilespmem:v10+s19+$0x0] =	vst.idx.add.f32.msk $0xffff, v2  }
0x1cf: {  	s0 =	sadd.s32 s26, s7;
	[tilespmem:v13+s19+$0x0] =	vst.idx.add.f32.msk $0xffff, v2  }
0x1d0: {  	p0 =	seq.s32 s28, $0x7;
	s0 =	sshrl.u32 s0, $0x3;
	[tilespmem:v9+s19+$0x0] =	vst.idx.add.f32.msk $0xffff, v2  }
0x1d1: {  	s2 =	simm.s32 $0x0;
	s0 =	smov.u32 @p0 s10;
	[tilespmem:v8+s19+$0x0] =	vst.idx.add.f32.msk $0xffff, v2  }
0x1d2: {  	s30 =	simm.s32 $0x0;
	s31 =	simm.s32 $0x0;
	s0 =	sadd.s32 s3, s0;
	[tilespmem:v11+s19+$0x0] =	vst.idx.add.f32.msk $0xffff, v2  }
0x1d3: {  	[tilespmem:s2], [sflag:$0x1] =	stream.linear.gather [hbm4b:s0+s2], $0x4000, $0x38;
	[tilespmem:$0xE680] =	vst v63  }
0x1d4: {  	s0 =	sand.u32 $0x3000, s30;
	s2 =	sand.u32 $0xC00, s2;
	_ =	swait.ge [sflag:s20], $0x4000  }
0x1d5: {  	s26 =	sand.u32 $0x380, s31;
	s0 =	sor.u32 s2, s0;
	[sflag:s20] =	ssyncset.done $0x0  }
0x1d6: {  	s0 =	sor.u32 s26, s0;
	[sflag:s20] =	ssyncadd.s32 $0xFFFFC000  }
0x1d7: {  	v8 =	vld [tilespmem:s0+$0x4070];
	_ =	sdelay $0x3  }
0x1d8: {  	v9 =	vld [tilespmem:s0+$0x4000]  }
0x1d9: {  	v10 =	vld [tilespmem:s0+$0x4010];
	v8 =	vmul.f32 $2.560000000e+02, v8  }
0x1da: {  	v11 =	vld [tilespmem:s0+$0x4020]  }
0x1db: {  	v12 =	vld [tilespmem:s0+$0x4030];
	v8 =	vtrunc.f32 v8  }
0x1dc: {  	v13 =	vld [tilespmem:s0+$0x4040];
	v8 =	vcvt.f32.s32 v8  }
0x1dd: {  	v14 =	vld [tilespmem:s0+$0x4050]  }
0x1de: {  	s30 =	simm.s32 $0x80;
	s26 =	simm.s32 $0x400;
	v8 =	vadd.s32 v5, v8  }
0x1df: {  	s29 =	simm.s32 $0x20;
	s31 =	sand.u32 $0xC00, s26;
	v15 =	vld [tilespmem:s0+$0x4060];
	s0 =	sand.u32 $0x3000, s30;
	v9 =	vmul.f32 $2.560000000e+02, v9  }
0x1e0: {  	s29 =	sand.u32 $0x380, s29;
	s0 =	sor.u32 s31, s0;
	v10 =	vmul.f32 $2.560000000e+02, v10;
	v11 =	vmul.f32 $2.560000000e+02, v11  }
0x1e1: {  	s0 =	sor.u32 s29, s0;
	v12 =	vmul.f32 $2.560000000e+02, v12;
	v13 =	vmul.f32 $2.560000000e+02, v13  }
0x1e2: {  	v16 =	vld [tilespmem:s0+$0x4000];
	v14 =	vmul.f32 $2.560000000e+02, v14;
	v9 =	vtrunc.f32 v9  }
0x1e3: {  	v10 =	vtrunc.f32 v10;
	v11 =	vtrunc.f32 v11;
	[tilespmem:v8+s19+$0x0] =	vst.idx.add.f32.msk $0xffff, v2  }
0x1e4: {  	v8 =	vtrunc.f32 v12;
	v12 =	vmul.f32 $2.560000000e+02, v15;
	v15 =	vld [tilespmem:s0+$0x4070]  }
0x1e5: {  	v17 =	vld [tilespmem:s0+$0x4010];
	v13 =	vtrunc.f32 v13;
	v9 =	vcvt.f32.s32 v9  }
0x1e6: {  	v14 =	vtrunc.f32 v14;
	v10 =	vcvt.f32.s32 v10  }
0x1e7: {  	v18 =	vld [tilespmem:s0+$0x4020];
	v11 =	vcvt.f32.s32 v11;
	v22 =	vcvt.f32.s32 v14;
	v19 =	vadd.s32 v5, v9  }
0x1e8: {  	v21 =	vld [tilespmem:s0+$0x4030];
	v16 =	vmul.f32 $2.560000000e+02, v16;
	v20 =	vadd.s32 v5, v10;
	v8 =	vcvt.f32.s32 v8  }
0x1e9: {  	v24 =	vld [tilespmem:s0+$0x4040];
	v9 =	vcvt.f32.s32 v13;
	v23 =	vadd.s32 v5, v11;
	v15 =	vmul.f32 $2.560000000e+02, v15  }
0x1ea: {  	v14 =	vld [tilespmem:s0+$0x4050];
	v17 =	vmul.f32 $2.560000000e+02, v17;
	v12 =	vtrunc.f32 v12;
	v11 =	vadd.s32 v5, v8  }
0x1eb: {  	v13 =	vld [tilespmem:s0+$0x4060];
	v10 =	vadd.s32 v5, v9;
	v12 =	vcvt.f32.s32 v12;
	v8 =	vtrunc.f32 v15  }
0x1ec: {  	v18 =	vmul.f32 $2.560000000e+02, v18;
	v9 =	vadd.s32 v5, v22;
	[tilespmem:v19+s19+$0x0] =	vst.idx.add.f32.msk $0xffff, v2;
	v63 =	vcvt.f32.s32 v8  }
0x1ed: {  	v19 =	vmul.f32 $2.560000000e+02, v21;
	[tilespmem:v20+s19+$0x0] =	vst.idx.add.f32.msk $0xffff, v2;
	v15 =	vtrunc.f32 v16;
	v8 =	vadd.s32 v5, v12  }
0x1ee: {  	s29 =	simm.s32 $0x8;
	[tilespmem:v23+s19+$0x0] =	vst.idx.add.f32.msk $0xffff, v2;
	v16 =	vtrunc.f32 v17;
	v17 =	vmul.f32 $2.560000000e+02, v24;
	v12 =	vadd.s32 v5, v63  }
.LBB2_25:
0x1ef: {  	s29 =	sadd.s32 $0x8, s29;
	v18 =	vtrunc.f32 v18;
	v14 =	vmul.f32 $2.560000000e+02, v14;
	[tilespmem:v11+s19+$0x0] =	vst.idx.add.f32.msk $0xffff, v2  }
0x1f0: {  	v11 =	vtrunc.f32 v19;
	s26 =	sadd.s32 $0x400, s26;
	s0 =	sshll.u32 s29, $0x4;
	p0 =	slt.u32 s29, $0x3F8;
	v13 =	vmul.f32 $2.560000000e+02, v13;
	[tilespmem:v10+s19+$0x0] =	vst.idx.add.f32.msk $0xffff, v2  }
0x1f1: {  	s2 =	sand.u32 $0xC00, s26;
	s30 =	sshll.u32 s29, $0x2;
	v10 =	vtrunc.f32 v17;
	s0 =	sand.u32 $0x3000, s0;
	v14 =	vtrunc.f32 v14;
	[tilespmem:v9+s19+$0x0] =	vst.idx.add.f32.msk $0xffff, v2  }
0x1f2: {  	s30 =	sand.u32 $0x380, s30;
	v9 =	vcvt.f32.s32 v15;
	s0 =	sor.u32 s2, s0;
	v13 =	vtrunc.f32 v13;
	[tilespmem:v8+s19+$0x0] =	vst.idx.add.f32.msk $0xffff, v2  }
0x1f3: {  	v15 =	vcvt.f32.s32 v18;
	v8 =	vcvt.f32.s32 v16;
	s0 =	sor.u32 s30, s0;
	[tilespmem:v12+s19+$0x0] =	vst.idx.add.f32.msk $0xffff, v2  }
0x1f4: {  	v10 =	vcvt.f32.s32 v10;
	v16 =	vadd.s32 v5, v9;
	v9 =	vcvt.f32.s32 v11;
	v12 =	vld [tilespmem:s0+$0x4070]  }
0x1f5: {  	v13 =	vcvt.f32.s32 v13;
	v20 =	vadd.s32 v5, v8;
	v8 =	vcvt.f32.s32 v14;
	v17 =	vld [tilespmem:s0+$0x4000]  }
0x1f6: {  	v21 =	vadd.s32 v5, v15;
	v10 =	vadd.s32 v5, v10;
	v11 =	vadd.s32 v5, v9;
	v18 =	vld [tilespmem:s0+$0x4010]  }
0x1f7: {  	v9 =	vadd.s32 v5, v8;
	v8 =	vadd.s32 v5, v13;
	v15 =	vld [tilespmem:s0+$0x4020]  }
0x1f8: {  	v19 =	vld [tilespmem:s0+$0x4030]  }
0x1f9: {  	v22 =	vld [tilespmem:s0+$0x4040];
	v12 =	vmul.f32 $2.560000000e+02, v12  }
.Ltmp11:
0x1fa: {  	v17 =	vmul.f32 $2.560000000e+02, v17;
	v14 =	vld [tilespmem:s0+$0x4050];
	(pc) =	sbr.rel @p0 .LBB2_25-.Ltmp11, $4  }
0x1fb: {  	v23 =	vmul.f32 $2.560000000e+02, v18;
	v13 =	vld [tilespmem:s0+$0x4060];
	v12 =	vtrunc.f32 v12  }
0x1fc: {  	v18 =	vmul.f32 $2.560000000e+02, v15;
	v12 =	vcvt.f32.s32 v12;
	[tilespmem:v16+s19+$0x0] =	vst.idx.add.f32.msk $0xffff, v2  }
0x1fd: {  	v15 =	vtrunc.f32 v17;
	v19 =	vmul.f32 $2.560000000e+02, v19;
	[tilespmem:v20+s19+$0x0] =	vst.idx.add.f32.msk $0xffff, v2  }
0x1fe: {  	v16 =	vtrunc.f32 v23;
	v17 =	vmul.f32 $2.560000000e+02, v22;
	v12 =	vadd.s32 v5, v12;
	[tilespmem:v21+s19+$0x0] =	vst.idx.add.f32.msk $0xffff, v2  }
0x1ff: {  	_ = 	snop  }
0x200: {  	v18 =	vtrunc.f32 v18  }
0x201: {  	v14 =	vmul.f32 $2.560000000e+02, v14;
	v15 =	vcvt.f32.s32 v15  }
0x202: {  	v19 =	vtrunc.f32 v19;
	v16 =	vcvt.f32.s32 v16  }
0x203: {  	[tilespmem:v11+s19+$0x0] =	vst.idx.add.f32.msk $0xffff, v2;
	v57 =	vmul.f32 $2.560000000e+02, v13;
	v58 =	vcvt.f32.s32 v18;
	v15 =	vadd.s32 v5, v15  }
0x204: {  	[tilespmem:v10+s19+$0x0] =	vst.idx.add.f32.msk $0xffff, v2;
	v59 =	vtrunc.f32 v17;
	v60 =	vcvt.f32.s32 v19;
	v16 =	vadd.s32 v5, v16  }
0x205: {  	[tilespmem:v9+s19+$0x0] =	vst.idx.add.f32.msk $0xffff, v2;
	v14 =	vtrunc.f32 v14;
	v61 =	vcvt.f32.s32 v59;
	v62 =	vadd.s32 v5, v58  }
0x206: {  	[tilespmem:v8+s19+$0x0] =	vst.idx.add.f32.msk $0xffff, v2;
	v11 =	vtrunc.f32 v57;
	v8 =	vcvt.f32.s32 v14;
	v63 =	vadd.s32 v5, v60  }
0x207: {  	[tilespmem:v12+s19+$0x0] =	vst.idx.add.f32.msk $0xffff, v2;
	v11 =	vcvt.f32.s32 v11;
	v9 =	vadd.s32 v5, v61  }
0x208: {  	s28 =	sadd.s32 $0x1, s28;
	v8 =	vadd.s32 v5, v8;
	[tilespmem:v15+s19+$0x0] =	vst.idx.add.f32.msk $0xffff, v2  }
0x209: {  	p0 =	sne.s32 s28, $0x8;
	v11 =	vadd.s32 v5, v11;
	[tilespmem:v16+s19+$0x0] =	vst.idx.add.f32.msk $0xffff, v2  }
.Ltmp12:
0x20a: {  	[tilespmem:v62+s19+$0x0] =	vst.idx.add.f32.msk $0xffff, v2;
	(pc) =	sbr.rel @p0 .LBB2_22-.Ltmp12, $4  }
0x20b: {  	[tilespmem:v63+s19+$0x0] =	vst.idx.add.f32.msk $0xffff, v2  }
0x20c: {  	[tilespmem:v9+s19+$0x0] =	vst.idx.add.f32.msk $0xffff, v2  }
0x20d: {  	[tilespmem:v8+s19+$0x0] =	vst.idx.add.f32.msk $0xffff, v2  }
0x20e: {  	s26 =	simm.s32 $0x0;
	[tilespmem:v11+s19+$0x0] =	vst.idx.add.f32.msk $0xffff, v2  }
0x20f: {  	s28 =	simm.s32 $0x0  }
.LBB2_28:
0x210: {  	s25 =	sshll.u32 s28, $0xF  }
0x211: {  	s0 =	sadd.s32 s25, s8  }
0x212: {  	s0 =	sadd.s32 $0x4000, s0  }
0x213: {  	s0 =	sshrl.u32 s0, $0x3  }
0x214: {  	s31 =	simm.s32 $0x0;
	s2 =	sand.u32 $0xC00, s26;
	s0 =	sadd.s32 s3, s0  }
0x215: {  	[tilespmem:s17], [sflag:$0x2] =	stream.linear.gather [hbm4b:s0+s26], $0x4000, $0x38;
	[tilespmem:$0xE680] =	vst v63  }
0x216: {  	s29 =	simm.s32 $0x0;
	s0 =	sand.u32 $0x3000, s31;
	_ =	swait.ge [sflag:s18], $0x4000  }
0x217: {  	s29 =	sand.u32 $0x380, s29;
	s0 =	sor.u32 s2, s0;
	[sflag:s18] =	ssyncset.done $0x0  }
0x218: {  	s0 =	sor.u32 s29, s0;
	[sflag:s18] =	ssyncadd.s32 $0xFFFFC000  }
0x219: {  	v8 =	vld [tilespmem:s0+$0x70];
	_ =	sdelay $0x3  }
0x21a: {  	v9 =	vld [tilespmem:s0+$0x0]  }
0x21b: {  	v10 =	vld [tilespmem:s0+$0x10];
	v8 =	vmul.f32 $2.560000000e+02, v8  }
0x21c: {  	v11 =	vld [tilespmem:s0+$0x20]  }
0x21d: {  	v12 =	vld [tilespmem:s0+$0x30];
	v8 =	vtrunc.f32 v8  }
0x21e: {  	v13 =	vld [tilespmem:s0+$0x40];
	v8 =	vcvt.f32.s32 v8  }
0x21f: {  	v14 =	vld [tilespmem:s0+$0x50]  }
0x220: {  	s2 =	simm.s32 $0x80;
	s29 =	simm.s32 $0x400;
	v8 =	vadd.s32 v6, v8  }
0x221: {  	s30 =	simm.s32 $0x20;
	s31 =	sand.u32 $0xC00, s29;
	v15 =	vld [tilespmem:s0+$0x60];
	s0 =	sand.u32 $0x3000, s2;
	v9 =	vmul.f32 $2.560000000e+02, v9  }
0x222: {  	s30 =	sand.u32 $0x380, s30;
	s0 =	sor.u32 s31, s0;
	v10 =	vmul.f32 $2.560000000e+02, v10;
	v11 =	vmul.f32 $2.560000000e+02, v11  }
0x223: {  	s0 =	sor.u32 s30, s0;
	v12 =	vmul.f32 $2.560000000e+02, v12;
	v13 =	vmul.f32 $2.560000000e+02, v13  }
0x224: {  	v16 =	vld [tilespmem:s0+$0x0];
	v14 =	vmul.f32 $2.560000000e+02, v14;
	v9 =	vtrunc.f32 v9  }
0x225: {  	v10 =	vtrunc.f32 v10;
	v11 =	vtrunc.f32 v11;
	[tilespmem:v8+s19+$0x0] =	vst.idx.add.f32.msk $0xffff, v2  }
0x226: {  	v8 =	vtrunc.f32 v12;
	v12 =	vmul.f32 $2.560000000e+02, v15;
	v15 =	vld [tilespmem:s0+$0x70]  }
0x227: {  	v17 =	vld [tilespmem:s0+$0x10];
	v13 =	vtrunc.f32 v13;
	v9 =	vcvt.f32.s32 v9  }
0x228: {  	v14 =	vtrunc.f32 v14;
	v10 =	vcvt.f32.s32 v10  }
0x229: {  	v18 =	vld [tilespmem:s0+$0x20];
	v11 =	vcvt.f32.s32 v11;
	v22 =	vcvt.f32.s32 v14;
	v19 =	vadd.s32 v6, v9  }
0x22a: {  	v21 =	vld [tilespmem:s0+$0x30];
	v16 =	vmul.f32 $2.560000000e+02, v16;
	v20 =	vadd.s32 v6, v10;
	v8 =	vcvt.f32.s32 v8  }
0x22b: {  	v24 =	vld [tilespmem:s0+$0x40];
	v9 =	vcvt.f32.s32 v13;
	v23 =	vadd.s32 v6, v11;
	v15 =	vmul.f32 $2.560000000e+02, v15  }
0x22c: {  	v14 =	vld [tilespmem:s0+$0x50];
	v17 =	vmul.f32 $2.560000000e+02, v17;
	v12 =	vtrunc.f32 v12;
	v11 =	vadd.s32 v6, v8  }
0x22d: {  	v13 =	vld [tilespmem:s0+$0x60];
	v10 =	vadd.s32 v6, v9;
	v12 =	vcvt.f32.s32 v12;
	v8 =	vtrunc.f32 v15  }
0x22e: {  	v18 =	vmul.f32 $2.560000000e+02, v18;
	v9 =	vadd.s32 v6, v22;
	[tilespmem:v19+s19+$0x0] =	vst.idx.add.f32.msk $0xffff, v2;
	v63 =	vcvt.f32.s32 v8  }
0x22f: {  	v19 =	vmul.f32 $2.560000000e+02, v21;
	[tilespmem:v20+s19+$0x0] =	vst.idx.add.f32.msk $0xffff, v2;
	v15 =	vtrunc.f32 v16;
	v8 =	vadd.s32 v6, v12  }
0x230: {  	s30 =	simm.s32 $0x8;
	[tilespmem:v23+s19+$0x0] =	vst.idx.add.f32.msk $0xffff, v2;
	v16 =	vtrunc.f32 v17;
	v17 =	vmul.f32 $2.560000000e+02, v24;
	v12 =	vadd.s32 v6, v63  }
.LBB2_29:
0x231: {  	s30 =	sadd.s32 $0x8, s30;
	v18 =	vtrunc.f32 v18;
	v14 =	vmul.f32 $2.560000000e+02, v14;
	[tilespmem:v11+s19+$0x0] =	vst.idx.add.f32.msk $0xffff, v2  }
0x232: {  	v11 =	vtrunc.f32 v19;
	s29 =	sadd.s32 $0x400, s29;
	s0 =	sshll.u32 s30, $0x4;
	p0 =	slt.u32 s30, $0x3F8;
	v13 =	vmul.f32 $2.560000000e+02, v13;
	[tilespmem:v10+s19+$0x0] =	vst.idx.add.f32.msk $0xffff, v2  }
0x233: {  	s2 =	sand.u32 $0xC00, s29;
	s31 =	sshll.u32 s30, $0x2;
	v10 =	vtrunc.f32 v17;
	s0 =	sand.u32 $0x3000, s0;
	v14 =	vtrunc.f32 v14;
	[tilespmem:v9+s19+$0x0] =	vst.idx.add.f32.msk $0xffff, v2  }
0x234: {  	s31 =	sand.u32 $0x380, s31;
	v9 =	vcvt.f32.s32 v15;
	s0 =	sor.u32 s2, s0;
	v13 =	vtrunc.f32 v13;
	[tilespmem:v8+s19+$0x0] =	vst.idx.add.f32.msk $0xffff, v2  }
0x235: {  	v15 =	vcvt.f32.s32 v18;
	v8 =	vcvt.f32.s32 v16;
	s0 =	sor.u32 s31, s0;
	[tilespmem:v12+s19+$0x0] =	vst.idx.add.f32.msk $0xffff, v2  }
0x236: {  	v10 =	vcvt.f32.s32 v10;
	v16 =	vadd.s32 v6, v9;
	v9 =	vcvt.f32.s32 v11;
	v12 =	vld [tilespmem:s0+$0x70]  }
0x237: {  	v13 =	vcvt.f32.s32 v13;
	v20 =	vadd.s32 v6, v8;
	v8 =	vcvt.f32.s32 v14;
	v17 =	vld [tilespmem:s0+$0x0]  }
0x238: {  	v21 =	vadd.s32 v6, v15;
	v10 =	vadd.s32 v6, v10;
	v11 =	vadd.s32 v6, v9;
	v18 =	vld [tilespmem:s0+$0x10]  }
0x239: {  	v9 =	vadd.s32 v6, v8;
	v8 =	vadd.s32 v6, v13;
	v15 =	vld [tilespmem:s0+$0x20]  }
0x23a: {  	v19 =	vld [tilespmem:s0+$0x30]  }
0x23b: {  	v22 =	vld [tilespmem:s0+$0x40];
	v12 =	vmul.f32 $2.560000000e+02, v12  }
.Ltmp13:
0x23c: {  	v17 =	vmul.f32 $2.560000000e+02, v17;
	v14 =	vld [tilespmem:s0+$0x50];
	(pc) =	sbr.rel @p0 .LBB2_29-.Ltmp13, $4  }
0x23d: {  	v23 =	vmul.f32 $2.560000000e+02, v18;
	v13 =	vld [tilespmem:s0+$0x60];
	v12 =	vtrunc.f32 v12  }
0x23e: {  	v18 =	vmul.f32 $2.560000000e+02, v15;
	v12 =	vcvt.f32.s32 v12;
	[tilespmem:v16+s19+$0x0] =	vst.idx.add.f32.msk $0xffff, v2  }
0x23f: {  	v15 =	vtrunc.f32 v17;
	v19 =	vmul.f32 $2.560000000e+02, v19;
	[tilespmem:v20+s19+$0x0] =	vst.idx.add.f32.msk $0xffff, v2  }
0x240: {  	v16 =	vtrunc.f32 v23;
	v17 =	vmul.f32 $2.560000000e+02, v22;
	v12 =	vadd.s32 v6, v12;
	[tilespmem:v21+s19+$0x0] =	vst.idx.add.f32.msk $0xffff, v2  }
0x241: {  	_ = 	snop  }
0x242: {  	v18 =	vtrunc.f32 v18  }
0x243: {  	v14 =	vmul.f32 $2.560000000e+02, v14;
	v15 =	vcvt.f32.s32 v15  }
0x244: {  	v19 =	vtrunc.f32 v19;
	v16 =	vcvt.f32.s32 v16  }
0x245: {  	[tilespmem:v11+s19+$0x0] =	vst.idx.add.f32.msk $0xffff, v2;
	v11 =	vmul.f32 $2.560000000e+02, v13;
	v13 =	vcvt.f32.s32 v18;
	v15 =	vadd.s32 v6, v15  }
0x246: {  	[tilespmem:v10+s19+$0x0] =	vst.idx.add.f32.msk $0xffff, v2;
	v10 =	vtrunc.f32 v17;
	v17 =	vcvt.f32.s32 v19;
	v16 =	vadd.s32 v6, v16  }
0x247: {  	[tilespmem:v9+s19+$0x0] =	vst.idx.add.f32.msk $0xffff, v2;
	v14 =	vtrunc.f32 v14;
	v9 =	vcvt.f32.s32 v10;
	v10 =	vadd.s32 v6, v13  }
0x248: {  	[tilespmem:v8+s19+$0x0] =	vst.idx.add.f32.msk $0xffff, v2;
	v11 =	vtrunc.f32 v11;
	v8 =	vcvt.f32.s32 v14;
	v13 =	vadd.s32 v6, v17  }
0x249: {  	[tilespmem:v12+s19+$0x0] =	vst.idx.add.f32.msk $0xffff, v2;
	v11 =	vcvt.f32.s32 v11;
	v9 =	vadd.s32 v6, v9  }
0x24a: {  	v8 =	vadd.s32 v6, v8;
	[tilespmem:v15+s19+$0x0] =	vst.idx.add.f32.msk $0xffff, v2  }
0x24b: {  	v11 =	vadd.s32 v6, v11;
	[tilespmem:v16+s19+$0x0] =	vst.idx.add.f32.msk $0xffff, v2  }
0x24c: {  	[tilespmem:v10+s19+$0x0] =	vst.idx.add.f32.msk $0xffff, v2  }
0x24d: {  	s0 =	sadd.s32 s25, s11;
	[tilespmem:v13+s19+$0x0] =	vst.idx.add.f32.msk $0xffff, v2  }
0x24e: {  	p0 =	seq.s32 s28, $0x7;
	s0 =	sshrl.u32 s0, $0x3;
	[tilespmem:v9+s19+$0x0] =	vst.idx.add.f32.msk $0xffff, v2  }
0x24f: {  	s2 =	simm.s32 $0x0;
	s0 =	smov.u32 @p0 s12;
	[tilespmem:v8+s19+$0x0] =	vst.idx.add.f32.msk $0xffff, v2  }
0x250: {  	s30 =	simm.s32 $0x0;
	s31 =	simm.s32 $0x0;
	s0 =	sadd.s32 s3, s0;
	[tilespmem:v11+s19+$0x0] =	vst.idx.add.f32.msk $0xffff, v2  }
0x251: {  	[tilespmem:s2], [sflag:$0x1] =	stream.linear.gather [hbm4b:s0+s2], $0x4000, $0x38;
	[tilespmem:$0xE680] =	vst v63  }
0x252: {  	s0 =	sand.u32 $0x3000, s30;
	s2 =	sand.u32 $0xC00, s2;
	_ =	swait.ge [sflag:s20], $0x4000  }
0x253: {  	s25 =	sand.u32 $0x380, s31;
	s0 =	sor.u32 s2, s0;
	[sflag:s20] =	ssyncset.done $0x0  }
0x254: {  	s0 =	sor.u32 s25, s0;
	[sflag:s20] =	ssyncadd.s32 $0xFFFFC000  }
0x255: {  	v8 =	vld [tilespmem:s0+$0x4070];
	_ =	sdelay $0x3  }
0x256: {  	v9 =	vld [tilespmem:s0+$0x4000]  }
0x257: {  	v10 =	vld [tilespmem:s0+$0x4010];
	v8 =	vmul.f32 $2.560000000e+02, v8  }
0x258: {  	v11 =	vld [tilespmem:s0+$0x4020]  }
0x259: {  	v12 =	vld [tilespmem:s0+$0x4030];
	v8 =	vtrunc.f32 v8  }
0x25a: {  	v13 =	vld [tilespmem:s0+$0x4040];
	v8 =	vcvt.f32.s32 v8  }
0x25b: {  	v14 =	vld [tilespmem:s0+$0x4050]  }
0x25c: {  	s30 =	simm.s32 $0x80;
	s25 =	simm.s32 $0x400;
	v8 =	vadd.s32 v6, v8  }
0x25d: {  	s29 =	simm.s32 $0x20;
	s31 =	sand.u32 $0xC00, s25;
	v15 =	vld [tilespmem:s0+$0x4060];
	s0 =	sand.u32 $0x3000, s30;
	v9 =	vmul.f32 $2.560000000e+02, v9  }
0x25e: {  	s29 =	sand.u32 $0x380, s29;
	s0 =	sor.u32 s31, s0;
	v10 =	vmul.f32 $2.560000000e+02, v10;
	v11 =	vmul.f32 $2.560000000e+02, v11  }
0x25f: {  	s0 =	sor.u32 s29, s0;
	v12 =	vmul.f32 $2.560000000e+02, v12;
	v13 =	vmul.f32 $2.560000000e+02, v13  }
0x260: {  	v16 =	vld [tilespmem:s0+$0x4000];
	v14 =	vmul.f32 $2.560000000e+02, v14;
	v9 =	vtrunc.f32 v9  }
0x261: {  	v10 =	vtrunc.f32 v10;
	v11 =	vtrunc.f32 v11;
	[tilespmem:v8+s19+$0x0] =	vst.idx.add.f32.msk $0xffff, v2  }
0x262: {  	v8 =	vtrunc.f32 v12;
	v12 =	vmul.f32 $2.560000000e+02, v15;
	v15 =	vld [tilespmem:s0+$0x4070]  }
0x263: {  	v17 =	vld [tilespmem:s0+$0x4010];
	v13 =	vtrunc.f32 v13;
	v9 =	vcvt.f32.s32 v9  }
0x264: {  	v14 =	vtrunc.f32 v14;
	v10 =	vcvt.f32.s32 v10  }
0x265: {  	v18 =	vld [tilespmem:s0+$0x4020];
	v11 =	vcvt.f32.s32 v11;
	v22 =	vcvt.f32.s32 v14;
	v19 =	vadd.s32 v6, v9  }
0x266: {  	v21 =	vld [tilespmem:s0+$0x4030];
	v16 =	vmul.f32 $2.560000000e+02, v16;
	v20 =	vadd.s32 v6, v10;
	v8 =	vcvt.f32.s32 v8  }
0x267: {  	v24 =	vld [tilespmem:s0+$0x4040];
	v9 =	vcvt.f32.s32 v13;
	v23 =	vadd.s32 v6, v11;
	v15 =	vmul.f32 $2.560000000e+02, v15  }
0x268: {  	v14 =	vld [tilespmem:s0+$0x4050];
	v17 =	vmul.f32 $2.560000000e+02, v17;
	v12 =	vtrunc.f32 v12;
	v11 =	vadd.s32 v6, v8  }
0x269: {  	v13 =	vld [tilespmem:s0+$0x4060];
	v10 =	vadd.s32 v6, v9;
	v12 =	vcvt.f32.s32 v12;
	v8 =	vtrunc.f32 v15  }
0x26a: {  	v18 =	vmul.f32 $2.560000000e+02, v18;
	v9 =	vadd.s32 v6, v22;
	[tilespmem:v19+s19+$0x0] =	vst.idx.add.f32.msk $0xffff, v2;
	v63 =	vcvt.f32.s32 v8  }
0x26b: {  	v19 =	vmul.f32 $2.560000000e+02, v21;
	[tilespmem:v20+s19+$0x0] =	vst.idx.add.f32.msk $0xffff, v2;
	v15 =	vtrunc.f32 v16;
	v8 =	vadd.s32 v6, v12  }
0x26c: {  	s29 =	simm.s32 $0x8;
	[tilespmem:v23+s19+$0x0] =	vst.idx.add.f32.msk $0xffff, v2;
	v16 =	vtrunc.f32 v17;
	v17 =	vmul.f32 $2.560000000e+02, v24;
	v12 =	vadd.s32 v6, v63  }
.LBB2_31:
0x26d: {  	s29 =	sadd.s32 $0x8, s29;
	v18 =	vtrunc.f32 v18;
	v14 =	vmul.f32 $2.560000000e+02, v14;
	[tilespmem:v11+s19+$0x0] =	vst.idx.add.f32.msk $0xffff, v2  }
0x26e: {  	v11 =	vtrunc.f32 v19;
	s25 =	sadd.s32 $0x400, s25;
	s0 =	sshll.u32 s29, $0x4;
	p0 =	slt.u32 s29, $0x3F8;
	v13 =	vmul.f32 $2.560000000e+02, v13;
	[tilespmem:v10+s19+$0x0] =	vst.idx.add.f32.msk $0xffff, v2  }
0x26f: {  	s2 =	sand.u32 $0xC00, s25;
	s30 =	sshll.u32 s29, $0x2;
	v10 =	vtrunc.f32 v17;
	s0 =	sand.u32 $0x3000, s0;
	v14 =	vtrunc.f32 v14;
	[tilespmem:v9+s19+$0x0] =	vst.idx.add.f32.msk $0xffff, v2  }
0x270: {  	s30 =	sand.u32 $0x380, s30;
	v9 =	vcvt.f32.s32 v15;
	s0 =	sor.u32 s2, s0;
	v13 =	vtrunc.f32 v13;
	[tilespmem:v8+s19+$0x0] =	vst.idx.add.f32.msk $0xffff, v2  }
0x271: {  	v15 =	vcvt.f32.s32 v18;
	v8 =	vcvt.f32.s32 v16;
	s0 =	sor.u32 s30, s0;
	[tilespmem:v12+s19+$0x0] =	vst.idx.add.f32.msk $0xffff, v2  }
0x272: {  	v10 =	vcvt.f32.s32 v10;
	v16 =	vadd.s32 v6, v9;
	v9 =	vcvt.f32.s32 v11;
	v12 =	vld [tilespmem:s0+$0x4070]  }
0x273: {  	v13 =	vcvt.f32.s32 v13;
	v20 =	vadd.s32 v6, v8;
	v8 =	vcvt.f32.s32 v14;
	v17 =	vld [tilespmem:s0+$0x4000]  }
0x274: {  	v21 =	vadd.s32 v6, v15;
	v10 =	vadd.s32 v6, v10;
	v11 =	vadd.s32 v6, v9;
	v18 =	vld [tilespmem:s0+$0x4010]  }
0x275: {  	v9 =	vadd.s32 v6, v8;
	v8 =	vadd.s32 v6, v13;
	v15 =	vld [tilespmem:s0+$0x4020]  }
0x276: {  	v19 =	vld [tilespmem:s0+$0x4030]  }
0x277: {  	v22 =	vld [tilespmem:s0+$0x4040];
	v12 =	vmul.f32 $2.560000000e+02, v12  }
.Ltmp14:
0x278: {  	v17 =	vmul.f32 $2.560000000e+02, v17;
	v14 =	vld [tilespmem:s0+$0x4050];
	(pc) =	sbr.rel @p0 .LBB2_31-.Ltmp14, $4  }
0x279: {  	v23 =	vmul.f32 $2.560000000e+02, v18;
	v13 =	vld [tilespmem:s0+$0x4060];
	v12 =	vtrunc.f32 v12  }
0x27a: {  	v18 =	vmul.f32 $2.560000000e+02, v15;
	v12 =	vcvt.f32.s32 v12;
	[tilespmem:v16+s19+$0x0] =	vst.idx.add.f32.msk $0xffff, v2  }
0x27b: {  	v15 =	vtrunc.f32 v17;
	v19 =	vmul.f32 $2.560000000e+02, v19;
	[tilespmem:v20+s19+$0x0] =	vst.idx.add.f32.msk $0xffff, v2  }
0x27c: {  	v16 =	vtrunc.f32 v23;
	v17 =	vmul.f32 $2.560000000e+02, v22;
	v12 =	vadd.s32 v6, v12;
	[tilespmem:v21+s19+$0x0] =	vst.idx.add.f32.msk $0xffff, v2  }
0x27d: {  	_ = 	snop  }
0x27e: {  	v18 =	vtrunc.f32 v18  }
0x27f: {  	v14 =	vmul.f32 $2.560000000e+02, v14;
	v15 =	vcvt.f32.s32 v15  }
0x280: {  	v19 =	vtrunc.f32 v19;
	v16 =	vcvt.f32.s32 v16  }
0x281: {  	[tilespmem:v11+s19+$0x0] =	vst.idx.add.f32.msk $0xffff, v2;
	v57 =	vmul.f32 $2.560000000e+02, v13;
	v58 =	vcvt.f32.s32 v18;
	v15 =	vadd.s32 v6, v15  }
0x282: {  	[tilespmem:v10+s19+$0x0] =	vst.idx.add.f32.msk $0xffff, v2;
	v59 =	vtrunc.f32 v17;
	v60 =	vcvt.f32.s32 v19;
	v16 =	vadd.s32 v6, v16  }
0x283: {  	[tilespmem:v9+s19+$0x0] =	vst.idx.add.f32.msk $0xffff, v2;
	v14 =	vtrunc.f32 v14;
	v61 =	vcvt.f32.s32 v59;
	v62 =	vadd.s32 v6, v58  }
0x284: {  	[tilespmem:v8+s19+$0x0] =	vst.idx.add.f32.msk $0xffff, v2;
	v11 =	vtrunc.f32 v57;
	v8 =	vcvt.f32.s32 v14;
	v63 =	vadd.s32 v6, v60  }
0x285: {  	[tilespmem:v12+s19+$0x0] =	vst.idx.add.f32.msk $0xffff, v2;
	v11 =	vcvt.f32.s32 v11;
	v9 =	vadd.s32 v6, v61  }
0x286: {  	s28 =	sadd.s32 $0x1, s28;
	v8 =	vadd.s32 v6, v8;
	[tilespmem:v15+s19+$0x0] =	vst.idx.add.f32.msk $0xffff, v2  }
0x287: {  	p0 =	sne.s32 s28, $0x8;
	v11 =	vadd.s32 v6, v11;
	[tilespmem:v16+s19+$0x0] =	vst.idx.add.f32.msk $0xffff, v2  }
.Ltmp15:
0x288: {  	[tilespmem:v62+s19+$0x0] =	vst.idx.add.f32.msk $0xffff, v2;
	(pc) =	sbr.rel @p0 .LBB2_28-.Ltmp15, $4  }
0x289: {  	[tilespmem:v63+s19+$0x0] =	vst.idx.add.f32.msk $0xffff, v2  }
0x28a: {  	[tilespmem:v9+s19+$0x0] =	vst.idx.add.f32.msk $0xffff, v2  }
0x28b: {  	[tilespmem:v8+s19+$0x0] =	vst.idx.add.f32.msk $0xffff, v2  }
0x28c: {  	s25 =	simm.s32 $0x0;
	[tilespmem:v11+s19+$0x0] =	vst.idx.add.f32.msk $0xffff, v2  }
0x28d: {  	s26 =	simm.s32 $0x0  }
.LBB2_34:
0x28e: {  	s28 =	sshll.u32 s26, $0xF  }
0x28f: {  	s0 =	sadd.s32 s28, s9  }
0x290: {  	s0 =	sadd.s32 $0x4000, s0  }
0x291: {  	s0 =	sshrl.u32 s0, $0x3  }
0x292: {  	s31 =	simm.s32 $0x0;
	s2 =	sand.u32 $0xC00, s25;
	s0 =	sadd.s32 s3, s0  }
0x293: {  	[tilespmem:s17], [sflag:$0x2] =	stream.linear.gather [hbm4b:s0+s25], $0x4000, $0x38;
	[tilespmem:$0xE680] =	vst v63  }
0x294: {  	s29 =	simm.s32 $0x0;
	s0 =	sand.u32 $0x3000, s31;
	_ =	swait.ge [sflag:s18], $0x4000  }
0x295: {  	s29 =	sand.u32 $0x380, s29;
	s0 =	sor.u32 s2, s0;
	[sflag:s18] =	ssyncset.done $0x0  }
0x296: {  	s0 =	sor.u32 s29, s0;
	[sflag:s18] =	ssyncadd.s32 $0xFFFFC000  }
0x297: {  	v8 =	vld [tilespmem:s0+$0x70];
	_ =	sdelay $0x3  }
0x298: {  	v9 =	vld [tilespmem:s0+$0x0]  }
0x299: {  	v10 =	vld [tilespmem:s0+$0x10];
	v8 =	vmul.f32 $2.560000000e+02, v8  }
0x29a: {  	v11 =	vld [tilespmem:s0+$0x20]  }
0x29b: {  	v12 =	vld [tilespmem:s0+$0x30];
	v8 =	vtrunc.f32 v8  }
0x29c: {  	v13 =	vld [tilespmem:s0+$0x40];
	v8 =	vcvt.f32.s32 v8  }
0x29d: {  	v14 =	vld [tilespmem:s0+$0x50]  }
0x29e: {  	s2 =	simm.s32 $0x80;
	s29 =	simm.s32 $0x400;
	v8 =	vadd.s32 v7, v8  }
0x29f: {  	s30 =	simm.s32 $0x20;
	s31 =	sand.u32 $0xC00, s29;
	v15 =	vld [tilespmem:s0+$0x60];
	s0 =	sand.u32 $0x3000, s2;
	v9 =	vmul.f32 $2.560000000e+02, v9  }
0x2a0: {  	s30 =	sand.u32 $0x380, s30;
	s0 =	sor.u32 s31, s0;
	v10 =	vmul.f32 $2.560000000e+02, v10;
	v11 =	vmul.f32 $2.560000000e+02, v11  }
0x2a1: {  	s0 =	sor.u32 s30, s0;
	v12 =	vmul.f32 $2.560000000e+02, v12;
	v13 =	vmul.f32 $2.560000000e+02, v13  }
0x2a2: {  	v16 =	vld [tilespmem:s0+$0x0];
	v14 =	vmul.f32 $2.560000000e+02, v14;
	v9 =	vtrunc.f32 v9  }
0x2a3: {  	v10 =	vtrunc.f32 v10;
	v11 =	vtrunc.f32 v11;
	[tilespmem:v8+s19+$0x0] =	vst.idx.add.f32.msk $0xffff, v2  }
0x2a4: {  	v8 =	vtrunc.f32 v12;
	v12 =	vmul.f32 $2.560000000e+02, v15;
	v15 =	vld [tilespmem:s0+$0x70]  }
0x2a5: {  	v17 =	vld [tilespmem:s0+$0x10];
	v13 =	vtrunc.f32 v13;
	v9 =	vcvt.f32.s32 v9  }
0x2a6: {  	v14 =	vtrunc.f32 v14;
	v10 =	vcvt.f32.s32 v10  }
0x2a7: {  	v18 =	vld [tilespmem:s0+$0x20];
	v11 =	vcvt.f32.s32 v11;
	v22 =	vcvt.f32.s32 v14;
	v19 =	vadd.s32 v7, v9  }
0x2a8: {  	v21 =	vld [tilespmem:s0+$0x30];
	v16 =	vmul.f32 $2.560000000e+02, v16;
	v20 =	vadd.s32 v7, v10;
	v8 =	vcvt.f32.s32 v8  }
0x2a9: {  	v24 =	vld [tilespmem:s0+$0x40];
	v9 =	vcvt.f32.s32 v13;
	v23 =	vadd.s32 v7, v11;
	v15 =	vmul.f32 $2.560000000e+02, v15  }
0x2aa: {  	v14 =	vld [tilespmem:s0+$0x50];
	v17 =	vmul.f32 $2.560000000e+02, v17;
	v12 =	vtrunc.f32 v12;
	v11 =	vadd.s32 v7, v8  }
0x2ab: {  	v13 =	vld [tilespmem:s0+$0x60];
	v10 =	vadd.s32 v7, v9;
	v12 =	vcvt.f32.s32 v12;
	v8 =	vtrunc.f32 v15  }
0x2ac: {  	v18 =	vmul.f32 $2.560000000e+02, v18;
	v9 =	vadd.s32 v7, v22;
	[tilespmem:v19+s19+$0x0] =	vst.idx.add.f32.msk $0xffff, v2;
	v63 =	vcvt.f32.s32 v8  }
0x2ad: {  	v19 =	vmul.f32 $2.560000000e+02, v21;
	[tilespmem:v20+s19+$0x0] =	vst.idx.add.f32.msk $0xffff, v2;
	v15 =	vtrunc.f32 v16;
	v8 =	vadd.s32 v7, v12  }
0x2ae: {  	s30 =	simm.s32 $0x8;
	[tilespmem:v23+s19+$0x0] =	vst.idx.add.f32.msk $0xffff, v2;
	v16 =	vtrunc.f32 v17;
	v17 =	vmul.f32 $2.560000000e+02, v24;
	v12 =	vadd.s32 v7, v63  }
.LBB2_35:
0x2af: {  	s30 =	sadd.s32 $0x8, s30;
	v18 =	vtrunc.f32 v18;
	v14 =	vmul.f32 $2.560000000e+02, v14;
	[tilespmem:v11+s19+$0x0] =	vst.idx.add.f32.msk $0xffff, v2  }
0x2b0: {  	v11 =	vtrunc.f32 v19;
	s29 =	sadd.s32 $0x400, s29;
	s0 =	sshll.u32 s30, $0x4;
	p0 =	slt.u32 s30, $0x3F8;
	v13 =	vmul.f32 $2.560000000e+02, v13;
	[tilespmem:v10+s19+$0x0] =	vst.idx.add.f32.msk $0xffff, v2  }
0x2b1: {  	s2 =	sand.u32 $0xC00, s29;
	s31 =	sshll.u32 s30, $0x2;
	v10 =	vtrunc.f32 v17;
	s0 =	sand.u32 $0x3000, s0;
	v14 =	vtrunc.f32 v14;
	[tilespmem:v9+s19+$0x0] =	vst.idx.add.f32.msk $0xffff, v2  }
0x2b2: {  	s31 =	sand.u32 $0x380, s31;
	v9 =	vcvt.f32.s32 v15;
	s0 =	sor.u32 s2, s0;
	v13 =	vtrunc.f32 v13;
	[tilespmem:v8+s19+$0x0] =	vst.idx.add.f32.msk $0xffff, v2  }
0x2b3: {  	v15 =	vcvt.f32.s32 v18;
	v8 =	vcvt.f32.s32 v16;
	s0 =	sor.u32 s31, s0;
	[tilespmem:v12+s19+$0x0] =	vst.idx.add.f32.msk $0xffff, v2  }
0x2b4: {  	v10 =	vcvt.f32.s32 v10;
	v16 =	vadd.s32 v7, v9;
	v9 =	vcvt.f32.s32 v11;
	v12 =	vld [tilespmem:s0+$0x70]  }
0x2b5: {  	v13 =	vcvt.f32.s32 v13;
	v20 =	vadd.s32 v7, v8;
	v8 =	vcvt.f32.s32 v14;
	v17 =	vld [tilespmem:s0+$0x0]  }
0x2b6: {  	v21 =	vadd.s32 v7, v15;
	v10 =	vadd.s32 v7, v10;
	v11 =	vadd.s32 v7, v9;
	v18 =	vld [tilespmem:s0+$0x10]  }
0x2b7: {  	v9 =	vadd.s32 v7, v8;
	v8 =	vadd.s32 v7, v13;
	v15 =	vld [tilespmem:s0+$0x20]  }
0x2b8: {  	v19 =	vld [tilespmem:s0+$0x30]  }
0x2b9: {  	v22 =	vld [tilespmem:s0+$0x40];
	v12 =	vmul.f32 $2.560000000e+02, v12  }
.Ltmp16:
0x2ba: {  	v17 =	vmul.f32 $2.560000000e+02, v17;
	v14 =	vld [tilespmem:s0+$0x50];
	(pc) =	sbr.rel @p0 .LBB2_35-.Ltmp16, $4  }
0x2bb: {  	v23 =	vmul.f32 $2.560000000e+02, v18;
	v13 =	vld [tilespmem:s0+$0x60];
	v12 =	vtrunc.f32 v12  }
0x2bc: {  	v18 =	vmul.f32 $2.560000000e+02, v15;
	v12 =	vcvt.f32.s32 v12;
	[tilespmem:v16+s19+$0x0] =	vst.idx.add.f32.msk $0xffff, v2  }
0x2bd: {  	v15 =	vtrunc.f32 v17;
	v19 =	vmul.f32 $2.560000000e+02, v19;
	[tilespmem:v20+s19+$0x0] =	vst.idx.add.f32.msk $0xffff, v2  }
0x2be: {  	v16 =	vtrunc.f32 v23;
	v17 =	vmul.f32 $2.560000000e+02, v22;
	v12 =	vadd.s32 v7, v12;
	[tilespmem:v21+s19+$0x0] =	vst.idx.add.f32.msk $0xffff, v2  }
0x2bf: {  	_ = 	snop  }
0x2c0: {  	v18 =	vtrunc.f32 v18  }
0x2c1: {  	v14 =	vmul.f32 $2.560000000e+02, v14;
	v15 =	vcvt.f32.s32 v15  }
0x2c2: {  	v19 =	vtrunc.f32 v19;
	v16 =	vcvt.f32.s32 v16  }
0x2c3: {  	[tilespmem:v11+s19+$0x0] =	vst.idx.add.f32.msk $0xffff, v2;
	v11 =	vmul.f32 $2.560000000e+02, v13;
	v13 =	vcvt.f32.s32 v18;
	v15 =	vadd.s32 v7, v15  }
0x2c4: {  	[tilespmem:v10+s19+$0x0] =	vst.idx.add.f32.msk $0xffff, v2;
	v10 =	vtrunc.f32 v17;
	v17 =	vcvt.f32.s32 v19;
	v16 =	vadd.s32 v7, v16  }
0x2c5: {  	[tilespmem:v9+s19+$0x0] =	vst.idx.add.f32.msk $0xffff, v2;
	v14 =	vtrunc.f32 v14;
	v9 =	vcvt.f32.s32 v10;
	v10 =	vadd.s32 v7, v13  }
0x2c6: {  	[tilespmem:v8+s19+$0x0] =	vst.idx.add.f32.msk $0xffff, v2;
	v11 =	vtrunc.f32 v11;
	v8 =	vcvt.f32.s32 v14;
	v13 =	vadd.s32 v7, v17  }
0x2c7: {  	[tilespmem:v12+s19+$0x0] =	vst.idx.add.f32.msk $0xffff, v2;
	v11 =	vcvt.f32.s32 v11;
	v9 =	vadd.s32 v7, v9  }
0x2c8: {  	v8 =	vadd.s32 v7, v8;
	[tilespmem:v15+s19+$0x0] =	vst.idx.add.f32.msk $0xffff, v2  }
0x2c9: {  	v11 =	vadd.s32 v7, v11;
	[tilespmem:v16+s19+$0x0] =	vst.idx.add.f32.msk $0xffff, v2  }
0x2ca: {  	[tilespmem:v10+s19+$0x0] =	vst.idx.add.f32.msk $0xffff, v2  }
0x2cb: {  	p0 =	seq.s32 s26, $0x7;
	[tilespmem:v13+s19+$0x0] =	vst.idx.add.f32.msk $0xffff, v2  }
0x2cc: {  	s0 =	sadd.s32 @!p0 s28, s13;
	[tilespmem:v9+s19+$0x0] =	vst.idx.add.f32.msk $0xffff, v2  }
0x2cd: {  	s30 =	simm.s32 $0x0;
	s31 =	simm.s32 $0x0;
	s0 =	sshrl.u32 @!p0 s0, $0x3;
	[tilespmem:v8+s19+$0x0] =	vst.idx.add.f32.msk $0xffff, v2  }
0x2ce: {  	s2 =	simm.s32 @!p0 $0x0;
	s28 =	simm.s32 $0x0;
	s0 =	sadd.s32 @!p0 s3, s0;
	[tilespmem:v11+s19+$0x0] =	vst.idx.add.f32.msk $0xffff, v2  }
0x2cf: {  	[tilespmem:s2], [sflag:$0x1] =	stream.linear.gather @!p0 [hbm4b:s0+s2], $0x4000, $0x38;
	[tilespmem:$0xE680] =	vst v63  }
0x2d0: {  	s2 =	sand.u32 $0x3000, s31;
	s0 =	sand.u32 $0xC00, s30;
	_ =	swait.ge [sflag:s20], $0x4000  }
0x2d1: {  	s28 =	sand.u32 $0x380, s28;
	s0 =	sor.u32 s0, s2;
	[sflag:s20] =	ssyncset.done $0x0  }
0x2d2: {  	s0 =	sor.u32 s28, s0;
	[sflag:s20] =	ssyncadd.s32 $0xFFFFC000  }
0x2d3: {  	v8 =	vld [tilespmem:s0+$0x4070];
	_ =	sdelay $0x3  }
0x2d4: {  	v9 =	vld [tilespmem:s0+$0x4000]  }
0x2d5: {  	v10 =	vld [tilespmem:s0+$0x4010];
	v8 =	vmul.f32 $2.560000000e+02, v8  }
0x2d6: {  	v11 =	vld [tilespmem:s0+$0x4020]  }
0x2d7: {  	v12 =	vld [tilespmem:s0+$0x4030];
	v8 =	vtrunc.f32 v8  }
0x2d8: {  	v13 =	vld [tilespmem:s0+$0x4040];
	v8 =	vcvt.f32.s32 v8  }
0x2d9: {  	v14 =	vld [tilespmem:s0+$0x4050]  }
0x2da: {  	s30 =	simm.s32 $0x80;
	s28 =	simm.s32 $0x400;
	v8 =	vadd.s32 v7, v8  }
0x2db: {  	s29 =	simm.s32 $0x20;
	s31 =	sand.u32 $0xC00, s28;
	v15 =	vld [tilespmem:s0+$0x4060];
	s0 =	sand.u32 $0x3000, s30;
	v9 =	vmul.f32 $2.560000000e+02, v9  }
0x2dc: {  	s29 =	sand.u32 $0x380, s29;
	s0 =	sor.u32 s31, s0;
	v10 =	vmul.f32 $2.560000000e+02, v10;
	v11 =	vmul.f32 $2.560000000e+02, v11  }
0x2dd: {  	s0 =	sor.u32 s29, s0;
	v12 =	vmul.f32 $2.560000000e+02, v12;
	v13 =	vmul.f32 $2.560000000e+02, v13  }
0x2de: {  	v16 =	vld [tilespmem:s0+$0x4000];
	v14 =	vmul.f32 $2.560000000e+02, v14;
	v9 =	vtrunc.f32 v9  }
0x2df: {  	v10 =	vtrunc.f32 v10;
	v11 =	vtrunc.f32 v11;
	[tilespmem:v8+s19+$0x0] =	vst.idx.add.f32.msk $0xffff, v2  }
0x2e0: {  	v8 =	vtrunc.f32 v12;
	v12 =	vmul.f32 $2.560000000e+02, v15;
	v15 =	vld [tilespmem:s0+$0x4070]  }
0x2e1: {  	v17 =	vld [tilespmem:s0+$0x4010];
	v13 =	vtrunc.f32 v13;
	v9 =	vcvt.f32.s32 v9  }
0x2e2: {  	v14 =	vtrunc.f32 v14;
	v10 =	vcvt.f32.s32 v10  }
0x2e3: {  	v18 =	vld [tilespmem:s0+$0x4020];
	v11 =	vcvt.f32.s32 v11;
	v22 =	vcvt.f32.s32 v14;
	v19 =	vadd.s32 v7, v9  }
0x2e4: {  	v21 =	vld [tilespmem:s0+$0x4030];
	v16 =	vmul.f32 $2.560000000e+02, v16;
	v20 =	vadd.s32 v7, v10;
	v8 =	vcvt.f32.s32 v8  }
0x2e5: {  	v24 =	vld [tilespmem:s0+$0x4040];
	v9 =	vcvt.f32.s32 v13;
	v23 =	vadd.s32 v7, v11;
	v15 =	vmul.f32 $2.560000000e+02, v15  }
0x2e6: {  	v14 =	vld [tilespmem:s0+$0x4050];
	v17 =	vmul.f32 $2.560000000e+02, v17;
	v12 =	vtrunc.f32 v12;
	v11 =	vadd.s32 v7, v8  }
0x2e7: {  	v13 =	vld [tilespmem:s0+$0x4060];
	v10 =	vadd.s32 v7, v9;
	v12 =	vcvt.f32.s32 v12;
	v8 =	vtrunc.f32 v15  }
0x2e8: {  	v18 =	vmul.f32 $2.560000000e+02, v18;
	v9 =	vadd.s32 v7, v22;
	[tilespmem:v19+s19+$0x0] =	vst.idx.add.f32.msk $0xffff, v2;
	v63 =	vcvt.f32.s32 v8  }
0x2e9: {  	v19 =	vmul.f32 $2.560000000e+02, v21;
	[tilespmem:v20+s19+$0x0] =	vst.idx.add.f32.msk $0xffff, v2;
	v15 =	vtrunc.f32 v16;
	v8 =	vadd.s32 v7, v12  }
0x2ea: {  	s29 =	simm.s32 $0x8;
	[tilespmem:v23+s19+$0x0] =	vst.idx.add.f32.msk $0xffff, v2;
	v16 =	vtrunc.f32 v17;
	v17 =	vmul.f32 $2.560000000e+02, v24;
	v12 =	vadd.s32 v7, v63  }
.LBB2_37:
0x2eb: {  	s29 =	sadd.s32 $0x8, s29;
	v18 =	vtrunc.f32 v18;
	v14 =	vmul.f32 $2.560000000e+02, v14;
	[tilespmem:v11+s19+$0x0] =	vst.idx.add.f32.msk $0xffff, v2  }
0x2ec: {  	v11 =	vtrunc.f32 v19;
	s28 =	sadd.s32 $0x400, s28;
	s0 =	sshll.u32 s29, $0x4;
	p0 =	slt.u32 s29, $0x3F8;
	v13 =	vmul.f32 $2.560000000e+02, v13;
	[tilespmem:v10+s19+$0x0] =	vst.idx.add.f32.msk $0xffff, v2  }
0x2ed: {  	s2 =	sand.u32 $0xC00, s28;
	s30 =	sshll.u32 s29, $0x2;
	v10 =	vtrunc.f32 v17;
	s0 =	sand.u32 $0x3000, s0;
	v14 =	vtrunc.f32 v14;
	[tilespmem:v9+s19+$0x0] =	vst.idx.add.f32.msk $0xffff, v2  }
0x2ee: {  	s30 =	sand.u32 $0x380, s30;
	v9 =	vcvt.f32.s32 v15;
	s0 =	sor.u32 s2, s0;
	v13 =	vtrunc.f32 v13;
	[tilespmem:v8+s19+$0x0] =	vst.idx.add.f32.msk $0xffff, v2  }
0x2ef: {  	v15 =	vcvt.f32.s32 v18;
	v8 =	vcvt.f32.s32 v16;
	s0 =	sor.u32 s30, s0;
	[tilespmem:v12+s19+$0x0] =	vst.idx.add.f32.msk $0xffff, v2  }
0x2f0: {  	v10 =	vcvt.f32.s32 v10;
	v16 =	vadd.s32 v7, v9;
	v9 =	vcvt.f32.s32 v11;
	v12 =	vld [tilespmem:s0+$0x4070]  }
0x2f1: {  	v13 =	vcvt.f32.s32 v13;
	v20 =	vadd.s32 v7, v8;
	v8 =	vcvt.f32.s32 v14;
	v17 =	vld [tilespmem:s0+$0x4000]  }
0x2f2: {  	v21 =	vadd.s32 v7, v15;
	v10 =	vadd.s32 v7, v10;
	v11 =	vadd.s32 v7, v9;
	v18 =	vld [tilespmem:s0+$0x4010]  }
0x2f3: {  	v9 =	vadd.s32 v7, v8;
	v8 =	vadd.s32 v7, v13;
	v15 =	vld [tilespmem:s0+$0x4020]  }
0x2f4: {  	v19 =	vld [tilespmem:s0+$0x4030]  }
0x2f5: {  	v22 =	vld [tilespmem:s0+$0x4040];
	v12 =	vmul.f32 $2.560000000e+02, v12  }
.Ltmp17:
0x2f6: {  	v17 =	vmul.f32 $2.560000000e+02, v17;
	v14 =	vld [tilespmem:s0+$0x4050];
	(pc) =	sbr.rel @p0 .LBB2_37-.Ltmp17, $4  }
0x2f7: {  	v23 =	vmul.f32 $2.560000000e+02, v18;
	v13 =	vld [tilespmem:s0+$0x4060];
	v12 =	vtrunc.f32 v12  }
0x2f8: {  	v18 =	vmul.f32 $2.560000000e+02, v15;
	v12 =	vcvt.f32.s32 v12;
	[tilespmem:v16+s19+$0x0] =	vst.idx.add.f32.msk $0xffff, v2  }
0x2f9: {  	v15 =	vtrunc.f32 v17;
	v19 =	vmul.f32 $2.560000000e+02, v19;
	[tilespmem:v20+s19+$0x0] =	vst.idx.add.f32.msk $0xffff, v2  }
0x2fa: {  	v16 =	vtrunc.f32 v23;
	v17 =	vmul.f32 $2.560000000e+02, v22;
	v12 =	vadd.s32 v7, v12;
	[tilespmem:v21+s19+$0x0] =	vst.idx.add.f32.msk $0xffff, v2  }
0x2fb: {  	_ = 	snop  }
0x2fc: {  	v18 =	vtrunc.f32 v18  }
0x2fd: {  	v14 =	vmul.f32 $2.560000000e+02, v14;
	v15 =	vcvt.f32.s32 v15  }
0x2fe: {  	v19 =	vtrunc.f32 v19;
	v16 =	vcvt.f32.s32 v16  }
0x2ff: {  	[tilespmem:v11+s19+$0x0] =	vst.idx.add.f32.msk $0xffff, v2;
	v57 =	vmul.f32 $2.560000000e+02, v13;
	v58 =	vcvt.f32.s32 v18;
	v15 =	vadd.s32 v7, v15  }
0x300: {  	[tilespmem:v10+s19+$0x0] =	vst.idx.add.f32.msk $0xffff, v2;
	v59 =	vtrunc.f32 v17;
	v60 =	vcvt.f32.s32 v19;
	v16 =	vadd.s32 v7, v16  }
0x301: {  	[tilespmem:v9+s19+$0x0] =	vst.idx.add.f32.msk $0xffff, v2;
	v14 =	vtrunc.f32 v14;
	v61 =	vcvt.f32.s32 v59;
	v62 =	vadd.s32 v7, v58  }
0x302: {  	[tilespmem:v8+s19+$0x0] =	vst.idx.add.f32.msk $0xffff, v2;
	v11 =	vtrunc.f32 v57;
	v8 =	vcvt.f32.s32 v14;
	v63 =	vadd.s32 v7, v60  }
0x303: {  	[tilespmem:v12+s19+$0x0] =	vst.idx.add.f32.msk $0xffff, v2;
	v11 =	vcvt.f32.s32 v11;
	v9 =	vadd.s32 v7, v61  }
0x304: {  	s26 =	sadd.s32 $0x1, s26;
	v8 =	vadd.s32 v7, v8;
	[tilespmem:v15+s19+$0x0] =	vst.idx.add.f32.msk $0xffff, v2  }
0x305: {  	p0 =	sne.s32 s26, $0x8;
	v11 =	vadd.s32 v7, v11;
	[tilespmem:v16+s19+$0x0] =	vst.idx.add.f32.msk $0xffff, v2  }
.Ltmp18:
0x306: {  	[tilespmem:v62+s19+$0x0] =	vst.idx.add.f32.msk $0xffff, v2;
	(pc) =	sbr.rel @p0 .LBB2_34-.Ltmp18, $4  }
0x307: {  	[tilespmem:v63+s19+$0x0] =	vst.idx.add.f32.msk $0xffff, v2  }
0x308: {  	[tilespmem:v9+s19+$0x0] =	vst.idx.add.f32.msk $0xffff, v2  }
0x309: {  	[tilespmem:v8+s19+$0x0] =	vst.idx.add.f32.msk $0xffff, v2  }
0x30a: {  	[tilespmem:v11+s19+$0x0] =	vst.idx.add.f32.msk $0xffff, v2  }
0x30b: {  	s26 =	simm.s32 $0x0  }
0x30c: {  	v8 =	vld [tilespmem:s26+$0x8000]  }
0x30d: {  	v9 =	vld [tilespmem:s26+$0x8601];
	_ =	sdelay $0x1  }
0x30e: {  	v10 =	vld [tilespmem:s26+$0x8C02];
	_ =	sdelay $0x1  }
0x30f: {  	v11 =	vld [tilespmem:s26+$0x9203]  }
0x310: {  	v8 =	vadd.f32 v9, v8  }
0x311: {  	v9 =	vld [tilespmem:s26+$0x9804]  }
0x312: {  	v8 =	vadd.f32 v10, v8  }
0x313: {  	v10 =	vld [tilespmem:s26+$0x9E05]  }
0x314: {  	v8 =	vadd.f32 v11, v8  }
0x315: {  	v11 =	vld [tilespmem:s26+$0xA406]  }
0x316: {  	v8 =	vadd.f32 v9, v8  }
0x317: {  	v9 =	vld [tilespmem:s26+$0xAA07]  }
0x318: {  	s25 =	simm.s32 $0x10;
	v12 =	vld [tilespmem:s26+$0xB008];
	v8 =	vadd.f32 v10, v8  }
0x319: {  	v13 =	vld [tilespmem:s25+$0x8000]  }
0x31a: {  	v10 =	vld [tilespmem:s26+$0xB609];
	v8 =	vadd.f32 v11, v8  }
0x31b: {  	v11 =	vld [tilespmem:s25+$0x8601]  }
0x31c: {  	v14 =	vld [tilespmem:s25+$0x8C02];
	v8 =	vadd.f32 v9, v8  }
0x31d: {  	v9 =	vld [tilespmem:s26+$0xBC0A]  }
0x31e: {  	v15 =	vld [tilespmem:s25+$0x9203];
	v8 =	vadd.f32 v12, v8  }
0x31f: {  	v12 =	vld [tilespmem:s26+$0xC20B]  }
0x320: {  	v11 =	vadd.f32 v11, v13;
	v13 =	vld [tilespmem:s25+$0x9804];
	v8 =	vadd.f32 v10, v8  }
0x321: {  	v10 =	vld [tilespmem:s26+$0xC80C]  }
0x322: {  	v11 =	vadd.f32 v14, v11;
	v14 =	vld [tilespmem:s25+$0x9E05];
	v8 =	vadd.f32 v9, v8  }
0x323: {  	v9 =	vld [tilespmem:s26+$0xCE0D]  }
0x324: {  	v16 =	vld [tilespmem:s25+$0xA406];
	v11 =	vadd.f32 v15, v11;
	v8 =	vadd.f32 v12, v8  }
0x325: {  	v15 =	vld [tilespmem:s26+$0xD40E]  }
0x326: {  	v12 =	vadd.f32 v13, v11;
	v11 =	vld [tilespmem:s25+$0xAA07];
	v13 =	vadd.f32 v10, v8  }
0x327: {  	v10 =	vld [tilespmem:s26+$0xDA0F]  }
0x328: {  	v8 =	vld [tilespmem:s25+$0xB609];
	v14 =	vadd.f32 v14, v12;
	v17 =	vadd.f32 v9, v13  }
0x329: {  	s28 =	simm.s32 $0x20;
	v12 =	vld [tilespmem:s25+$0xB008]  }
0x32a: {  	s29 =	simm.s32 $0xC0;
	v9 =	vld [tilespmem:s28+$0x8000];
	v13 =	vadd.f32 v16, v14;
	v14 =	vadd.f32 v15, v17  }
.LBB2_40:
0x32b: {  	p0 =	sne.s32 s29, $0x17C0;
	v15 =	vld [tilespmem:s28+$0x8601]  }
0x32c: {  	v11 =	vadd.f32 v11, v13;
	v13 =	vld [tilespmem:s25+$0xBC0A];
	v10 =	vadd.f32 v10, v14  }
0x32d: {  	v14 =	vld [tilespmem:s28+$0x8C02]  }
0x32e: {  	v11 =	vadd.f32 v12, v11;
	v12 =	vld [tilespmem:s25+$0xC20B];
	[tilespmem:s26+$0xE080] =	vst v10;
	s26 =	smov.u32 s25;
	s25 =	smov.u32 s28  }
0x32f: {  	v10 =	vld [tilespmem:s25+$0x9203]  }
0x330: {  	v9 =	vadd.f32 v15, v9;
	v8 =	vadd.f32 v8, v11;
	v11 =	vld [tilespmem:s26+$0xC80C]  }
0x331: {  	v15 =	vld [tilespmem:s25+$0x9804]  }
0x332: {  	v9 =	vadd.f32 v14, v9;
	v8 =	vadd.f32 v13, v8;
	v13 =	vld [tilespmem:s26+$0xCE0D]  }
0x333: {  	v14 =	vld [tilespmem:s25+$0x9E05]  }
0x334: {  	v9 =	vadd.f32 v10, v9;
	v8 =	vadd.f32 v12, v8;
	v16 =	vld [tilespmem:s26+$0xD40E]  }
0x335: {  	v17 =	vld [tilespmem:s25+$0xA406]  }
.Ltmp19:
0x336: {  	v9 =	vadd.f32 v15, v9;
	v12 =	vadd.f32 v11, v8;
	v10 =	vld [tilespmem:s26+$0xDA0F];
	(pc) =	sbr.rel @p0 .LBB2_40-.Ltmp19, $4  }
0x337: {  	v11 =	vld [tilespmem:s25+$0xAA07]  }
0x338: {  	v14 =	vadd.f32 v14, v9;
	v8 =	vld [tilespmem:s25+$0xB609];
	v15 =	vadd.f32 v13, v12  }
0x339: {  	s28 =	sshra.s32 s29, $0x2;
	v12 =	vld [tilespmem:s25+$0xB008]  }
0x33a: {  	s29 =	sadd.s32 $0x40, s29;
	v9 =	vld [tilespmem:s28+$0x8000];
	v13 =	vadd.f32 v17, v14;
	v14 =	vadd.f32 v16, v15  }
0x33b: {  	v15 =	vld [tilespmem:s28+$0x8601]  }
0x33c: {  	v16 =	vld [tilespmem:s25+$0xBC0A];
	v10 =	vadd.f32 v10, v14  }
0x33d: {  	v47 =	vld [tilespmem:s28+$0x8C02]  }
0x33e: {  	v17 =	vld [tilespmem:s25+$0xC20B];
	v11 =	vadd.f32 v11, v13;
	[tilespmem:s26+$0xE080] =	vst v10  }
0x33f: {  	v10 =	vld [tilespmem:s28+$0x9203]  }
0x340: {  	v11 =	vadd.f32 v12, v11;
	v9 =	vadd.f32 v15, v9  }
0x341: {  	v48 =	vld [tilespmem:s28+$0x9804]  }
0x342: {  	v49 =	vld [tilespmem:s25+$0xC80C];
	v8 =	vadd.f32 v8, v11;
	v9 =	vadd.f32 v47, v9  }
0x343: {  	v50 =	vld [tilespmem:s28+$0x9E05]  }
0x344: {  	v51 =	vld [tilespmem:s25+$0xCE0D];
	v8 =	vadd.f32 v16, v8;
	v9 =	vadd.f32 v10, v9  }
0x345: {  	v52 =	vld [tilespmem:s28+$0xA406]  }
0x346: {  	v53 =	vld [tilespmem:s25+$0xD40E];
	v8 =	vadd.f32 v17, v8;
	v9 =	vadd.f32 v48, v9  }
0x347: {  	v54 =	vld [tilespmem:s28+$0xAA07]  }
0x348: {  	v55 =	vld [tilespmem:s25+$0xDA0F];
	v8 =	vadd.f32 v49, v8;
	v9 =	vadd.f32 v50, v9  }
0x349: {  	v56 =	vld [tilespmem:s28+$0xB008]  }
0x34a: {  	v8 =	vadd.f32 v51, v8;
	v9 =	vadd.f32 v52, v9  }
0x34b: {  	v57 =	vld [tilespmem:s28+$0xB609]  }
0x34c: {  	v8 =	vadd.f32 v53, v8;
	v9 =	vadd.f32 v54, v9  }
0x34d: {  	v58 =	vld [tilespmem:s28+$0xBC0A]  }
0x34e: {  	v8 =	vadd.f32 v55, v8;
	v9 =	vadd.f32 v56, v9  }
0x34f: {  	v59 =	vld [tilespmem:s28+$0xC20B]  }
0x350: {  	[tilespmem:s25+$0xE080] =	vst v8;
	v8 =	vadd.f32 v57, v9  }
0x351: {  	v60 =	vld [tilespmem:s28+$0xC80C]  }
0x352: {  	v8 =	vadd.f32 v58, v8  }
0x353: {  	v61 =	vld [tilespmem:s28+$0xCE0D]  }
0x354: {  	v8 =	vadd.f32 v59, v8  }
0x355: {  	v62 =	vld [tilespmem:s28+$0xD40E]  }
0x356: {  	v8 =	vadd.f32 v60, v8  }
0x357: {  	v63 =	vld [tilespmem:s28+$0xDA0F]  }
0x358: {  	v8 =	vadd.f32 v61, v8;
	_ =	sdelay $0x1  }
0x359: {  	v8 =	vadd.f32 v62, v8;
	_ =	sdelay $0x1  }
0x35a: {  	s4 =	sadd.s32 $0x1, s4;
	v8 =	vadd.f32 v63, v8  }
0x35b: {  	p0 =	sne.s32 s4, s16  }
.Ltmp20:
0x35c: {  	[tilespmem:s28+$0xE080] =	vst v8;
	(pc) =	sbr.rel @p0 .LBB2_1-.Ltmp20, $4  }
0x35d: {  	[hbm4b:s15+s21] =	stream.strided.scatter [tilespmem:s23], [sflag:$0x3], $0x600, s22, s21, $0x38;
	[tilespmem:$0xE680] =	vst v63  }
0x35e: {  	_ =	swait.ge [sflag:s24], $0x600  }
0x35f: {  	[sflag:s24] =	ssyncset.done $0x0  }
0x360: {  	[sflag:s24] =	ssyncadd.s32 $0xFFFFFA00  }
0x361: {  	_ =	sfence.sel $0x180000  }
0x362: {  	[bflag:$0x0] =	sbarrier.arrive $0xFFFF  }
0x363: {  	_ =	strace $0x90000047  }
0x364: {  	s0 =	stileid.u32;
	[bflag:$0x2] =	sbarrier.arrive $0xFFFF  }
0x365: {  	p0 =	sne.s32 s0, $0x0;
	s0 =	rddreg [dreg:$0x3]  }
0x366: {  	s0 =	sadd.s32 @!p0 $0x100000, s0  }
0x367: {  	[sflag:s0] =	ssyncadd.tile.s32 @!p0 $0x1;
	_ =	shalt  }
.Lfunc_end2:
_tile_overlayer_lowered:
.L_overlay_start_2:
0x368: {  	(tag) =	ssettag $0x2  }
0x369: {  	s0 =	rddreg [dreg:$0x0];
	s2 =	stileid.u32  }
0x36a: {  	s1 =	rddreg [dreg:$0x1];
	p0 =	sne.s32 s2, $0x0  }
0x36b: {  	s3 =	rddreg [dreg:$0x2];
	[bflag:$0x3] =	sbarrier.arrive $0xFFFF;
	s2 =	simm.s32 @!p0 $0x1C03  }
0x36c: {  	[timem:s3], [sflag:s2] =	dma.local @!p0 [hbm:s0], s1  }
0x36d: {  	s0 =	simm.s32 @!p0 $0x3  }
0x36e: {  	_ =	swait.ge @!p0 [sflag:s0], s1  }
0x36f: {  	s1 =	ssub.s32 @!p0 $0x0, s1;
	[sflag:s0] =	ssyncset.done @!p0 $0x0  }
0x370: {  	[sflag:s0] =	ssyncadd.s32 @!p0 s1  }
0x371: {  	[bflag:$0x3] =	sbarrier.arrive $0xFFFF  }
0x372: {  	_ =	shalt  }

</sc_bundles>
